<compile_context>
chip_gen: v7x
topology: tpu7x:2x2x1
jax: 0.10.2.dev20260603
libtpu: 0.0.44.dev20260713+nightly
codegen_flags: <defaults>
</compile_context>

<pallas_src>
import jax
import jax.numpy as jnp
from jax import lax
from jax.experimental import pallas as pl
from jax.experimental.pallas import tpu as pltpu
from jax.experimental.pallas import tpu_sc as plsc

N_NODES = 100000
N_EDGES = 1600000
NPAD = 102400
NC, NS = 2, 16
NW = NC * NS
PER_W = N_EDGES // NW
CHUNK = 5000
NCHUNK = PER_W // CHUNK
SLICE = NPAD // NS
CHUNK2 = 10000
NCHUNK2 = PER_W // CHUNK2

_f32 = jnp.float32


def _mesh():
    return plsc.VectorSubcoreMesh(
        core_axis_name="c", subcore_axis_name="s", num_cores=NC, num_subcores=NS
    )



DEG_PER_TILE = N_EDGES // NS
DEG_NCHUNK = DEG_PER_TILE // CHUNK


def _nrsqrt16(x):
    i = lax.bitcast_convert_type(x, jnp.int32)
    i = 0x5F3759DF - (i >> 1)
    y = lax.bitcast_convert_type(i, _f32)
    for _ in range(2):
        y = y * (1.5 - 0.5 * x * y * y)
    return y


def _l1_body(src_hbm, dst_hbm, x0_hbm, x1_hbm, zeros_hbm, ones_hbm,
             out_hbm, dinv_hbm,
             dacc, tab0, tab1, acc0, acc1,
             srcv0, srcv1, srcv2, dstv0, dstv1, dstv2,
             v00, v01, v10, v11, onesv, vdeg, vx0, vx1,
             sem_i, sem_g0, sem_g1, sem_s0, sem_s1):
    c = lax.axis_index("c")
    s = lax.axis_index("s")
    w = s * NC + c
    sl = pl.ds(s * SLICE, SLICE)
    dbuf = (dstv0, dstv1, dstv2)
    sem_s = (sem_s0, sem_s1)

    pltpu.sync_copy(zeros_hbm, dacc.at[sl])
    pltpu.sync_copy(ones_hbm, onesv)
    pre = (pltpu.async_copy(x0_hbm.at[sl], vx0, sem_g0),
           pltpu.async_copy(x1_hbm.at[sl], vx1, sem_g0),
           pltpu.async_copy(zeros_hbm, acc0.at[sl], sem_g0),
           pltpu.async_copy(zeros_hbm, acc1.at[sl], sem_g0))
    plsc.subcore_barrier()
    i_d = [None] * DEG_NCHUNK
    d_d = [None] * DEG_NCHUNK
    i_d[0] = pltpu.async_copy(
        dst_hbm.at[pl.ds(s * DEG_PER_TILE, CHUNK)], dbuf[0], sem_i)
    for k in range(DEG_NCHUNK):
        i_d[k].wait()
        if k >= 2:
            d_d[k - 2].wait()
        if k + 1 < DEG_NCHUNK:
            base = s * DEG_PER_TILE + (k + 1) * CHUNK
            i_d[k + 1] = pltpu.async_copy(
                dst_hbm.at[pl.ds(base, CHUNK)], dbuf[(k + 1) % 3], sem_i)
        d_d[k] = pltpu.async_copy(onesv, dacc.at[dbuf[k % 3]], sem_s[k % 2],
                                  add=True)
    d_d[DEG_NCHUNK - 2].wait()
    d_d[DEG_NCHUNK - 1].wait()
    srcv = (srcv0, srcv1, srcv2)
    dstv = (dstv0, dstv1, dstv2)
    i_as = [None] * NCHUNK
    i_bs = [None] * NCHUNK
    base0 = w * PER_W
    i_as[0] = pltpu.async_copy(src_hbm.at[pl.ds(base0, CHUNK)], srcv[0], sem_i)
    i_bs[0] = pltpu.async_copy(dst_hbm.at[pl.ds(base0, CHUNK)], dstv[0], sem_i)
    plsc.subcore_barrier()

    for d in pre:
        d.wait()
    pltpu.sync_copy(dacc.at[sl], vdeg)

    def pbody(i, carry):
        ds16 = pl.ds(i * 16, 16)
        dv = _nrsqrt16(vdeg[ds16] + 1.0)
        vdeg[ds16] = dv
        vx0[ds16] = dv * vx0[ds16]
        vx1[ds16] = dv * vx1[ds16]
        return carry

    lax.fori_loop(0, SLICE // 16, pbody, 0)
    t_d = (pltpu.async_copy(vx0, tab0.at[sl], sem_g0),
           pltpu.async_copy(vx1, tab1.at[sl], sem_g1))

    @pl.when(c == 0)
    def _():
        pltpu.sync_copy(vdeg, dinv_hbm.at[sl])

    for d in t_d:
        d.wait()
    plsc.subcore_barrier()

    v0 = (v00, v01)
    v1 = (v10, v11)
    sem_g = (sem_g0, sem_g1)
    sem_s = (sem_s0, sem_s1)

    g_d = [None] * NCHUNK
    s_d = [None] * NCHUNK
    for k in range(NCHUNK):
        vb = k % 2
        if k >= 2:
            for d in s_d[k - 2]:
                d.wait()
        if k >= 1:
            p = (k - 1) % 2
            pm = (k - 1) % 3
            for d in g_d[k - 1]:
                d.wait()
            s_d[k - 1] = (
                pltpu.async_copy(v0[p], acc0.at[dstv[pm]], sem_s[p], add=True),
                pltpu.async_copy(v1[p], acc1.at[dstv[pm]], sem_s[p], add=True))
        i_as[k].wait()
        i_bs[k].wait()
        if k + 1 < NCHUNK:
            nb = (k + 1) % 3
            base = w * PER_W + (k + 1) * CHUNK
            i_as[k + 1] = pltpu.async_copy(
                src_hbm.at[pl.ds(base, CHUNK)], srcv[nb], sem_i)
            i_bs[k + 1] = pltpu.async_copy(
                dst_hbm.at[pl.ds(base, CHUNK)], dstv[nb], sem_i)
        g_d[k] = (pltpu.async_copy(tab0.at[srcv[k % 3]], v0[vb], sem_g[vb]),
                  pltpu.async_copy(tab1.at[srcv[k % 3]], v1[vb], sem_g[vb]))
    p = (NCHUNK - 1) % 2
    pm = (NCHUNK - 1) % 3
    for d in g_d[NCHUNK - 1]:
        d.wait()
    s_d[NCHUNK - 1] = (
        pltpu.async_copy(v0[p], acc0.at[dstv[pm]], sem_s[p], add=True),
        pltpu.async_copy(v1[p], acc1.at[dstv[pm]], sem_s[p], add=True))
    for d in s_d[NCHUNK - 2]:
        d.wait()
    for d in s_d[NCHUNK - 1]:
        d.wait()
    plsc.subcore_barrier()
    pltpu.sync_copy(acc0.at[sl], out_hbm.at[c, 0, sl])
    pltpu.sync_copy(acc1.at[sl], out_hbm.at[c, 1, sl])


def _l2_body(src_hbm, dst_hbm, t0_hbm, zeros_hbm, out_hbm,
             tab, acc0, srcv0, srcv1, srcv2, dstv0, dstv1, dstv2, v00, v01,
             sem_i, sem_g0, sem_g1, sem_s0, sem_s1):
    c = lax.axis_index("c")
    s = lax.axis_index("s")
    w = s * NC + c
    sl = pl.ds(s * SLICE, SLICE)
    srcv = (srcv0, srcv1, srcv2)
    dstv = (dstv0, dstv1, dstv2)
    i_as = [None] * NCHUNK2
    i_bs = [None] * NCHUNK2
    base0 = w * PER_W
    i_as[0] = pltpu.async_copy(src_hbm.at[pl.ds(base0, CHUNK2)], srcv[0], sem_i)
    i_bs[0] = pltpu.async_copy(dst_hbm.at[pl.ds(base0, CHUNK2)], dstv[0], sem_i)
    t_d = (pltpu.async_copy(t0_hbm.at[sl], tab.at[sl], sem_g0),
           pltpu.async_copy(zeros_hbm, acc0.at[sl], sem_g1))
    for d in t_d:
        d.wait()
    plsc.subcore_barrier()

    v0 = (v00, v01)
    sem_g = (sem_g0, sem_g1)
    sem_s = (sem_s0, sem_s1)

    g_d = [None] * NCHUNK2
    s_d = [None] * NCHUNK2
    for k in range(NCHUNK2):
        vb = k % 2
        if k >= 2:
            s_d[k - 2].wait()
        if k >= 1:
            p = (k - 1) % 2
            pm = (k - 1) % 3
            g_d[k - 1].wait()
            s_d[k - 1] = pltpu.async_copy(
                v0[p], acc0.at[dstv[pm]], sem_s[p], add=True)
        i_as[k].wait()
        i_bs[k].wait()
        if k + 1 < NCHUNK2:
            nb = (k + 1) % 3
            base = w * PER_W + (k + 1) * CHUNK2
            i_as[k + 1] = pltpu.async_copy(
                src_hbm.at[pl.ds(base, CHUNK2)], srcv[nb], sem_i)
            i_bs[k + 1] = pltpu.async_copy(
                dst_hbm.at[pl.ds(base, CHUNK2)], dstv[nb], sem_i)
        g_d[k] = pltpu.async_copy(tab.at[srcv[k % 3]], v0[vb], sem_g[vb])
    p = (NCHUNK2 - 1) % 2
    pm = (NCHUNK2 - 1) % 3
    g_d[NCHUNK2 - 1].wait()
    s_d[NCHUNK2 - 1] = pltpu.async_copy(
        v0[p], acc0.at[dstv[pm]], sem_s[p], add=True)
    s_d[NCHUNK2 - 2].wait()
    s_d[NCHUNK2 - 1].wait()
    plsc.subcore_barrier()
    pltpu.sync_copy(acc0.at[sl], out_hbm.at[c, sl])


_l1_call = pl.kernel(
    _l1_body,
    out_type=(jax.ShapeDtypeStruct((NC, 2, NPAD), _f32),
              jax.ShapeDtypeStruct((NPAD,), _f32)),
    mesh=_mesh(),
    scratch_types=[
        pltpu.VMEM_SHARED((NPAD,), _f32),
        pltpu.VMEM_SHARED((NPAD,), _f32),
        pltpu.VMEM_SHARED((NPAD,), _f32),
        pltpu.VMEM_SHARED((NPAD,), _f32),
        pltpu.VMEM_SHARED((NPAD,), _f32),
        pltpu.VMEM((CHUNK,), jnp.int32),
        pltpu.VMEM((CHUNK,), jnp.int32),
        pltpu.VMEM((CHUNK,), jnp.int32),
        pltpu.VMEM((CHUNK,), jnp.int32),
        pltpu.VMEM((CHUNK,), jnp.int32),
        pltpu.VMEM((CHUNK,), jnp.int32),
        pltpu.VMEM((CHUNK,), _f32),
        pltpu.VMEM((CHUNK,), _f32),
        pltpu.VMEM((CHUNK,), _f32),
        pltpu.VMEM((CHUNK,), _f32),
        pltpu.VMEM((CHUNK,), _f32),
        pltpu.VMEM((SLICE,), _f32),
        pltpu.VMEM((SLICE,), _f32),
        pltpu.VMEM((SLICE,), _f32),
        pltpu.SemaphoreType.DMA,
        pltpu.SemaphoreType.DMA,
        pltpu.SemaphoreType.DMA,
        pltpu.SemaphoreType.DMA,
        pltpu.SemaphoreType.DMA,
    ],
)

_l2_call = pl.kernel(
    _l2_body,
    out_type=jax.ShapeDtypeStruct((NC, NPAD), _f32),
    mesh=_mesh(),
    scratch_types=[
        pltpu.VMEM_SHARED((NPAD,), _f32),
        pltpu.VMEM_SHARED((NPAD,), _f32),
        pltpu.VMEM((CHUNK2,), jnp.int32),
        pltpu.VMEM((CHUNK2,), jnp.int32),
        pltpu.VMEM((CHUNK2,), jnp.int32),
        pltpu.VMEM((CHUNK2,), jnp.int32),
        pltpu.VMEM((CHUNK2,), jnp.int32),
        pltpu.VMEM((CHUNK2,), jnp.int32),
        pltpu.VMEM((CHUNK2,), _f32),
        pltpu.VMEM((CHUNK2,), _f32),
        pltpu.SemaphoreType.DMA,
        pltpu.SemaphoreType.DMA,
        pltpu.SemaphoreType.DMA,
        pltpu.SemaphoreType.DMA,
        pltpu.SemaphoreType.DMA,
    ],
)



def _tc2_body(a1p, x0, x1, dinv, w1t, b1, w2t, z_o, y2_o):
    dv = dinv[...]
    d2 = dv * dv
    ap = a1p[0] + a1p[1]
    xx = jnp.concatenate([x0[...], x1[...]], axis=0)
    ax = dv * ap + d2 * xx
    h = jnp.dot(w1t[...], ax, preferred_element_type=_f32) + b1[...]
    h = jnp.maximum(h, 0.0)
    z = jnp.dot(w2t[...], h, preferred_element_type=_f32)
    z_o[...] = z
    y2_o[...] = dv * z


def _tc3_body(a2p, z, dinv, b2, out_o):
    dv = dinv[...]
    out_o[...] = dv * (a2p[0:1, :] + a2p[1:2, :] + dv * z[...]) + b2[...]


_tc2_call = pl.pallas_call(
    _tc2_body,
    out_shape=(
        jax.ShapeDtypeStruct((1, NPAD), _f32),
        jax.ShapeDtypeStruct((1, NPAD), _f32),
    ),
)

_tc3_call = pl.pallas_call(
    _tc3_body,
    out_shape=jax.ShapeDtypeStruct((1, NPAD), _f32),
)


def kernel(x, edge_index, W1, b1, W2, b2):
    src = edge_index[0].astype(jnp.int32)
    dst = edge_index[1].astype(jnp.int32)
    pad = NPAD - N_NODES
    x0 = jnp.pad(x[:, 0], (0, pad)).reshape(1, NPAD)
    x1 = jnp.pad(x[:, 1], (0, pad)).reshape(1, NPAD)
    zeros_h = jnp.zeros((SLICE,), _f32)
    ones_h = jnp.ones((CHUNK,), _f32)
    w1t = W1.T
    w2t = W2.T
    b1c = b1.reshape(64, 1)
    b2c = b2.reshape(1, 1)

    a1p, dinv = _l1_call(src, dst, x0.reshape(NPAD), x1.reshape(NPAD),
                         zeros_h, ones_h)
    dinv2 = dinv.reshape(1, NPAD)
    z, y2 = _tc2_call(a1p, x0, x1, dinv2, w1t, b1c, w2t)
    a2p = _l2_call(src, dst, y2.reshape(NPAD), zeros_h)
    out = _tc3_call(a2p, z, dinv2, b2c)
    return out.reshape(NPAD)[:N_NODES]

# --- scband reference (transcript-rebuilt; emitter-appended) ---
"""Pipeline reference for scband-gcnmodel-89893665506085 (READ-ONLY COPY).

The authoritative reference and input builder live on the scoring server;
editing this copy changes nothing except your own understanding.
"""

import jax, jax.numpy as jnp
import numpy as np

N_NODES = 100000
N_EDGES = 1600000
IN_DIM = 2
HID_DIM = 64
OUT_DIM = 1


def gcn_conv(x, edge_index, W, b, num_nodes):
    src = edge_index[0]
    dst = edge_index[1]
    # add self loops (PyG GCNConv default add_self_loops=True, fill_value=1)
    loop = jnp.arange(num_nodes, dtype=edge_index.dtype)
    src = jnp.concatenate([src, loop])
    dst = jnp.concatenate([dst, loop])
    ew = jnp.ones(src.shape[0], dtype=x.dtype)
    # symmetric normalization: deg over destination nodes
    deg = jax.ops.segment_sum(ew, dst, num_segments=num_nodes)
    dinv = jnp.where(deg > 0, deg ** -0.5, 0.0)
    norm = dinv[src] * ew * dinv[dst]
    xw = x @ W
    msg = xw[src] * norm[:, None]
    out = jax.ops.segment_sum(msg, dst, num_segments=num_nodes)
    return out + b


def setup_inputs(seed: int = 0) -> dict:
    key = jax.random.key(seed)
    k1, k2, k3, k4, k5, k6 = jax.random.split(key, 6)
    x = jax.random.normal(k1, (N_NODES, IN_DIM), dtype=jnp.float32)
    edge_index = jax.random.randint(k2, (2, N_EDGES), 0, N_NODES, dtype=jnp.int64)
    # glorot-style init for GCN linear weights, zero bias (PyG defaults)
    s1 = (6.0 / (IN_DIM + HID_DIM)) ** 0.5
    W1 = jax.random.uniform(k3, (IN_DIM, HID_DIM), dtype=jnp.float32, minval=-s1, maxval=s1)
    b1 = jnp.zeros((HID_DIM,), dtype=jnp.float32)
    s2 = (6.0 / (HID_DIM + OUT_DIM)) ** 0.5
    W2 = jax.random.uniform(k4, (HID_DIM, OUT_DIM), dtype=jnp.float32, minval=-s2, maxval=s2)
    b2 = jnp.zeros((OUT_DIM,), dtype=jnp.float32)
    return {"x": x, "edge_index": edge_index, "W1": W1, "b1": b1, "W2": W2, "b2": b2}


def reference(x, edge_index, W1, b1, W2, b2):
    # eval mode: dropout is identity
    h1 = gcn_conv(x, edge_index, W1, b1, N_NODES)
    h1 = jax.nn.relu(h1)
    h2 = gcn_conv(h1, edge_index, W2, b2, N_NODES)
    return jnp.squeeze(h2, axis=-1)

if __name__ == "__main__":
    import jax
    _d = setup_inputs()
    print(jax.jit(kernel)(*tuple(_d.values())))

</pallas_src>

<mosaic_0001>
#map = affine_map<(d0, d1) -> (0)>
#map1 = affine_map<(d0, d1) -> (0, 0, 0)>
module attributes {stable_mosaic.version = 14 : i64} {
  func.func @_l1_body(%arg0: i32, %arg1: i32, %arg2: memref<1600000xi32, #tpu.memory_space<hbm>>, %arg3: memref<1600000xi32, #tpu.memory_space<hbm>>, %arg4: memref<102400xf32, #tpu.memory_space<hbm>>, %arg5: memref<102400xf32, #tpu.memory_space<hbm>>, %arg6: memref<6400xf32, #tpu.memory_space<hbm>>, %arg7: memref<5000xf32, #tpu.memory_space<hbm>>, %arg8: memref<2x2x102400xf32, #tpu.memory_space<hbm>>, %arg9: memref<102400xf32, #tpu.memory_space<hbm>>, %arg10: memref<102400xf32, #tpu.memory_space<vmem_shared>>, %arg11: memref<102400xf32, #tpu.memory_space<vmem_shared>>, %arg12: memref<102400xf32, #tpu.memory_space<vmem_shared>>, %arg13: memref<102400xf32, #tpu.memory_space<vmem_shared>>, %arg14: memref<102400xf32, #tpu.memory_space<vmem_shared>>, %arg15: memref<5000xi32, #tpu.memory_space<vmem>>, %arg16: memref<5000xi32, #tpu.memory_space<vmem>>, %arg17: memref<5000xi32, #tpu.memory_space<vmem>>, %arg18: memref<5000xi32, #tpu.memory_space<vmem>>, %arg19: memref<5000xi32, #tpu.memory_space<vmem>>, %arg20: memref<5000xi32, #tpu.memory_space<vmem>>, %arg21: memref<5000xf32, #tpu.memory_space<vmem>>, %arg22: memref<5000xf32, #tpu.memory_space<vmem>>, %arg23: memref<5000xf32, #tpu.memory_space<vmem>>, %arg24: memref<5000xf32, #tpu.memory_space<vmem>>, %arg25: memref<5000xf32, #tpu.memory_space<vmem>>, %arg26: memref<6400xf32, #tpu.memory_space<vmem>>, %arg27: memref<6400xf32, #tpu.memory_space<vmem>>, %arg28: memref<6400xf32, #tpu.memory_space<vmem>>, %arg29: memref<!tpu.dma_semaphore, #tpu.memory_space<semaphore_mem>>, %arg30: memref<!tpu.dma_semaphore, #tpu.memory_space<semaphore_mem>>, %arg31: memref<!tpu.dma_semaphore, #tpu.memory_space<semaphore_mem>>, %arg32: memref<!tpu.dma_semaphore, #tpu.memory_space<semaphore_mem>>, %arg33: memref<!tpu.dma_semaphore, #tpu.memory_space<semaphore_mem>>) attributes {dimension_semantics = [#tpu.dimension_semantics<core_parallel>, #tpu.dimension_semantics<subcore_parallel>], iteration_bounds = array<i64: 2, 16>, scalar_prefetch = 0 : i64, scratch_operands = 24 : i64, tpu.core_type = #tpu.core_type<sc_vector_subcore>, window_params = [{transform_indices = #map}, {transform_indices = #map}, {transform_indices = #map}, {transform_indices = #map}, {transform_indices = #map}, {transform_indices = #map}, {transform_indices = #map1}, {transform_indices = #map}]} {
    %mul3A = arith.constant 2 : i32
    %mul3A_0 = arith.muli %arg1, %mul3A : i32
    %add3A = arith.addi %mul3A_0, %arg0 : i32
    %mul3A_1 = arith.constant 6400 : i32
    %mul3A_2 = arith.muli %arg1, %mul3A_1 : i32
    "tpu.region"() ({
      %run_scoped3A_548 = tpu.sem_alloc : memref<!tpu.dma_semaphore, #tpu.memory_space<semaphore_mem>>
      %dma_start3A_549 = tpu.memref_slice %arg10[%mul3A_2] : memref<102400xf32, #tpu.memory_space<vmem_shared>> -> memref<6400xf32, #tpu.memory_space<vmem_shared>>
      tpu.enqueue_dma source(%arg6 : memref<6400xf32, #tpu.memory_space<hbm>>) target(%dma_start3A_549 : memref<6400xf32, #tpu.memory_space<vmem_shared>>) target_semaphore(%run_scoped3A_548 : memref<!tpu.dma_semaphore, #tpu.memory_space<semaphore_mem>>)
      %dma_wait3A_550 = tpu.memref_slice %arg10[%mul3A_2] : memref<102400xf32, #tpu.memory_space<vmem_shared>> -> memref<6400xf32, #tpu.memory_space<vmem_shared>>
      tpu.wait_dma2 semaphore(%run_scoped3A_548 : memref<!tpu.dma_semaphore, #tpu.memory_space<semaphore_mem>>) src(%arg6 : memref<6400xf32, #tpu.memory_space<hbm>>) dst(%dma_wait3A_550 : memref<6400xf32, #tpu.memory_space<vmem_shared>>)
      tpu.yield
    }) : () -> ()
    "tpu.region"() ({
      %run_scoped3A_548 = tpu.sem_alloc : memref<!tpu.dma_semaphore, #tpu.memory_space<semaphore_mem>>
      tpu.enqueue_dma source(%arg7 : memref<5000xf32, #tpu.memory_space<hbm>>) target(%arg25 : memref<5000xf32, #tpu.memory_space<vmem>>) target_semaphore(%run_scoped3A_548 : memref<!tpu.dma_semaphore, #tpu.memory_space<semaphore_mem>>)
      tpu.wait_dma2 semaphore(%run_scoped3A_548 : memref<!tpu.dma_semaphore, #tpu.memory_space<semaphore_mem>>) src(%arg7 : memref<5000xf32, #tpu.memory_space<hbm>>) dst(%arg25 : memref<5000xf32, #tpu.memory_space<vmem>>)
      tpu.yield
    }) : () -> ()
    %dma_start3A = tpu.memref_slice %arg4[%mul3A_2] : memref<102400xf32, #tpu.memory_space<hbm>> -> memref<6400xf32, #tpu.memory_space<hbm>>
    %dma_start3A_3 = tpu.memref_slice %arg4[%mul3A_2] : memref<102400xf32, #tpu.memory_space<hbm>> -> memref<6400xf32, #tpu.memory_space<hbm>>
    tpu.enqueue_dma source(%dma_start3A_3 : memref<6400xf32, #tpu.memory_space<hbm>>) target(%arg27 : memref<6400xf32, #tpu.memory_space<vmem>>) target_semaphore(%arg30 : memref<!tpu.dma_semaphore, #tpu.memory_space<semaphore_mem>>)
    %dma_start3A_4 = tpu.memref_slice %arg5[%mul3A_2] : memref<102400xf32, #tpu.memory_space<hbm>> -> memref<6400xf32, #tpu.memory_space<hbm>>
    %dma_start3A_5 = tpu.memref_slice %arg5[%mul3A_2] : memref<102400xf32, #tpu.memory_space<hbm>> -> memref<6400xf32, #tpu.memory_space<hbm>>
    tpu.enqueue_dma source(%dma_start3A_5 : memref<6400xf32, #tpu.memory_space<hbm>>) target(%arg28 : memref<6400xf32, #tpu.memory_space<vmem>>) target_semaphore(%arg30 : memref<!tpu.dma_semaphore, #tpu.memory_space<semaphore_mem>>)
    %dma_start3A_6 = tpu.memref_slice %arg13[%mul3A_2] : memref<102400xf32, #tpu.memory_space<vmem_shared>> -> memref<6400xf32, #tpu.memory_space<vmem_shared>>
    tpu.enqueue_dma source(%arg6 : memref<6400xf32, #tpu.memory_space<hbm>>) target(%dma_start3A_6 : memref<6400xf32, #tpu.memory_space<vmem_shared>>) target_semaphore(%arg30 : memref<!tpu.dma_semaphore, #tpu.memory_space<semaphore_mem>>)
    %dma_start3A_7 = tpu.memref_slice %arg14[%mul3A_2] : memref<102400xf32, #tpu.memory_space<vmem_shared>> -> memref<6400xf32, #tpu.memory_space<vmem_shared>>
    tpu.enqueue_dma source(%arg6 : memref<6400xf32, #tpu.memory_space<hbm>>) target(%dma_start3A_7 : memref<6400xf32, #tpu.memory_space<vmem_shared>>) target_semaphore(%arg30 : memref<!tpu.dma_semaphore, #tpu.memory_space<semaphore_mem>>)
    %barrier3A = arith.constant 0 : index
    tpu.barrier barrier_id(%barrier3A)
    %mul3A_8 = arith.constant 100000 : i32
    %mul3A_9 = arith.muli %arg1, %mul3A_8 : i32
    %dma_start3A_10 = tpu.memref_slice %arg3[%mul3A_9] : memref<1600000xi32, #tpu.memory_space<hbm>> -> memref<5000xi32, #tpu.memory_space<hbm>>
    %dma_start3A_11 = tpu.memref_slice %arg3[%mul3A_9] : memref<1600000xi32, #tpu.memory_space<hbm>> -> memref<5000xi32, #tpu.memory_space<hbm>>
    tpu.enqueue_dma source(%dma_start3A_11 : memref<5000xi32, #tpu.memory_space<hbm>>) target(%arg18 : memref<5000xi32, #tpu.memory_space<vmem>>) target_semaphore(%arg29 : memref<!tpu.dma_semaphore, #tpu.memory_space<semaphore_mem>>)
    %dma_wait3A = tpu.memref_slice %arg3[%mul3A_9] : memref<1600000xi32, #tpu.memory_space<hbm>> -> memref<5000xi32, #tpu.memory_space<hbm>>
    %dma_wait3A_12 = tpu.memref_slice %arg3[%mul3A_9] : memref<1600000xi32, #tpu.memory_space<hbm>> -> memref<5000xi32, #tpu.memory_space<hbm>>
    tpu.wait_dma2 semaphore(%arg29 : memref<!tpu.dma_semaphore, #tpu.memory_space<semaphore_mem>>) src(%dma_wait3A_12 : memref<5000xi32, #tpu.memory_space<hbm>>) dst(%arg18 : memref<5000xi32, #tpu.memory_space<vmem>>)
    %mul3A_13 = arith.constant 100000 : i32
    %mul3A_14 = arith.muli %arg1, %mul3A_13 : i32
    %add3A_15 = arith.constant 5000 : i32
    %add3A_16 = arith.addi %mul3A_14, %add3A_15 : i32
    %dma_start3A_17 = tpu.memref_slice %arg3[%add3A_16] : memref<1600000xi32, #tpu.memory_space<hbm>> -> memref<5000xi32, #tpu.memory_space<hbm>>
    %dma_start3A_18 = tpu.memref_slice %arg3[%add3A_16] : memref<1600000xi32, #tpu.memory_space<hbm>> -> memref<5000xi32, #tpu.memory_space<hbm>>
    tpu.enqueue_dma source(%dma_start3A_18 : memref<5000xi32, #tpu.memory_space<hbm>>) target(%arg19 : memref<5000xi32, #tpu.memory_space<vmem>>) target_semaphore(%arg29 : memref<!tpu.dma_semaphore, #tpu.memory_space<semaphore_mem>>)
    %dma_start3A_19 = arith.constant 0 : i32
    %dma_start3A_20 = tpu.memref_slice %arg10[%dma_start3A_19] : memref<102400xf32, #tpu.memory_space<vmem_shared>> -> memref<102400xf32, #tpu.memory_space<vmem_shared>>
    tpu.enqueue_indirect_dma source(%arg25 : memref<5000xf32, #tpu.memory_space<vmem>>) target(%dma_start3A_20 : memref<102400xf32, #tpu.memory_space<vmem_shared>>) offsets(%arg18 : memref<5000xi32, #tpu.memory_space<vmem>>) semaphore(%arg32 : memref<!tpu.dma_semaphore, #tpu.memory_space<semaphore_mem>>) {add = true}
    %dma_wait3A_21 = tpu.memref_slice %arg3[%add3A_16] : memref<1600000xi32, #tpu.memory_space<hbm>> -> memref<5000xi32, #tpu.memory_space<hbm>>
    %dma_wait3A_22 = tpu.memref_slice %arg3[%add3A_16] : memref<1600000xi32, #tpu.memory_space<hbm>> -> memref<5000xi32, #tpu.memory_space<hbm>>
    tpu.wait_dma2 semaphore(%arg29 : memref<!tpu.dma_semaphore, #tpu.memory_space<semaphore_mem>>) src(%dma_wait3A_22 : memref<5000xi32, #tpu.memory_space<hbm>>) dst(%arg19 : memref<5000xi32, #tpu.memory_space<vmem>>)
    %mul3A_23 = arith.constant 100000 : i32
    %mul3A_24 = arith.muli %arg1, %mul3A_23 : i32
    %add3A_25 = arith.constant 10000 : i32
    %add3A_26 = arith.addi %mul3A_24, %add3A_25 : i32
    %dma_start3A_27 = tpu.memref_slice %arg3[%add3A_26] : memref<1600000xi32, #tpu.memory_space<hbm>> -> memref<5000xi32, #tpu.memory_space<hbm>>
    %dma_start3A_28 = tpu.memref_slice %arg3[%add3A_26] : memref<1600000xi32, #tpu.memory_space<hbm>> -> memref<5000xi32, #tpu.memory_space<hbm>>
    tpu.enqueue_dma source(%dma_start3A_28 : memref<5000xi32, #tpu.memory_space<hbm>>) target(%arg20 : memref<5000xi32, #tpu.memory_space<vmem>>) target_semaphore(%arg29 : memref<!tpu.dma_semaphore, #tpu.memory_space<semaphore_mem>>)
    %dma_start3A_29 = arith.constant 0 : i32
    %dma_start3A_30 = tpu.memref_slice %arg10[%dma_start3A_29] : memref<102400xf32, #tpu.memory_space<vmem_shared>> -> memref<102400xf32, #tpu.memory_space<vmem_shared>>
    tpu.enqueue_indirect_dma source(%arg25 : memref<5000xf32, #tpu.memory_space<vmem>>) target(%dma_start3A_30 : memref<102400xf32, #tpu.memory_space<vmem_shared>>) offsets(%arg19 : memref<5000xi32, #tpu.memory_space<vmem>>) semaphore(%arg33 : memref<!tpu.dma_semaphore, #tpu.memory_space<semaphore_mem>>) {add = true}
    %dma_wait3A_31 = tpu.memref_slice %arg3[%add3A_26] : memref<1600000xi32, #tpu.memory_space<hbm>> -> memref<5000xi32, #tpu.memory_space<hbm>>
    %dma_wait3A_32 = tpu.memref_slice %arg3[%add3A_26] : memref<1600000xi32, #tpu.memory_space<hbm>> -> memref<5000xi32, #tpu.memory_space<hbm>>
    tpu.wait_dma2 semaphore(%arg29 : memref<!tpu.dma_semaphore, #tpu.memory_space<semaphore_mem>>) src(%dma_wait3A_32 : memref<5000xi32, #tpu.memory_space<hbm>>) dst(%arg20 : memref<5000xi32, #tpu.memory_space<vmem>>)
    %dma_wait3A_33 = arith.constant 0 : i32
    %dma_wait3A_34 = tpu.memref_slice %arg10[%dma_wait3A_33] : memref<102400xf32, #tpu.memory_space<vmem_shared>> -> memref<102400xf32, #tpu.memory_space<vmem_shared>>
    tpu.wait_indirect_dma semaphore(%arg32 : memref<!tpu.dma_semaphore, #tpu.memory_space<semaphore_mem>>) src(%arg25 : memref<5000xf32, #tpu.memory_space<vmem>>) dst(%dma_wait3A_34 : memref<102400xf32, #tpu.memory_space<vmem_shared>>)
    %mul3A_35 = arith.constant 100000 : i32
    %mul3A_36 = arith.muli %arg1, %mul3A_35 : i32
    %add3A_37 = arith.constant 15000 : i32
    %add3A_38 = arith.addi %mul3A_36, %add3A_37 : i32
    %dma_start3A_39 = tpu.memref_slice %arg3[%add3A_38] : memref<1600000xi32, #tpu.memory_space<hbm>> -> memref<5000xi32, #tpu.memory_space<hbm>>
    %dma_start3A_40 = tpu.memref_slice %arg3[%add3A_38] : memref<1600000xi32, #tpu.memory_space<hbm>> -> memref<5000xi32, #tpu.memory_space<hbm>>
    tpu.enqueue_dma source(%dma_start3A_40 : memref<5000xi32, #tpu.memory_space<hbm>>) target(%arg18 : memref<5000xi32, #tpu.memory_space<vmem>>) target_semaphore(%arg29 : memref<!tpu.dma_semaphore, #tpu.memory_space<semaphore_mem>>)
    %dma_start3A_41 = arith.constant 0 : i32
    %dma_start3A_42 = tpu.memref_slice %arg10[%dma_start3A_41] : memref<102400xf32, #tpu.memory_space<vmem_shared>> -> memref<102400xf32, #tpu.memory_space<vmem_shared>>
    tpu.enqueue_indirect_dma source(%arg25 : memref<5000xf32, #tpu.memory_space<vmem>>) target(%dma_start3A_42 : memref<102400xf32, #tpu.memory_space<vmem_shared>>) offsets(%arg20 : memref<5000xi32, #tpu.memory_space<vmem>>) semaphore(%arg32 : memref<!tpu.dma_semaphore, #tpu.memory_space<semaphore_mem>>) {add = true}
    %dma_wait3A_43 = tpu.memref_slice %arg3[%add3A_38] : memref<1600000xi32, #tpu.memory_space<hbm>> -> memref<5000xi32, #tpu.memory_space<hbm>>
    %dma_wait3A_44 = tpu.memref_slice %arg3[%add3A_38] : memref<1600000xi32, #tpu.memory_space<hbm>> -> memref<5000xi32, #tpu.memory_space<hbm>>
    tpu.wait_dma2 semaphore(%arg29 : memref<!tpu.dma_semaphore, #tpu.memory_space<semaphore_mem>>) src(%dma_wait3A_44 : memref<5000xi32, #tpu.memory_space<hbm>>) dst(%arg18 : memref<5000xi32, #tpu.memory_space<vmem>>)
    %dma_wait3A_45 = arith.constant 0 : i32
    %dma_wait3A_46 = tpu.memref_slice %arg10[%dma_wait3A_45] : memref<102400xf32, #tpu.memory_space<vmem_shared>> -> memref<102400xf32, #tpu.memory_space<vmem_shared>>
    tpu.wait_indirect_dma semaphore(%arg33 : memref<!tpu.dma_semaphore, #tpu.memory_space<semaphore_mem>>) src(%arg25 : memref<5000xf32, #tpu.memory_space<vmem>>) dst(%dma_wait3A_46 : memref<102400xf32, #tpu.memory_space<vmem_shared>>)
    %mul3A_47 = arith.constant 100000 : i32
    %mul3A_48 = arith.muli %arg1, %mul3A_47 : i32
    %add3A_49 = arith.constant 20000 : i32
    %add3A_50 = arith.addi %mul3A_48, %add3A_49 : i32
    %dma_start3A_51 = tpu.memref_slice %arg3[%add3A_50] : memref<1600000xi32, #tpu.memory_space<hbm>> -> memref<5000xi32, #tpu.memory_space<hbm>>
    %dma_start3A_52 = tpu.memref_slice %arg3[%add3A_50] : memref<1600000xi32, #tpu.memory_space<hbm>> -> memref<5000xi32, #tpu.memory_space<hbm>>
    tpu.enqueue_dma source(%dma_start3A_52 : memref<5000xi32, #tpu.memory_space<hbm>>) target(%arg19 : memref<5000xi32, #tpu.memory_space<vmem>>) target_semaphore(%arg29 : memref<!tpu.dma_semaphore, #tpu.memory_space<semaphore_mem>>)
    %dma_start3A_53 = arith.constant 0 : i32
    %dma_start3A_54 = tpu.memref_slice %arg10[%dma_start3A_53] : memref<102400xf32, #tpu.memory_space<vmem_shared>> -> memref<102400xf32, #tpu.memory_space<vmem_shared>>
    tpu.enqueue_indirect_dma source(%arg25 : memref<5000xf32, #tpu.memory_space<vmem>>) target(%dma_start3A_54 : memref<102400xf32, #tpu.memory_space<vmem_shared>>) offsets(%arg18 : memref<5000xi32, #tpu.memory_space<vmem>>) semaphore(%arg33 : memref<!tpu.dma_semaphore, #tpu.memory_space<semaphore_mem>>) {add = true}
    %dma_wait3A_55 = tpu.memref_slice %arg3[%add3A_50] : memref<1600000xi32, #tpu.memory_space<hbm>> -> memref<5000xi32, #tpu.memory_space<hbm>>
    %dma_wait3A_56 = tpu.memref_slice %arg3[%add3A_50] : memref<1600000xi32, #tpu.memory_space<hbm>> -> memref<5000xi32, #tpu.memory_space<hbm>>
    tpu.wait_dma2 semaphore(%arg29 : memref<!tpu.dma_semaphore, #tpu.memory_space<semaphore_mem>>) src(%dma_wait3A_56 : memref<5000xi32, #tpu.memory_space<hbm>>) dst(%arg19 : memref<5000xi32, #tpu.memory_space<vmem>>)
    %dma_wait3A_57 = arith.constant 0 : i32
    %dma_wait3A_58 = tpu.memref_slice %arg10[%dma_wait3A_57] : memref<102400xf32, #tpu.memory_space<vmem_shared>> -> memref<102400xf32, #tpu.memory_space<vmem_shared>>
    tpu.wait_indirect_dma semaphore(%arg32 : memref<!tpu.dma_semaphore, #tpu.memory_space<semaphore_mem>>) src(%arg25 : memref<5000xf32, #tpu.memory_space<vmem>>) dst(%dma_wait3A_58 : memref<102400xf32, #tpu.memory_space<vmem_shared>>)
    %mul3A_59 = arith.constant 100000 : i32
    %mul3A_60 = arith.muli %arg1, %mul3A_59 : i32
    %add3A_61 = arith.constant 25000 : i32
    %add3A_62 = arith.addi %mul3A_60, %add3A_61 : i32
    %dma_start3A_63 = tpu.memref_slice %arg3[%add3A_62] : memref<1600000xi32, #tpu.memory_space<hbm>> -> memref<5000xi32, #tpu.memory_space<hbm>>
    %dma_start3A_64 = tpu.memref_slice %arg3[%add3A_62] : memref<1600000xi32, #tpu.memory_space<hbm>> -> memref<5000xi32, #tpu.memory_space<hbm>>
    tpu.enqueue_dma source(%dma_start3A_64 : memref<5000xi32, #tpu.memory_space<hbm>>) target(%arg20 : memref<5000xi32, #tpu.memory_space<vmem>>) target_semaphore(%arg29 : memref<!tpu.dma_semaphore, #tpu.memory_space<semaphore_mem>>)
    %dma_start3A_65 = arith.constant 0 : i32
    %dma_start3A_66 = tpu.memref_slice %arg10[%dma_start3A_65] : memref<102400xf32, #tpu.memory_space<vmem_shared>> -> memref<102400xf32, #tpu.memory_space<vmem_shared>>
    tpu.enqueue_indirect_dma source(%arg25 : memref<5000xf32, #tpu.memory_space<vmem>>) target(%dma_start3A_66 : memref<102400xf32, #tpu.memory_space<vmem_shared>>) offsets(%arg19 : memref<5000xi32, #tpu.memory_space<vmem>>) semaphore(%arg32 : memref<!tpu.dma_semaphore, #tpu.memory_space<semaphore_mem>>) {add = true}
    %dma_wait3A_67 = tpu.memref_slice %arg3[%add3A_62] : memref<1600000xi32, #tpu.memory_space<hbm>> -> memref<5000xi32, #tpu.memory_space<hbm>>
    %dma_wait3A_68 = tpu.memref_slice %arg3[%add3A_62] : memref<1600000xi32, #tpu.memory_space<hbm>> -> memref<5000xi32, #tpu.memory_space<hbm>>
    tpu.wait_dma2 semaphore(%arg29 : memref<!tpu.dma_semaphore, #tpu.memory_space<semaphore_mem>>) src(%dma_wait3A_68 : memref<5000xi32, #tpu.memory_space<hbm>>) dst(%arg20 : memref<5000xi32, #tpu.memory_space<vmem>>)
    %dma_wait3A_69 = arith.constant 0 : i32
    %dma_wait3A_70 = tpu.memref_slice %arg10[%dma_wait3A_69] : memref<102400xf32, #tpu.memory_space<vmem_shared>> -> memref<102400xf32, #tpu.memory_space<vmem_shared>>
    tpu.wait_indirect_dma semaphore(%arg33 : memref<!tpu.dma_semaphore, #tpu.memory_space<semaphore_mem>>) src(%arg25 : memref<5000xf32, #tpu.memory_space<vmem>>) dst(%dma_wait3A_70 : memref<102400xf32, #tpu.memory_space<vmem_shared>>)
    %mul3A_71 = arith.constant 100000 : i32
    %mul3A_72 = arith.muli %arg1, %mul3A_71 : i32
    %add3A_73 = arith.constant 30000 : i32
    %add3A_74 = arith.addi %mul3A_72, %add3A_73 : i32
    %dma_start3A_75 = tpu.memref_slice %arg3[%add3A_74] : memref<1600000xi32, #tpu.memory_space<hbm>> -> memref<5000xi32, #tpu.memory_space<hbm>>
    %dma_start3A_76 = tpu.memref_slice %arg3[%add3A_74] : memref<1600000xi32, #tpu.memory_space<hbm>> -> memref<5000xi32, #tpu.memory_space<hbm>>
    tpu.enqueue_dma source(%dma_start3A_76 : memref<5000xi32, #tpu.memory_space<hbm>>) target(%arg18 : memref<5000xi32, #tpu.memory_space<vmem>>) target_semaphore(%arg29 : memref<!tpu.dma_semaphore, #tpu.memory_space<semaphore_mem>>)
    %dma_start3A_77 = arith.constant 0 : i32
    %dma_start3A_78 = tpu.memref_slice %arg10[%dma_start3A_77] : memref<102400xf32, #tpu.memory_space<vmem_shared>> -> memref<102400xf32, #tpu.memory_space<vmem_shared>>
    tpu.enqueue_indirect_dma source(%arg25 : memref<5000xf32, #tpu.memory_space<vmem>>) target(%dma_start3A_78 : memref<102400xf32, #tpu.memory_space<vmem_shared>>) offsets(%arg20 : memref<5000xi32, #tpu.memory_space<vmem>>) semaphore(%arg33 : memref<!tpu.dma_semaphore, #tpu.memory_space<semaphore_mem>>) {add = true}
    %dma_wait3A_79 = tpu.memref_slice %arg3[%add3A_74] : memref<1600000xi32, #tpu.memory_space<hbm>> -> memref<5000xi32, #tpu.memory_space<hbm>>
    %dma_wait3A_80 = tpu.memref_slice %arg3[%add3A_74] : memref<1600000xi32, #tpu.memory_space<hbm>> -> memref<5000xi32, #tpu.memory_space<hbm>>
    tpu.wait_dma2 semaphore(%arg29 : memref<!tpu.dma_semaphore, #tpu.memory_space<semaphore_mem>>) src(%dma_wait3A_80 : memref<5000xi32, #tpu.memory_space<hbm>>) dst(%arg18 : memref<5000xi32, #tpu.memory_space<vmem>>)
    %dma_wait3A_81 = arith.constant 0 : i32
    %dma_wait3A_82 = tpu.memref_slice %arg10[%dma_wait3A_81] : memref<102400xf32, #tpu.memory_space<vmem_shared>> -> memref<102400xf32, #tpu.memory_space<vmem_shared>>
    tpu.wait_indirect_dma semaphore(%arg32 : memref<!tpu.dma_semaphore, #tpu.memory_space<semaphore_mem>>) src(%arg25 : memref<5000xf32, #tpu.memory_space<vmem>>) dst(%dma_wait3A_82 : memref<102400xf32, #tpu.memory_space<vmem_shared>>)
    %mul3A_83 = arith.constant 100000 : i32
    %mul3A_84 = arith.muli %arg1, %mul3A_83 : i32
    %add3A_85 = arith.constant 35000 : i32
    %add3A_86 = arith.addi %mul3A_84, %add3A_85 : i32
    %dma_start3A_87 = tpu.memref_slice %arg3[%add3A_86] : memref<1600000xi32, #tpu.memory_space<hbm>> -> memref<5000xi32, #tpu.memory_space<hbm>>
    %dma_start3A_88 = tpu.memref_slice %arg3[%add3A_86] : memref<1600000xi32, #tpu.memory_space<hbm>> -> memref<5000xi32, #tpu.memory_space<hbm>>
    tpu.enqueue_dma source(%dma_start3A_88 : memref<5000xi32, #tpu.memory_space<hbm>>) target(%arg19 : memref<5000xi32, #tpu.memory_space<vmem>>) target_semaphore(%arg29 : memref<!tpu.dma_semaphore, #tpu.memory_space<semaphore_mem>>)
    %dma_start3A_89 = arith.constant 0 : i32
    %dma_start3A_90 = tpu.memref_slice %arg10[%dma_start3A_89] : memref<102400xf32, #tpu.memory_space<vmem_shared>> -> memref<102400xf32, #tpu.memory_space<vmem_shared>>
    tpu.enqueue_indirect_dma source(%arg25 : memref<5000xf32, #tpu.memory_space<vmem>>) target(%dma_start3A_90 : memref<102400xf32, #tpu.memory_space<vmem_shared>>) offsets(%arg18 : memref<5000xi32, #tpu.memory_space<vmem>>) semaphore(%arg32 : memref<!tpu.dma_semaphore, #tpu.memory_space<semaphore_mem>>) {add = true}
    %dma_wait3A_91 = tpu.memref_slice %arg3[%add3A_86] : memref<1600000xi32, #tpu.memory_space<hbm>> -> memref<5000xi32, #tpu.memory_space<hbm>>
    %dma_wait3A_92 = tpu.memref_slice %arg3[%add3A_86] : memref<1600000xi32, #tpu.memory_space<hbm>> -> memref<5000xi32, #tpu.memory_space<hbm>>
    tpu.wait_dma2 semaphore(%arg29 : memref<!tpu.dma_semaphore, #tpu.memory_space<semaphore_mem>>) src(%dma_wait3A_92 : memref<5000xi32, #tpu.memory_space<hbm>>) dst(%arg19 : memref<5000xi32, #tpu.memory_space<vmem>>)
    %dma_wait3A_93 = arith.constant 0 : i32
    %dma_wait3A_94 = tpu.memref_slice %arg10[%dma_wait3A_93] : memref<102400xf32, #tpu.memory_space<vmem_shared>> -> memref<102400xf32, #tpu.memory_space<vmem_shared>>
    tpu.wait_indirect_dma semaphore(%arg33 : memref<!tpu.dma_semaphore, #tpu.memory_space<semaphore_mem>>) src(%arg25 : memref<5000xf32, #tpu.memory_space<vmem>>) dst(%dma_wait3A_94 : memref<102400xf32, #tpu.memory_space<vmem_shared>>)
    %mul3A_95 = arith.constant 100000 : i32
    %mul3A_96 = arith.muli %arg1, %mul3A_95 : i32
    %add3A_97 = arith.constant 40000 : i32
    %add3A_98 = arith.addi %mul3A_96, %add3A_97 : i32
    %dma_start3A_99 = tpu.memref_slice %arg3[%add3A_98] : memref<1600000xi32, #tpu.memory_space<hbm>> -> memref<5000xi32, #tpu.memory_space<hbm>>
    %dma_start3A_100 = tpu.memref_slice %arg3[%add3A_98] : memref<1600000xi32, #tpu.memory_space<hbm>> -> memref<5000xi32, #tpu.memory_space<hbm>>
    tpu.enqueue_dma source(%dma_start3A_100 : memref<5000xi32, #tpu.memory_space<hbm>>) target(%arg20 : memref<5000xi32, #tpu.memory_space<vmem>>) target_semaphore(%arg29 : memref<!tpu.dma_semaphore, #tpu.memory_space<semaphore_mem>>)
    %dma_start3A_101 = arith.constant 0 : i32
    %dma_start3A_102 = tpu.memref_slice %arg10[%dma_start3A_101] : memref<102400xf32, #tpu.memory_space<vmem_shared>> -> memref<102400xf32, #tpu.memory_space<vmem_shared>>
    tpu.enqueue_indirect_dma source(%arg25 : memref<5000xf32, #tpu.memory_space<vmem>>) target(%dma_start3A_102 : memref<102400xf32, #tpu.memory_space<vmem_shared>>) offsets(%arg19 : memref<5000xi32, #tpu.memory_space<vmem>>) semaphore(%arg33 : memref<!tpu.dma_semaphore, #tpu.memory_space<semaphore_mem>>) {add = true}
    %dma_wait3A_103 = tpu.memref_slice %arg3[%add3A_98] : memref<1600000xi32, #tpu.memory_space<hbm>> -> memref<5000xi32, #tpu.memory_space<hbm>>
    %dma_wait3A_104 = tpu.memref_slice %arg3[%add3A_98] : memref<1600000xi32, #tpu.memory_space<hbm>> -> memref<5000xi32, #tpu.memory_space<hbm>>
    tpu.wait_dma2 semaphore(%arg29 : memref<!tpu.dma_semaphore, #tpu.memory_space<semaphore_mem>>) src(%dma_wait3A_104 : memref<5000xi32, #tpu.memory_space<hbm>>) dst(%arg20 : memref<5000xi32, #tpu.memory_space<vmem>>)
    %dma_wait3A_105 = arith.constant 0 : i32
    %dma_wait3A_106 = tpu.memref_slice %arg10[%dma_wait3A_105] : memref<102400xf32, #tpu.memory_space<vmem_shared>> -> memref<102400xf32, #tpu.memory_space<vmem_shared>>
    tpu.wait_indirect_dma semaphore(%arg32 : memref<!tpu.dma_semaphore, #tpu.memory_space<semaphore_mem>>) src(%arg25 : memref<5000xf32, #tpu.memory_space<vmem>>) dst(%dma_wait3A_106 : memref<102400xf32, #tpu.memory_space<vmem_shared>>)
    %mul3A_107 = arith.constant 100000 : i32
    %mul3A_108 = arith.muli %arg1, %mul3A_107 : i32
    %add3A_109 = arith.constant 45000 : i32
    %add3A_110 = arith.addi %mul3A_108, %add3A_109 : i32
    %dma_start3A_111 = tpu.memref_slice %arg3[%add3A_110] : memref<1600000xi32, #tpu.memory_space<hbm>> -> memref<5000xi32, #tpu.memory_space<hbm>>
    %dma_start3A_112 = tpu.memref_slice %arg3[%add3A_110] : memref<1600000xi32, #tpu.memory_space<hbm>> -> memref<5000xi32, #tpu.memory_space<hbm>>
    tpu.enqueue_dma source(%dma_start3A_112 : memref<5000xi32, #tpu.memory_space<hbm>>) target(%arg18 : memref<5000xi32, #tpu.memory_space<vmem>>) target_semaphore(%arg29 : memref<!tpu.dma_semaphore, #tpu.memory_space<semaphore_mem>>)
    %dma_start3A_113 = arith.constant 0 : i32
    %dma_start3A_114 = tpu.memref_slice %arg10[%dma_start3A_113] : memref<102400xf32, #tpu.memory_space<vmem_shared>> -> memref<102400xf32, #tpu.memory_space<vmem_shared>>
    tpu.enqueue_indirect_dma source(%arg25 : memref<5000xf32, #tpu.memory_space<vmem>>) target(%dma_start3A_114 : memref<102400xf32, #tpu.memory_space<vmem_shared>>) offsets(%arg20 : memref<5000xi32, #tpu.memory_space<vmem>>) semaphore(%arg32 : memref<!tpu.dma_semaphore, #tpu.memory_space<semaphore_mem>>) {add = true}
    %dma_wait3A_115 = tpu.memref_slice %arg3[%add3A_110] : memref<1600000xi32, #tpu.memory_space<hbm>> -> memref<5000xi32, #tpu.memory_space<hbm>>
    %dma_wait3A_116 = tpu.memref_slice %arg3[%add3A_110] : memref<1600000xi32, #tpu.memory_space<hbm>> -> memref<5000xi32, #tpu.memory_space<hbm>>
    tpu.wait_dma2 semaphore(%arg29 : memref<!tpu.dma_semaphore, #tpu.memory_space<semaphore_mem>>) src(%dma_wait3A_116 : memref<5000xi32, #tpu.memory_space<hbm>>) dst(%arg18 : memref<5000xi32, #tpu.memory_space<vmem>>)
    %dma_wait3A_117 = arith.constant 0 : i32
    %dma_wait3A_118 = tpu.memref_slice %arg10[%dma_wait3A_117] : memref<102400xf32, #tpu.memory_space<vmem_shared>> -> memref<102400xf32, #tpu.memory_space<vmem_shared>>
    tpu.wait_indirect_dma semaphore(%arg33 : memref<!tpu.dma_semaphore, #tpu.memory_space<semaphore_mem>>) src(%arg25 : memref<5000xf32, #tpu.memory_space<vmem>>) dst(%dma_wait3A_118 : memref<102400xf32, #tpu.memory_space<vmem_shared>>)
    %mul3A_119 = arith.constant 100000 : i32
    %mul3A_120 = arith.muli %arg1, %mul3A_119 : i32
    %add3A_121 = arith.constant 50000 : i32
    %add3A_122 = arith.addi %mul3A_120, %add3A_121 : i32
    %dma_start3A_123 = tpu.memref_slice %arg3[%add3A_122] : memref<1600000xi32, #tpu.memory_space<hbm>> -> memref<5000xi32, #tpu.memory_space<hbm>>
    %dma_start3A_124 = tpu.memref_slice %arg3[%add3A_122] : memref<1600000xi32, #tpu.memory_space<hbm>> -> memref<5000xi32, #tpu.memory_space<hbm>>
    tpu.enqueue_dma source(%dma_start3A_124 : memref<5000xi32, #tpu.memory_space<hbm>>) target(%arg19 : memref<5000xi32, #tpu.memory_space<vmem>>) target_semaphore(%arg29 : memref<!tpu.dma_semaphore, #tpu.memory_space<semaphore_mem>>)
    %dma_start3A_125 = arith.constant 0 : i32
    %dma_start3A_126 = tpu.memref_slice %arg10[%dma_start3A_125] : memref<102400xf32, #tpu.memory_space<vmem_shared>> -> memref<102400xf32, #tpu.memory_space<vmem_shared>>
    tpu.enqueue_indirect_dma source(%arg25 : memref<5000xf32, #tpu.memory_space<vmem>>) target(%dma_start3A_126 : memref<102400xf32, #tpu.memory_space<vmem_shared>>) offsets(%arg18 : memref<5000xi32, #tpu.memory_space<vmem>>) semaphore(%arg33 : memref<!tpu.dma_semaphore, #tpu.memory_space<semaphore_mem>>) {add = true}
    %dma_wait3A_127 = tpu.memref_slice %arg3[%add3A_122] : memref<1600000xi32, #tpu.memory_space<hbm>> -> memref<5000xi32, #tpu.memory_space<hbm>>
    %dma_wait3A_128 = tpu.memref_slice %arg3[%add3A_122] : memref<1600000xi32, #tpu.memory_space<hbm>> -> memref<5000xi32, #tpu.memory_space<hbm>>
    tpu.wait_dma2 semaphore(%arg29 : memref<!tpu.dma_semaphore, #tpu.memory_space<semaphore_mem>>) src(%dma_wait3A_128 : memref<5000xi32, #tpu.memory_space<hbm>>) dst(%arg19 : memref<5000xi32, #tpu.memory_space<vmem>>)
    %dma_wait3A_129 = arith.constant 0 : i32
    %dma_wait3A_130 = tpu.memref_slice %arg10[%dma_wait3A_129] : memref<102400xf32, #tpu.memory_space<vmem_shared>> -> memref<102400xf32, #tpu.memory_space<vmem_shared>>
    tpu.wait_indirect_dma semaphore(%arg32 : memref<!tpu.dma_semaphore, #tpu.memory_space<semaphore_mem>>) src(%arg25 : memref<5000xf32, #tpu.memory_space<vmem>>) dst(%dma_wait3A_130 : memref<102400xf32, #tpu.memory_space<vmem_shared>>)
    %mul3A_131 = arith.constant 100000 : i32
    %mul3A_132 = arith.muli %arg1, %mul3A_131 : i32
    %add3A_133 = arith.constant 55000 : i32
    %add3A_134 = arith.addi %mul3A_132, %add3A_133 : i32
    %dma_start3A_135 = tpu.memref_slice %arg3[%add3A_134] : memref<1600000xi32, #tpu.memory_space<hbm>> -> memref<5000xi32, #tpu.memory_space<hbm>>
    %dma_start3A_136 = tpu.memref_slice %arg3[%add3A_134] : memref<1600000xi32, #tpu.memory_space<hbm>> -> memref<5000xi32, #tpu.memory_space<hbm>>
    tpu.enqueue_dma source(%dma_start3A_136 : memref<5000xi32, #tpu.memory_space<hbm>>) target(%arg20 : memref<5000xi32, #tpu.memory_space<vmem>>) target_semaphore(%arg29 : memref<!tpu.dma_semaphore, #tpu.memory_space<semaphore_mem>>)
    %dma_start3A_137 = arith.constant 0 : i32
    %dma_start3A_138 = tpu.memref_slice %arg10[%dma_start3A_137] : memref<102400xf32, #tpu.memory_space<vmem_shared>> -> memref<102400xf32, #tpu.memory_space<vmem_shared>>
    tpu.enqueue_indirect_dma source(%arg25 : memref<5000xf32, #tpu.memory_space<vmem>>) target(%dma_start3A_138 : memref<102400xf32, #tpu.memory_space<vmem_shared>>) offsets(%arg19 : memref<5000xi32, #tpu.memory_space<vmem>>) semaphore(%arg32 : memref<!tpu.dma_semaphore, #tpu.memory_space<semaphore_mem>>) {add = true}
    %dma_wait3A_139 = tpu.memref_slice %arg3[%add3A_134] : memref<1600000xi32, #tpu.memory_space<hbm>> -> memref<5000xi32, #tpu.memory_space<hbm>>
    %dma_wait3A_140 = tpu.memref_slice %arg3[%add3A_134] : memref<1600000xi32, #tpu.memory_space<hbm>> -> memref<5000xi32, #tpu.memory_space<hbm>>
    tpu.wait_dma2 semaphore(%arg29 : memref<!tpu.dma_semaphore, #tpu.memory_space<semaphore_mem>>) src(%dma_wait3A_140 : memref<5000xi32, #tpu.memory_space<hbm>>) dst(%arg20 : memref<5000xi32, #tpu.memory_space<vmem>>)
    %dma_wait3A_141 = arith.constant 0 : i32
    %dma_wait3A_142 = tpu.memref_slice %arg10[%dma_wait3A_141] : memref<102400xf32, #tpu.memory_space<vmem_shared>> -> memref<102400xf32, #tpu.memory_space<vmem_shared>>
    tpu.wait_indirect_dma semaphore(%arg33 : memref<!tpu.dma_semaphore, #tpu.memory_space<semaphore_mem>>) src(%arg25 : memref<5000xf32, #tpu.memory_space<vmem>>) dst(%dma_wait3A_142 : memref<102400xf32, #tpu.memory_space<vmem_shared>>)
    %mul3A_143 = arith.constant 100000 : i32
    %mul3A_144 = arith.muli %arg1, %mul3A_143 : i32
    %add3A_145 = arith.constant 60000 : i32
    %add3A_146 = arith.addi %mul3A_144, %add3A_145 : i32
    %dma_start3A_147 = tpu.memref_slice %arg3[%add3A_146] : memref<1600000xi32, #tpu.memory_space<hbm>> -> memref<5000xi32, #tpu.memory_space<hbm>>
    %dma_start3A_148 = tpu.memref_slice %arg3[%add3A_146] : memref<1600000xi32, #tpu.memory_space<hbm>> -> memref<5000xi32, #tpu.memory_space<hbm>>
    tpu.enqueue_dma source(%dma_start3A_148 : memref<5000xi32, #tpu.memory_space<hbm>>) target(%arg18 : memref<5000xi32, #tpu.memory_space<vmem>>) target_semaphore(%arg29 : memref<!tpu.dma_semaphore, #tpu.memory_space<semaphore_mem>>)
    %dma_start3A_149 = arith.constant 0 : i32
    %dma_start3A_150 = tpu.memref_slice %arg10[%dma_start3A_149] : memref<102400xf32, #tpu.memory_space<vmem_shared>> -> memref<102400xf32, #tpu.memory_space<vmem_shared>>
    tpu.enqueue_indirect_dma source(%arg25 : memref<5000xf32, #tpu.memory_space<vmem>>) target(%dma_start3A_150 : memref<102400xf32, #tpu.memory_space<vmem_shared>>) offsets(%arg20 : memref<5000xi32, #tpu.memory_space<vmem>>) semaphore(%arg33 : memref<!tpu.dma_semaphore, #tpu.memory_space<semaphore_mem>>) {add = true}
    %dma_wait3A_151 = tpu.memref_slice %arg3[%add3A_146] : memref<1600000xi32, #tpu.memory_space<hbm>> -> memref<5000xi32, #tpu.memory_space<hbm>>
    %dma_wait3A_152 = tpu.memref_slice %arg3[%add3A_146] : memref<1600000xi32, #tpu.memory_space<hbm>> -> memref<5000xi32, #tpu.memory_space<hbm>>
    tpu.wait_dma2 semaphore(%arg29 : memref<!tpu.dma_semaphore, #tpu.memory_space<semaphore_mem>>) src(%dma_wait3A_152 : memref<5000xi32, #tpu.memory_space<hbm>>) dst(%arg18 : memref<5000xi32, #tpu.memory_space<vmem>>)
    %dma_wait3A_153 = arith.constant 0 : i32
    %dma_wait3A_154 = tpu.memref_slice %arg10[%dma_wait3A_153] : memref<102400xf32, #tpu.memory_space<vmem_shared>> -> memref<102400xf32, #tpu.memory_space<vmem_shared>>
    tpu.wait_indirect_dma semaphore(%arg32 : memref<!tpu.dma_semaphore, #tpu.memory_space<semaphore_mem>>) src(%arg25 : memref<5000xf32, #tpu.memory_space<vmem>>) dst(%dma_wait3A_154 : memref<102400xf32, #tpu.memory_space<vmem_shared>>)
    %mul3A_155 = arith.constant 100000 : i32
    %mul3A_156 = arith.muli %arg1, %mul3A_155 : i32
    %add3A_157 = arith.constant 65000 : i32
    %add3A_158 = arith.addi %mul3A_156, %add3A_157 : i32
    %dma_start3A_159 = tpu.memref_slice %arg3[%add3A_158] : memref<1600000xi32, #tpu.memory_space<hbm>> -> memref<5000xi32, #tpu.memory_space<hbm>>
    %dma_start3A_160 = tpu.memref_slice %arg3[%add3A_158] : memref<1600000xi32, #tpu.memory_space<hbm>> -> memref<5000xi32, #tpu.memory_space<hbm>>
    tpu.enqueue_dma source(%dma_start3A_160 : memref<5000xi32, #tpu.memory_space<hbm>>) target(%arg19 : memref<5000xi32, #tpu.memory_space<vmem>>) target_semaphore(%arg29 : memref<!tpu.dma_semaphore, #tpu.memory_space<semaphore_mem>>)
    %dma_start3A_161 = arith.constant 0 : i32
    %dma_start3A_162 = tpu.memref_slice %arg10[%dma_start3A_161] : memref<102400xf32, #tpu.memory_space<vmem_shared>> -> memref<102400xf32, #tpu.memory_space<vmem_shared>>
    tpu.enqueue_indirect_dma source(%arg25 : memref<5000xf32, #tpu.memory_space<vmem>>) target(%dma_start3A_162 : memref<102400xf32, #tpu.memory_space<vmem_shared>>) offsets(%arg18 : memref<5000xi32, #tpu.memory_space<vmem>>) semaphore(%arg32 : memref<!tpu.dma_semaphore, #tpu.memory_space<semaphore_mem>>) {add = true}
    %dma_wait3A_163 = tpu.memref_slice %arg3[%add3A_158] : memref<1600000xi32, #tpu.memory_space<hbm>> -> memref<5000xi32, #tpu.memory_space<hbm>>
    %dma_wait3A_164 = tpu.memref_slice %arg3[%add3A_158] : memref<1600000xi32, #tpu.memory_space<hbm>> -> memref<5000xi32, #tpu.memory_space<hbm>>
    tpu.wait_dma2 semaphore(%arg29 : memref<!tpu.dma_semaphore, #tpu.memory_space<semaphore_mem>>) src(%dma_wait3A_164 : memref<5000xi32, #tpu.memory_space<hbm>>) dst(%arg19 : memref<5000xi32, #tpu.memory_space<vmem>>)
    %dma_wait3A_165 = arith.constant 0 : i32
    %dma_wait3A_166 = tpu.memref_slice %arg10[%dma_wait3A_165] : memref<102400xf32, #tpu.memory_space<vmem_shared>> -> memref<102400xf32, #tpu.memory_space<vmem_shared>>
    tpu.wait_indirect_dma semaphore(%arg33 : memref<!tpu.dma_semaphore, #tpu.memory_space<semaphore_mem>>) src(%arg25 : memref<5000xf32, #tpu.memory_space<vmem>>) dst(%dma_wait3A_166 : memref<102400xf32, #tpu.memory_space<vmem_shared>>)
    %mul3A_167 = arith.constant 100000 : i32
    %mul3A_168 = arith.muli %arg1, %mul3A_167 : i32
    %add3A_169 = arith.constant 70000 : i32
    %add3A_170 = arith.addi %mul3A_168, %add3A_169 : i32
    %dma_start3A_171 = tpu.memref_slice %arg3[%add3A_170] : memref<1600000xi32, #tpu.memory_space<hbm>> -> memref<5000xi32, #tpu.memory_space<hbm>>
    %dma_start3A_172 = tpu.memref_slice %arg3[%add3A_170] : memref<1600000xi32, #tpu.memory_space<hbm>> -> memref<5000xi32, #tpu.memory_space<hbm>>
    tpu.enqueue_dma source(%dma_start3A_172 : memref<5000xi32, #tpu.memory_space<hbm>>) target(%arg20 : memref<5000xi32, #tpu.memory_space<vmem>>) target_semaphore(%arg29 : memref<!tpu.dma_semaphore, #tpu.memory_space<semaphore_mem>>)
    %dma_start3A_173 = arith.constant 0 : i32
    %dma_start3A_174 = tpu.memref_slice %arg10[%dma_start3A_173] : memref<102400xf32, #tpu.memory_space<vmem_shared>> -> memref<102400xf32, #tpu.memory_space<vmem_shared>>
    tpu.enqueue_indirect_dma source(%arg25 : memref<5000xf32, #tpu.memory_space<vmem>>) target(%dma_start3A_174 : memref<102400xf32, #tpu.memory_space<vmem_shared>>) offsets(%arg19 : memref<5000xi32, #tpu.memory_space<vmem>>) semaphore(%arg33 : memref<!tpu.dma_semaphore, #tpu.memory_space<semaphore_mem>>) {add = true}
    %dma_wait3A_175 = tpu.memref_slice %arg3[%add3A_170] : memref<1600000xi32, #tpu.memory_space<hbm>> -> memref<5000xi32, #tpu.memory_space<hbm>>
    %dma_wait3A_176 = tpu.memref_slice %arg3[%add3A_170] : memref<1600000xi32, #tpu.memory_space<hbm>> -> memref<5000xi32, #tpu.memory_space<hbm>>
    tpu.wait_dma2 semaphore(%arg29 : memref<!tpu.dma_semaphore, #tpu.memory_space<semaphore_mem>>) src(%dma_wait3A_176 : memref<5000xi32, #tpu.memory_space<hbm>>) dst(%arg20 : memref<5000xi32, #tpu.memory_space<vmem>>)
    %dma_wait3A_177 = arith.constant 0 : i32
    %dma_wait3A_178 = tpu.memref_slice %arg10[%dma_wait3A_177] : memref<102400xf32, #tpu.memory_space<vmem_shared>> -> memref<102400xf32, #tpu.memory_space<vmem_shared>>
    tpu.wait_indirect_dma semaphore(%arg32 : memref<!tpu.dma_semaphore, #tpu.memory_space<semaphore_mem>>) src(%arg25 : memref<5000xf32, #tpu.memory_space<vmem>>) dst(%dma_wait3A_178 : memref<102400xf32, #tpu.memory_space<vmem_shared>>)
    %mul3A_179 = arith.constant 100000 : i32
    %mul3A_180 = arith.muli %arg1, %mul3A_179 : i32
    %add3A_181 = arith.constant 75000 : i32
    %add3A_182 = arith.addi %mul3A_180, %add3A_181 : i32
    %dma_start3A_183 = tpu.memref_slice %arg3[%add3A_182] : memref<1600000xi32, #tpu.memory_space<hbm>> -> memref<5000xi32, #tpu.memory_space<hbm>>
    %dma_start3A_184 = tpu.memref_slice %arg3[%add3A_182] : memref<1600000xi32, #tpu.memory_space<hbm>> -> memref<5000xi32, #tpu.memory_space<hbm>>
    tpu.enqueue_dma source(%dma_start3A_184 : memref<5000xi32, #tpu.memory_space<hbm>>) target(%arg18 : memref<5000xi32, #tpu.memory_space<vmem>>) target_semaphore(%arg29 : memref<!tpu.dma_semaphore, #tpu.memory_space<semaphore_mem>>)
    %dma_start3A_185 = arith.constant 0 : i32
    %dma_start3A_186 = tpu.memref_slice %arg10[%dma_start3A_185] : memref<102400xf32, #tpu.memory_space<vmem_shared>> -> memref<102400xf32, #tpu.memory_space<vmem_shared>>
    tpu.enqueue_indirect_dma source(%arg25 : memref<5000xf32, #tpu.memory_space<vmem>>) target(%dma_start3A_186 : memref<102400xf32, #tpu.memory_space<vmem_shared>>) offsets(%arg20 : memref<5000xi32, #tpu.memory_space<vmem>>) semaphore(%arg32 : memref<!tpu.dma_semaphore, #tpu.memory_space<semaphore_mem>>) {add = true}
    %dma_wait3A_187 = tpu.memref_slice %arg3[%add3A_182] : memref<1600000xi32, #tpu.memory_space<hbm>> -> memref<5000xi32, #tpu.memory_space<hbm>>
    %dma_wait3A_188 = tpu.memref_slice %arg3[%add3A_182] : memref<1600000xi32, #tpu.memory_space<hbm>> -> memref<5000xi32, #tpu.memory_space<hbm>>
    tpu.wait_dma2 semaphore(%arg29 : memref<!tpu.dma_semaphore, #tpu.memory_space<semaphore_mem>>) src(%dma_wait3A_188 : memref<5000xi32, #tpu.memory_space<hbm>>) dst(%arg18 : memref<5000xi32, #tpu.memory_space<vmem>>)
    %dma_wait3A_189 = arith.constant 0 : i32
    %dma_wait3A_190 = tpu.memref_slice %arg10[%dma_wait3A_189] : memref<102400xf32, #tpu.memory_space<vmem_shared>> -> memref<102400xf32, #tpu.memory_space<vmem_shared>>
    tpu.wait_indirect_dma semaphore(%arg33 : memref<!tpu.dma_semaphore, #tpu.memory_space<semaphore_mem>>) src(%arg25 : memref<5000xf32, #tpu.memory_space<vmem>>) dst(%dma_wait3A_190 : memref<102400xf32, #tpu.memory_space<vmem_shared>>)
    %mul3A_191 = arith.constant 100000 : i32
    %mul3A_192 = arith.muli %arg1, %mul3A_191 : i32
    %add3A_193 = arith.constant 80000 : i32
    %add3A_194 = arith.addi %mul3A_192, %add3A_193 : i32
    %dma_start3A_195 = tpu.memref_slice %arg3[%add3A_194] : memref<1600000xi32, #tpu.memory_space<hbm>> -> memref<5000xi32, #tpu.memory_space<hbm>>
    %dma_start3A_196 = tpu.memref_slice %arg3[%add3A_194] : memref<1600000xi32, #tpu.memory_space<hbm>> -> memref<5000xi32, #tpu.memory_space<hbm>>
    tpu.enqueue_dma source(%dma_start3A_196 : memref<5000xi32, #tpu.memory_space<hbm>>) target(%arg19 : memref<5000xi32, #tpu.memory_space<vmem>>) target_semaphore(%arg29 : memref<!tpu.dma_semaphore, #tpu.memory_space<semaphore_mem>>)
    %dma_start3A_197 = arith.constant 0 : i32
    %dma_start3A_198 = tpu.memref_slice %arg10[%dma_start3A_197] : memref<102400xf32, #tpu.memory_space<vmem_shared>> -> memref<102400xf32, #tpu.memory_space<vmem_shared>>
    tpu.enqueue_indirect_dma source(%arg25 : memref<5000xf32, #tpu.memory_space<vmem>>) target(%dma_start3A_198 : memref<102400xf32, #tpu.memory_space<vmem_shared>>) offsets(%arg18 : memref<5000xi32, #tpu.memory_space<vmem>>) semaphore(%arg33 : memref<!tpu.dma_semaphore, #tpu.memory_space<semaphore_mem>>) {add = true}
    %dma_wait3A_199 = tpu.memref_slice %arg3[%add3A_194] : memref<1600000xi32, #tpu.memory_space<hbm>> -> memref<5000xi32, #tpu.memory_space<hbm>>
    %dma_wait3A_200 = tpu.memref_slice %arg3[%add3A_194] : memref<1600000xi32, #tpu.memory_space<hbm>> -> memref<5000xi32, #tpu.memory_space<hbm>>
    tpu.wait_dma2 semaphore(%arg29 : memref<!tpu.dma_semaphore, #tpu.memory_space<semaphore_mem>>) src(%dma_wait3A_200 : memref<5000xi32, #tpu.memory_space<hbm>>) dst(%arg19 : memref<5000xi32, #tpu.memory_space<vmem>>)
    %dma_wait3A_201 = arith.constant 0 : i32
    %dma_wait3A_202 = tpu.memref_slice %arg10[%dma_wait3A_201] : memref<102400xf32, #tpu.memory_space<vmem_shared>> -> memref<102400xf32, #tpu.memory_space<vmem_shared>>
    tpu.wait_indirect_dma semaphore(%arg32 : memref<!tpu.dma_semaphore, #tpu.memory_space<semaphore_mem>>) src(%arg25 : memref<5000xf32, #tpu.memory_space<vmem>>) dst(%dma_wait3A_202 : memref<102400xf32, #tpu.memory_space<vmem_shared>>)
    %mul3A_203 = arith.constant 100000 : i32
    %mul3A_204 = arith.muli %arg1, %mul3A_203 : i32
    %add3A_205 = arith.constant 85000 : i32
    %add3A_206 = arith.addi %mul3A_204, %add3A_205 : i32
    %dma_start3A_207 = tpu.memref_slice %arg3[%add3A_206] : memref<1600000xi32, #tpu.memory_space<hbm>> -> memref<5000xi32, #tpu.memory_space<hbm>>
    %dma_start3A_208 = tpu.memref_slice %arg3[%add3A_206] : memref<1600000xi32, #tpu.memory_space<hbm>> -> memref<5000xi32, #tpu.memory_space<hbm>>
    tpu.enqueue_dma source(%dma_start3A_208 : memref<5000xi32, #tpu.memory_space<hbm>>) target(%arg20 : memref<5000xi32, #tpu.memory_space<vmem>>) target_semaphore(%arg29 : memref<!tpu.dma_semaphore, #tpu.memory_space<semaphore_mem>>)
    %dma_start3A_209 = arith.constant 0 : i32
    %dma_start3A_210 = tpu.memref_slice %arg10[%dma_start3A_209] : memref<102400xf32, #tpu.memory_space<vmem_shared>> -> memref<102400xf32, #tpu.memory_space<vmem_shared>>
    tpu.enqueue_indirect_dma source(%arg25 : memref<5000xf32, #tpu.memory_space<vmem>>) target(%dma_start3A_210 : memref<102400xf32, #tpu.memory_space<vmem_shared>>) offsets(%arg19 : memref<5000xi32, #tpu.memory_space<vmem>>) semaphore(%arg32 : memref<!tpu.dma_semaphore, #tpu.memory_space<semaphore_mem>>) {add = true}
    %dma_wait3A_211 = tpu.memref_slice %arg3[%add3A_206] : memref<1600000xi32, #tpu.memory_space<hbm>> -> memref<5000xi32, #tpu.memory_space<hbm>>
    %dma_wait3A_212 = tpu.memref_slice %arg3[%add3A_206] : memref<1600000xi32, #tpu.memory_space<hbm>> -> memref<5000xi32, #tpu.memory_space<hbm>>
    tpu.wait_dma2 semaphore(%arg29 : memref<!tpu.dma_semaphore, #tpu.memory_space<semaphore_mem>>) src(%dma_wait3A_212 : memref<5000xi32, #tpu.memory_space<hbm>>) dst(%arg20 : memref<5000xi32, #tpu.memory_space<vmem>>)
    %dma_wait3A_213 = arith.constant 0 : i32
    %dma_wait3A_214 = tpu.memref_slice %arg10[%dma_wait3A_213] : memref<102400xf32, #tpu.memory_space<vmem_shared>> -> memref<102400xf32, #tpu.memory_space<vmem_shared>>
    tpu.wait_indirect_dma semaphore(%arg33 : memref<!tpu.dma_semaphore, #tpu.memory_space<semaphore_mem>>) src(%arg25 : memref<5000xf32, #tpu.memory_space<vmem>>) dst(%dma_wait3A_214 : memref<102400xf32, #tpu.memory_space<vmem_shared>>)
    %mul3A_215 = arith.constant 100000 : i32
    %mul3A_216 = arith.muli %arg1, %mul3A_215 : i32
    %add3A_217 = arith.constant 90000 : i32
    %add3A_218 = arith.addi %mul3A_216, %add3A_217 : i32
    %dma_start3A_219 = tpu.memref_slice %arg3[%add3A_218] : memref<1600000xi32, #tpu.memory_space<hbm>> -> memref<5000xi32, #tpu.memory_space<hbm>>
    %dma_start3A_220 = tpu.memref_slice %arg3[%add3A_218] : memref<1600000xi32, #tpu.memory_space<hbm>> -> memref<5000xi32, #tpu.memory_space<hbm>>
    tpu.enqueue_dma source(%dma_start3A_220 : memref<5000xi32, #tpu.memory_space<hbm>>) target(%arg18 : memref<5000xi32, #tpu.memory_space<vmem>>) target_semaphore(%arg29 : memref<!tpu.dma_semaphore, #tpu.memory_space<semaphore_mem>>)
    %dma_start3A_221 = arith.constant 0 : i32
    %dma_start3A_222 = tpu.memref_slice %arg10[%dma_start3A_221] : memref<102400xf32, #tpu.memory_space<vmem_shared>> -> memref<102400xf32, #tpu.memory_space<vmem_shared>>
    tpu.enqueue_indirect_dma source(%arg25 : memref<5000xf32, #tpu.memory_space<vmem>>) target(%dma_start3A_222 : memref<102400xf32, #tpu.memory_space<vmem_shared>>) offsets(%arg20 : memref<5000xi32, #tpu.memory_space<vmem>>) semaphore(%arg33 : memref<!tpu.dma_semaphore, #tpu.memory_space<semaphore_mem>>) {add = true}
    %dma_wait3A_223 = tpu.memref_slice %arg3[%add3A_218] : memref<1600000xi32, #tpu.memory_space<hbm>> -> memref<5000xi32, #tpu.memory_space<hbm>>
    %dma_wait3A_224 = tpu.memref_slice %arg3[%add3A_218] : memref<1600000xi32, #tpu.memory_space<hbm>> -> memref<5000xi32, #tpu.memory_space<hbm>>
    tpu.wait_dma2 semaphore(%arg29 : memref<!tpu.dma_semaphore, #tpu.memory_space<semaphore_mem>>) src(%dma_wait3A_224 : memref<5000xi32, #tpu.memory_space<hbm>>) dst(%arg18 : memref<5000xi32, #tpu.memory_space<vmem>>)
    %dma_wait3A_225 = arith.constant 0 : i32
    %dma_wait3A_226 = tpu.memref_slice %arg10[%dma_wait3A_225] : memref<102400xf32, #tpu.memory_space<vmem_shared>> -> memref<102400xf32, #tpu.memory_space<vmem_shared>>
    tpu.wait_indirect_dma semaphore(%arg32 : memref<!tpu.dma_semaphore, #tpu.memory_space<semaphore_mem>>) src(%arg25 : memref<5000xf32, #tpu.memory_space<vmem>>) dst(%dma_wait3A_226 : memref<102400xf32, #tpu.memory_space<vmem_shared>>)
    %mul3A_227 = arith.constant 100000 : i32
    %mul3A_228 = arith.muli %arg1, %mul3A_227 : i32
    %add3A_229 = arith.constant 95000 : i32
    %add3A_230 = arith.addi %mul3A_228, %add3A_229 : i32
    %dma_start3A_231 = tpu.memref_slice %arg3[%add3A_230] : memref<1600000xi32, #tpu.memory_space<hbm>> -> memref<5000xi32, #tpu.memory_space<hbm>>
    %dma_start3A_232 = tpu.memref_slice %arg3[%add3A_230] : memref<1600000xi32, #tpu.memory_space<hbm>> -> memref<5000xi32, #tpu.memory_space<hbm>>
    tpu.enqueue_dma source(%dma_start3A_232 : memref<5000xi32, #tpu.memory_space<hbm>>) target(%arg19 : memref<5000xi32, #tpu.memory_space<vmem>>) target_semaphore(%arg29 : memref<!tpu.dma_semaphore, #tpu.memory_space<semaphore_mem>>)
    %dma_start3A_233 = arith.constant 0 : i32
    %dma_start3A_234 = tpu.memref_slice %arg10[%dma_start3A_233] : memref<102400xf32, #tpu.memory_space<vmem_shared>> -> memref<102400xf32, #tpu.memory_space<vmem_shared>>
    tpu.enqueue_indirect_dma source(%arg25 : memref<5000xf32, #tpu.memory_space<vmem>>) target(%dma_start3A_234 : memref<102400xf32, #tpu.memory_space<vmem_shared>>) offsets(%arg18 : memref<5000xi32, #tpu.memory_space<vmem>>) semaphore(%arg32 : memref<!tpu.dma_semaphore, #tpu.memory_space<semaphore_mem>>) {add = true}
    %dma_wait3A_235 = tpu.memref_slice %arg3[%add3A_230] : memref<1600000xi32, #tpu.memory_space<hbm>> -> memref<5000xi32, #tpu.memory_space<hbm>>
    %dma_wait3A_236 = tpu.memref_slice %arg3[%add3A_230] : memref<1600000xi32, #tpu.memory_space<hbm>> -> memref<5000xi32, #tpu.memory_space<hbm>>
    tpu.wait_dma2 semaphore(%arg29 : memref<!tpu.dma_semaphore, #tpu.memory_space<semaphore_mem>>) src(%dma_wait3A_236 : memref<5000xi32, #tpu.memory_space<hbm>>) dst(%arg19 : memref<5000xi32, #tpu.memory_space<vmem>>)
    %dma_wait3A_237 = arith.constant 0 : i32
    %dma_wait3A_238 = tpu.memref_slice %arg10[%dma_wait3A_237] : memref<102400xf32, #tpu.memory_space<vmem_shared>> -> memref<102400xf32, #tpu.memory_space<vmem_shared>>
    tpu.wait_indirect_dma semaphore(%arg33 : memref<!tpu.dma_semaphore, #tpu.memory_space<semaphore_mem>>) src(%arg25 : memref<5000xf32, #tpu.memory_space<vmem>>) dst(%dma_wait3A_238 : memref<102400xf32, #tpu.memory_space<vmem_shared>>)
    %dma_start3A_239 = arith.constant 0 : i32
    %dma_start3A_240 = tpu.memref_slice %arg10[%dma_start3A_239] : memref<102400xf32, #tpu.memory_space<vmem_shared>> -> memref<102400xf32, #tpu.memory_space<vmem_shared>>
    tpu.enqueue_indirect_dma source(%arg25 : memref<5000xf32, #tpu.memory_space<vmem>>) target(%dma_start3A_240 : memref<102400xf32, #tpu.memory_space<vmem_shared>>) offsets(%arg19 : memref<5000xi32, #tpu.memory_space<vmem>>) semaphore(%arg33 : memref<!tpu.dma_semaphore, #tpu.memory_space<semaphore_mem>>) {add = true}
    %dma_wait3A_241 = arith.constant 0 : i32
    %dma_wait3A_242 = tpu.memref_slice %arg10[%dma_wait3A_241] : memref<102400xf32, #tpu.memory_space<vmem_shared>> -> memref<102400xf32, #tpu.memory_space<vmem_shared>>
    tpu.wait_indirect_dma semaphore(%arg32 : memref<!tpu.dma_semaphore, #tpu.memory_space<semaphore_mem>>) src(%arg25 : memref<5000xf32, #tpu.memory_space<vmem>>) dst(%dma_wait3A_242 : memref<102400xf32, #tpu.memory_space<vmem_shared>>)
    %dma_wait3A_243 = arith.constant 0 : i32
    %dma_wait3A_244 = tpu.memref_slice %arg10[%dma_wait3A_243] : memref<102400xf32, #tpu.memory_space<vmem_shared>> -> memref<102400xf32, #tpu.memory_space<vmem_shared>>
    tpu.wait_indirect_dma semaphore(%arg33 : memref<!tpu.dma_semaphore, #tpu.memory_space<semaphore_mem>>) src(%arg25 : memref<5000xf32, #tpu.memory_space<vmem>>) dst(%dma_wait3A_244 : memref<102400xf32, #tpu.memory_space<vmem_shared>>)
    %mul3A_245 = arith.constant 50000 : i32
    %mul3A_246 = arith.muli %add3A, %mul3A_245 : i32
    %dma_start3A_247 = tpu.memref_slice %arg2[%mul3A_246] : memref<1600000xi32, #tpu.memory_space<hbm>> -> memref<5000xi32, #tpu.memory_space<hbm>>
    %dma_start3A_248 = tpu.memref_slice %arg2[%mul3A_246] : memref<1600000xi32, #tpu.memory_space<hbm>> -> memref<5000xi32, #tpu.memory_space<hbm>>
    tpu.enqueue_dma source(%dma_start3A_248 : memref<5000xi32, #tpu.memory_space<hbm>>) target(%arg15 : memref<5000xi32, #tpu.memory_space<vmem>>) target_semaphore(%arg29 : memref<!tpu.dma_semaphore, #tpu.memory_space<semaphore_mem>>)
    %dma_start3A_249 = tpu.memref_slice %arg3[%mul3A_246] : memref<1600000xi32, #tpu.memory_space<hbm>> -> memref<5000xi32, #tpu.memory_space<hbm>>
    %dma_start3A_250 = tpu.memref_slice %arg3[%mul3A_246] : memref<1600000xi32, #tpu.memory_space<hbm>> -> memref<5000xi32, #tpu.memory_space<hbm>>
    tpu.enqueue_dma source(%dma_start3A_250 : memref<5000xi32, #tpu.memory_space<hbm>>) target(%arg18 : memref<5000xi32, #tpu.memory_space<vmem>>) target_semaphore(%arg29 : memref<!tpu.dma_semaphore, #tpu.memory_space<semaphore_mem>>)
    %barrier3A_251 = arith.constant 0 : index
    tpu.barrier barrier_id(%barrier3A_251)
    %dma_wait3A_252 = tpu.memref_slice %arg4[%mul3A_2] : memref<102400xf32, #tpu.memory_space<hbm>> -> memref<6400xf32, #tpu.memory_space<hbm>>
    %dma_wait3A_253 = tpu.memref_slice %arg4[%mul3A_2] : memref<102400xf32, #tpu.memory_space<hbm>> -> memref<6400xf32, #tpu.memory_space<hbm>>
    tpu.wait_dma2 semaphore(%arg30 : memref<!tpu.dma_semaphore, #tpu.memory_space<semaphore_mem>>) src(%dma_wait3A_253 : memref<6400xf32, #tpu.memory_space<hbm>>) dst(%arg27 : memref<6400xf32, #tpu.memory_space<vmem>>)
    %dma_wait3A_254 = tpu.memref_slice %arg5[%mul3A_2] : memref<102400xf32, #tpu.memory_space<hbm>> -> memref<6400xf32, #tpu.memory_space<hbm>>
    %dma_wait3A_255 = tpu.memref_slice %arg5[%mul3A_2] : memref<102400xf32, #tpu.memory_space<hbm>> -> memref<6400xf32, #tpu.memory_space<hbm>>
    tpu.wait_dma2 semaphore(%arg30 : memref<!tpu.dma_semaphore, #tpu.memory_space<semaphore_mem>>) src(%dma_wait3A_255 : memref<6400xf32, #tpu.memory_space<hbm>>) dst(%arg28 : memref<6400xf32, #tpu.memory_space<vmem>>)
    %dma_wait3A_256 = tpu.memref_slice %arg13[%mul3A_2] : memref<102400xf32, #tpu.memory_space<vmem_shared>> -> memref<6400xf32, #tpu.memory_space<vmem_shared>>
    tpu.wait_dma2 semaphore(%arg30 : memref<!tpu.dma_semaphore, #tpu.memory_space<semaphore_mem>>) src(%arg6 : memref<6400xf32, #tpu.memory_space<hbm>>) dst(%dma_wait3A_256 : memref<6400xf32, #tpu.memory_space<vmem_shared>>)
    %dma_wait3A_257 = tpu.memref_slice %arg14[%mul3A_2] : memref<102400xf32, #tpu.memory_space<vmem_shared>> -> memref<6400xf32, #tpu.memory_space<vmem_shared>>
    tpu.wait_dma2 semaphore(%arg30 : memref<!tpu.dma_semaphore, #tpu.memory_space<semaphore_mem>>) src(%arg6 : memref<6400xf32, #tpu.memory_space<hbm>>) dst(%dma_wait3A_257 : memref<6400xf32, #tpu.memory_space<vmem_shared>>)
    "tpu.region"() ({
      %run_scoped3A_548 = tpu.sem_alloc : memref<!tpu.dma_semaphore, #tpu.memory_space<semaphore_mem>>
      %dma_start3A_549 = tpu.memref_slice %arg10[%mul3A_2] : memref<102400xf32, #tpu.memory_space<vmem_shared>> -> memref<6400xf32, #tpu.memory_space<vmem_shared>>
      %dma_start3A_550 = tpu.memref_slice %arg10[%mul3A_2] : memref<102400xf32, #tpu.memory_space<vmem_shared>> -> memref<6400xf32, #tpu.memory_space<vmem_shared>>
      tpu.enqueue_dma source(%dma_start3A_550 : memref<6400xf32, #tpu.memory_space<vmem_shared>>) target(%arg26 : memref<6400xf32, #tpu.memory_space<vmem>>) target_semaphore(%run_scoped3A_548 : memref<!tpu.dma_semaphore, #tpu.memory_space<semaphore_mem>>)
      %dma_wait3A_551 = tpu.memref_slice %arg10[%mul3A_2] : memref<102400xf32, #tpu.memory_space<vmem_shared>> -> memref<6400xf32, #tpu.memory_space<vmem_shared>>
      %dma_wait3A_552 = tpu.memref_slice %arg10[%mul3A_2] : memref<102400xf32, #tpu.memory_space<vmem_shared>> -> memref<6400xf32, #tpu.memory_space<vmem_shared>>
      tpu.wait_dma2 semaphore(%run_scoped3A_548 : memref<!tpu.dma_semaphore, #tpu.memory_space<semaphore_mem>>) src(%dma_wait3A_552 : memref<6400xf32, #tpu.memory_space<vmem_shared>>) dst(%arg26 : memref<6400xf32, #tpu.memory_space<vmem>>)
      tpu.yield
    }) : () -> ()
    %scan3A = arith.constant 0 : i32
    %scan3A_258 = arith.constant 0 : i32
    %scan3A_259 = arith.constant 400 : i32
    %scan3A_260 = arith.addi %scan3A_258, %scan3A_259 : i32
    %scan3A_261 = arith.constant 1 : i32
    scf.for %scan3A_548 = %scan3A_258 to %scan3A_260 step %scan3A_261  : i32 {
      %mul3A_549 = arith.constant 16 : i32
      %mul3A_550 = arith.muli %scan3A_548, %mul3A_549 : i32
      %get3A = arith.index_cast %mul3A_550 : i32 to index
      %get3A_551 = tpu.vector_load %arg26[%get3A] {strides = array<i32>} : memref<6400xf32, #tpu.memory_space<vmem>>, vector<16xf32>,
      %get3A_552 = vector.shape_cast %get3A_551 : vector<16xf32> to vector<16xf32>
      %add3A_553 = arith.constant 1.000000e+00 : f32
      %add3A_554 = vector.broadcast %add3A_553 : f32 to vector<16xf32>
      %add3A_555 = arith.addf %get3A_552, %add3A_554 : vector<16xf32>
      %bitcast_convert_type3A = tpu.bitcast %add3A_555 : vector<16xf32> -> vector<16xi32>
      %shift_right_arithmetic3A = arith.constant 1 : i32
      %shift_right_arithmetic3A_556 = vector.broadcast %shift_right_arithmetic3A : i32 to vector<16xi32>
      %shift_right_arithmetic3A_557 = arith.shrsi %bitcast_convert_type3A, %shift_right_arithmetic3A_556 : vector<16xi32>
      %sub3A = arith.constant 1597463007 : i32
      %sub3A_558 = vector.broadcast %sub3A : i32 to vector<16xi32>
      %sub3A_559 = arith.subi %sub3A_558, %shift_right_arithmetic3A_557 : vector<16xi32>
      %bitcast_convert_type3A_560 = tpu.bitcast %sub3A_559 : vector<16xi32> -> vector<16xf32>
      %mul3A_561 = arith.constant 5.000000e-01 : f32
      %mul3A_562 = vector.broadcast %mul3A_561 : f32 to vector<16xf32>
      %mul3A_563 = arith.mulf %mul3A_562, %add3A_555 : vector<16xf32>
      %mul3A_564 = arith.mulf %mul3A_563, %bitcast_convert_type3A_560 : vector<16xf32>
      %mul3A_565 = arith.mulf %mul3A_564, %bitcast_convert_type3A_560 : vector<16xf32>
      %sub3A_566 = arith.constant 1.500000e+00 : f32
      %sub3A_567 = vector.broadcast %sub3A_566 : f32 to vector<16xf32>
      %sub3A_568 = arith.subf %sub3A_567, %mul3A_565 : vector<16xf32>
      %mul3A_569 = arith.mulf %bitcast_convert_type3A_560, %sub3A_568 : vector<16xf32>
      %mul3A_570 = arith.constant 5.000000e-01 : f32
      %mul3A_571 = vector.broadcast %mul3A_570 : f32 to vector<16xf32>
      %mul3A_572 = arith.mulf %mul3A_571, %add3A_555 : vector<16xf32>
      %mul3A_573 = arith.mulf %mul3A_572, %mul3A_569 : vector<16xf32>
      %mul3A_574 = arith.mulf %mul3A_573, %mul3A_569 : vector<16xf32>
      %sub3A_575 = arith.constant 1.500000e+00 : f32
      %sub3A_576 = vector.broadcast %sub3A_575 : f32 to vector<16xf32>
      %sub3A_577 = arith.subf %sub3A_576, %mul3A_574 : vector<16xf32>
      %mul3A_578 = arith.mulf %mul3A_569, %sub3A_577 : vector<16xf32>
      %swap3A = arith.index_cast %mul3A_550 : i32 to index
      %swap3A_579 = tpu.vector_load %arg26[%swap3A] {strides = array<i32>} : memref<6400xf32, #tpu.memory_space<vmem>>, vector<16xf32>,
      %swap3A_580 = vector.shape_cast %swap3A_579 : vector<16xf32> to vector<16xf32>
      %swap3A_581 = vector.shape_cast %mul3A_578 : vector<16xf32> to vector<16xf32>
      tpu.vector_store %arg26[%swap3A], %swap3A_581 {strides = array<i32>} : memref<6400xf32, #tpu.memory_space<vmem>>, vector<16xf32>,
      %get3A_582 = arith.index_cast %mul3A_550 : i32 to index
      %get3A_583 = tpu.vector_load %arg27[%get3A_582] {strides = array<i32>} : memref<6400xf32, #tpu.memory_space<vmem>>, vector<16xf32>,
      %get3A_584 = vector.shape_cast %get3A_583 : vector<16xf32> to vector<16xf32>
      %mul3A_585 = arith.mulf %mul3A_578, %get3A_584 : vector<16xf32>
      %swap3A_586 = arith.index_cast %mul3A_550 : i32 to index
      %swap3A_587 = tpu.vector_load %arg27[%swap3A_586] {strides = array<i32>} : memref<6400xf32, #tpu.memory_space<vmem>>, vector<16xf32>,
      %swap3A_588 = vector.shape_cast %swap3A_587 : vector<16xf32> to vector<16xf32>
      %swap3A_589 = vector.shape_cast %mul3A_585 : vector<16xf32> to vector<16xf32>
      tpu.vector_store %arg27[%swap3A_586], %swap3A_589 {strides = array<i32>} : memref<6400xf32, #tpu.memory_space<vmem>>, vector<16xf32>,
      %get3A_590 = arith.index_cast %mul3A_550 : i32 to index
      %get3A_591 = tpu.vector_load %arg28[%get3A_590] {strides = array<i32>} : memref<6400xf32, #tpu.memory_space<vmem>>, vector<16xf32>,
      %get3A_592 = vector.shape_cast %get3A_591 : vector<16xf32> to vector<16xf32>
      %mul3A_593 = arith.mulf %mul3A_578, %get3A_592 : vector<16xf32>
      %swap3A_594 = arith.index_cast %mul3A_550 : i32 to index
      %swap3A_595 = tpu.vector_load %arg28[%swap3A_594] {strides = array<i32>} : memref<6400xf32, #tpu.memory_space<vmem>>, vector<16xf32>,
      %swap3A_596 = vector.shape_cast %swap3A_595 : vector<16xf32> to vector<16xf32>
      %swap3A_597 = vector.shape_cast %mul3A_593 : vector<16xf32> to vector<16xf32>
      tpu.vector_store %arg28[%swap3A_594], %swap3A_597 {strides = array<i32>} : memref<6400xf32, #tpu.memory_space<vmem>>, vector<16xf32>,
    }
    %scan3A_262 = arith.constant 400 : i32
    %dma_start3A_263 = tpu.memref_slice %arg11[%mul3A_2] : memref<102400xf32, #tpu.memory_space<vmem_shared>> -> memref<6400xf32, #tpu.memory_space<vmem_shared>>
    %dma_start3A_264 = tpu.memref_slice %arg11[%mul3A_2] : memref<102400xf32, #tpu.memory_space<vmem_shared>> -> memref<6400xf32, #tpu.memory_space<vmem_shared>>
    tpu.enqueue_dma source(%arg27 : memref<6400xf32, #tpu.memory_space<vmem>>) target(%dma_start3A_264 : memref<6400xf32, #tpu.memory_space<vmem_shared>>) target_semaphore(%arg30 : memref<!tpu.dma_semaphore, #tpu.memory_space<semaphore_mem>>)
    %dma_start3A_265 = tpu.memref_slice %arg12[%mul3A_2] : memref<102400xf32, #tpu.memory_space<vmem_shared>> -> memref<6400xf32, #tpu.memory_space<vmem_shared>>
    %dma_start3A_266 = tpu.memref_slice %arg12[%mul3A_2] : memref<102400xf32, #tpu.memory_space<vmem_shared>> -> memref<6400xf32, #tpu.memory_space<vmem_shared>>
    tpu.enqueue_dma source(%arg28 : memref<6400xf32, #tpu.memory_space<vmem>>) target(%dma_start3A_266 : memref<6400xf32, #tpu.memory_space<vmem_shared>>) target_semaphore(%arg31 : memref<!tpu.dma_semaphore, #tpu.memory_space<semaphore_mem>>)
    %eq3A = arith.constant 0 : i32
    %eq3A_267 = arith.cmpi eq, %arg0, %eq3A : i32
    %convert_element_type3A = arith.extui %eq3A_267 : i1 to i32
    %cond3A = arith.constant 0 : i32
    %cond3A_268 = arith.cmpi ne, %convert_element_type3A, %cond3A : i32
    scf.if %cond3A_268 {
      "tpu.region"() ({
        %run_scoped3A_548 = tpu.sem_alloc : memref<!tpu.dma_semaphore, #tpu.memory_space<semaphore_mem>>
        %dma_start3A_549 = tpu.memref_slice %arg9[%mul3A_2] : memref<102400xf32, #tpu.memory_space<hbm>> -> memref<6400xf32, #tpu.memory_space<hbm>>
        %dma_start3A_550 = tpu.memref_slice %arg9[%mul3A_2] : memref<102400xf32, #tpu.memory_space<hbm>> -> memref<6400xf32, #tpu.memory_space<hbm>>
        tpu.enqueue_dma source(%arg26 : memref<6400xf32, #tpu.memory_space<vmem>>) target(%dma_start3A_550 : memref<6400xf32, #tpu.memory_space<hbm>>) target_semaphore(%run_scoped3A_548 : memref<!tpu.dma_semaphore, #tpu.memory_space<semaphore_mem>>)
        %dma_wait3A_551 = tpu.memref_slice %arg9[%mul3A_2] : memref<102400xf32, #tpu.memory_space<hbm>> -> memref<6400xf32, #tpu.memory_space<hbm>>
        %dma_wait3A_552 = tpu.memref_slice %arg9[%mul3A_2] : memref<102400xf32, #tpu.memory_space<hbm>> -> memref<6400xf32, #tpu.memory_space<hbm>>
        tpu.wait_dma2 semaphore(%run_scoped3A_548 : memref<!tpu.dma_semaphore, #tpu.memory_space<semaphore_mem>>) src(%arg26 : memref<6400xf32, #tpu.memory_space<vmem>>) dst(%dma_wait3A_552 : memref<6400xf32, #tpu.memory_space<hbm>>)
        tpu.yield
      }) : () -> ()
    } else {
    }
    %dma_wait3A_269 = tpu.memref_slice %arg11[%mul3A_2] : memref<102400xf32, #tpu.memory_space<vmem_shared>> -> memref<6400xf32, #tpu.memory_space<vmem_shared>>
    %dma_wait3A_270 = tpu.memref_slice %arg11[%mul3A_2] : memref<102400xf32, #tpu.memory_space<vmem_shared>> -> memref<6400xf32, #tpu.memory_space<vmem_shared>>
    tpu.wait_dma2 semaphore(%arg30 : memref<!tpu.dma_semaphore, #tpu.memory_space<semaphore_mem>>) src(%arg27 : memref<6400xf32, #tpu.memory_space<vmem>>) dst(%dma_wait3A_270 : memref<6400xf32, #tpu.memory_space<vmem_shared>>)
    %dma_wait3A_271 = tpu.memref_slice %arg12[%mul3A_2] : memref<102400xf32, #tpu.memory_space<vmem_shared>> -> memref<6400xf32, #tpu.memory_space<vmem_shared>>
    %dma_wait3A_272 = tpu.memref_slice %arg12[%mul3A_2] : memref<102400xf32, #tpu.memory_space<vmem_shared>> -> memref<6400xf32, #tpu.memory_space<vmem_shared>>
    tpu.wait_dma2 semaphore(%arg31 : memref<!tpu.dma_semaphore, #tpu.memory_space<semaphore_mem>>) src(%arg28 : memref<6400xf32, #tpu.memory_space<vmem>>) dst(%dma_wait3A_272 : memref<6400xf32, #tpu.memory_space<vmem_shared>>)
    %barrier3A_273 = arith.constant 0 : index
    tpu.barrier barrier_id(%barrier3A_273)
    %dma_wait3A_274 = tpu.memref_slice %arg2[%mul3A_246] : memref<1600000xi32, #tpu.memory_space<hbm>> -> memref<5000xi32, #tpu.memory_space<hbm>>
    %dma_wait3A_275 = tpu.memref_slice %arg2[%mul3A_246] : memref<1600000xi32, #tpu.memory_space<hbm>> -> memref<5000xi32, #tpu.memory_space<hbm>>
    tpu.wait_dma2 semaphore(%arg29 : memref<!tpu.dma_semaphore, #tpu.memory_space<semaphore_mem>>) src(%dma_wait3A_275 : memref<5000xi32, #tpu.memory_space<hbm>>) dst(%arg15 : memref<5000xi32, #tpu.memory_space<vmem>>)
    %dma_wait3A_276 = tpu.memref_slice %arg3[%mul3A_246] : memref<1600000xi32, #tpu.memory_space<hbm>> -> memref<5000xi32, #tpu.memory_space<hbm>>
    %dma_wait3A_277 = tpu.memref_slice %arg3[%mul3A_246] : memref<1600000xi32, #tpu.memory_space<hbm>> -> memref<5000xi32, #tpu.memory_space<hbm>>
    tpu.wait_dma2 semaphore(%arg29 : memref<!tpu.dma_semaphore, #tpu.memory_space<semaphore_mem>>) src(%dma_wait3A_277 : memref<5000xi32, #tpu.memory_space<hbm>>) dst(%arg18 : memref<5000xi32, #tpu.memory_space<vmem>>)
    %mul3A_278 = arith.constant 50000 : i32
    %mul3A_279 = arith.muli %add3A, %mul3A_278 : i32
    %add3A_280 = arith.constant 5000 : i32
    %add3A_281 = arith.addi %mul3A_279, %add3A_280 : i32
    %dma_start3A_282 = tpu.memref_slice %arg2[%add3A_281] : memref<1600000xi32, #tpu.memory_space<hbm>> -> memref<5000xi32, #tpu.memory_space<hbm>>
    %dma_start3A_283 = tpu.memref_slice %arg2[%add3A_281] : memref<1600000xi32, #tpu.memory_space<hbm>> -> memref<5000xi32, #tpu.memory_space<hbm>>
    tpu.enqueue_dma source(%dma_start3A_283 : memref<5000xi32, #tpu.memory_space<hbm>>) target(%arg16 : memref<5000xi32, #tpu.memory_space<vmem>>) target_semaphore(%arg29 : memref<!tpu.dma_semaphore, #tpu.memory_space<semaphore_mem>>)
    %dma_start3A_284 = tpu.memref_slice %arg3[%add3A_281] : memref<1600000xi32, #tpu.memory_space<hbm>> -> memref<5000xi32, #tpu.memory_space<hbm>>
    %dma_start3A_285 = tpu.memref_slice %arg3[%add3A_281] : memref<1600000xi32, #tpu.memory_space<hbm>> -> memref<5000xi32, #tpu.memory_space<hbm>>
    tpu.enqueue_dma source(%dma_start3A_285 : memref<5000xi32, #tpu.memory_space<hbm>>) target(%arg19 : memref<5000xi32, #tpu.memory_space<vmem>>) target_semaphore(%arg29 : memref<!tpu.dma_semaphore, #tpu.memory_space<semaphore_mem>>)
    %dma_start3A_286 = arith.constant 0 : i32
    %dma_start3A_287 = tpu.memref_slice %arg11[%dma_start3A_286] : memref<102400xf32, #tpu.memory_space<vmem_shared>> -> memref<102400xf32, #tpu.memory_space<vmem_shared>>
    tpu.enqueue_indirect_dma source(%dma_start3A_287 : memref<102400xf32, #tpu.memory_space<vmem_shared>>) target(%arg21 : memref<5000xf32, #tpu.memory_space<vmem>>) offsets(%arg15 : memref<5000xi32, #tpu.memory_space<vmem>>) semaphore(%arg30 : memref<!tpu.dma_semaphore, #tpu.memory_space<semaphore_mem>>)
    %dma_start3A_288 = arith.constant 0 : i32
    %dma_start3A_289 = tpu.memref_slice %arg12[%dma_start3A_288] : memref<102400xf32, #tpu.memory_space<vmem_shared>> -> memref<102400xf32, #tpu.memory_space<vmem_shared>>
    tpu.enqueue_indirect_dma source(%dma_start3A_289 : memref<102400xf32, #tpu.memory_space<vmem_shared>>) target(%arg23 : memref<5000xf32, #tpu.memory_space<vmem>>) offsets(%arg15 : memref<5000xi32, #tpu.memory_space<vmem>>) semaphore(%arg30 : memref<!tpu.dma_semaphore, #tpu.memory_space<semaphore_mem>>)
    %dma_wait3A_290 = arith.constant 0 : i32
    %dma_wait3A_291 = tpu.memref_slice %arg11[%dma_wait3A_290] : memref<102400xf32, #tpu.memory_space<vmem_shared>> -> memref<102400xf32, #tpu.memory_space<vmem_shared>>
    tpu.wait_indirect_dma semaphore(%arg30 : memref<!tpu.dma_semaphore, #tpu.memory_space<semaphore_mem>>) src(%dma_wait3A_291 : memref<102400xf32, #tpu.memory_space<vmem_shared>>) dst(%arg21 : memref<5000xf32, #tpu.memory_space<vmem>>)
    %dma_wait3A_292 = arith.constant 0 : i32
    %dma_wait3A_293 = tpu.memref_slice %arg12[%dma_wait3A_292] : memref<102400xf32, #tpu.memory_space<vmem_shared>> -> memref<102400xf32, #tpu.memory_space<vmem_shared>>
    tpu.wait_indirect_dma semaphore(%arg30 : memref<!tpu.dma_semaphore, #tpu.memory_space<semaphore_mem>>) src(%dma_wait3A_293 : memref<102400xf32, #tpu.memory_space<vmem_shared>>) dst(%arg23 : memref<5000xf32, #tpu.memory_space<vmem>>)
    %dma_start3A_294 = arith.constant 0 : i32
    %dma_start3A_295 = tpu.memref_slice %arg13[%dma_start3A_294] : memref<102400xf32, #tpu.memory_space<vmem_shared>> -> memref<102400xf32, #tpu.memory_space<vmem_shared>>
    tpu.enqueue_indirect_dma source(%arg21 : memref<5000xf32, #tpu.memory_space<vmem>>) target(%dma_start3A_295 : memref<102400xf32, #tpu.memory_space<vmem_shared>>) offsets(%arg18 : memref<5000xi32, #tpu.memory_space<vmem>>) semaphore(%arg32 : memref<!tpu.dma_semaphore, #tpu.memory_space<semaphore_mem>>) {add = true}
    %dma_start3A_296 = arith.constant 0 : i32
    %dma_start3A_297 = tpu.memref_slice %arg14[%dma_start3A_296] : memref<102400xf32, #tpu.memory_space<vmem_shared>> -> memref<102400xf32, #tpu.memory_space<vmem_shared>>
    tpu.enqueue_indirect_dma source(%arg23 : memref<5000xf32, #tpu.memory_space<vmem>>) target(%dma_start3A_297 : memref<102400xf32, #tpu.memory_space<vmem_shared>>) offsets(%arg18 : memref<5000xi32, #tpu.memory_space<vmem>>) semaphore(%arg32 : memref<!tpu.dma_semaphore, #tpu.memory_space<semaphore_mem>>) {add = true}
    %dma_wait3A_298 = tpu.memref_slice %arg2[%add3A_281] : memref<1600000xi32, #tpu.memory_space<hbm>> -> memref<5000xi32, #tpu.memory_space<hbm>>
    %dma_wait3A_299 = tpu.memref_slice %arg2[%add3A_281] : memref<1600000xi32, #tpu.memory_space<hbm>> -> memref<5000xi32, #tpu.memory_space<hbm>>
    tpu.wait_dma2 semaphore(%arg29 : memref<!tpu.dma_semaphore, #tpu.memory_space<semaphore_mem>>) src(%dma_wait3A_299 : memref<5000xi32, #tpu.memory_space<hbm>>) dst(%arg16 : memref<5000xi32, #tpu.memory_space<vmem>>)
    %dma_wait3A_300 = tpu.memref_slice %arg3[%add3A_281] : memref<1600000xi32, #tpu.memory_space<hbm>> -> memref<5000xi32, #tpu.memory_space<hbm>>
    %dma_wait3A_301 = tpu.memref_slice %arg3[%add3A_281] : memref<1600000xi32, #tpu.memory_space<hbm>> -> memref<5000xi32, #tpu.memory_space<hbm>>
    tpu.wait_dma2 semaphore(%arg29 : memref<!tpu.dma_semaphore, #tpu.memory_space<semaphore_mem>>) src(%dma_wait3A_301 : memref<5000xi32, #tpu.memory_space<hbm>>) dst(%arg19 : memref<5000xi32, #tpu.memory_space<vmem>>)
    %mul3A_302 = arith.constant 50000 : i32
    %mul3A_303 = arith.muli %add3A, %mul3A_302 : i32
    %add3A_304 = arith.constant 10000 : i32
    %add3A_305 = arith.addi %mul3A_303, %add3A_304 : i32
    %dma_start3A_306 = tpu.memref_slice %arg2[%add3A_305] : memref<1600000xi32, #tpu.memory_space<hbm>> -> memref<5000xi32, #tpu.memory_space<hbm>>
    %dma_start3A_307 = tpu.memref_slice %arg2[%add3A_305] : memref<1600000xi32, #tpu.memory_space<hbm>> -> memref<5000xi32, #tpu.memory_space<hbm>>
    tpu.enqueue_dma source(%dma_start3A_307 : memref<5000xi32, #tpu.memory_space<hbm>>) target(%arg17 : memref<5000xi32, #tpu.memory_space<vmem>>) target_semaphore(%arg29 : memref<!tpu.dma_semaphore, #tpu.memory_space<semaphore_mem>>)
    %dma_start3A_308 = tpu.memref_slice %arg3[%add3A_305] : memref<1600000xi32, #tpu.memory_space<hbm>> -> memref<5000xi32, #tpu.memory_space<hbm>>
    %dma_start3A_309 = tpu.memref_slice %arg3[%add3A_305] : memref<1600000xi32, #tpu.memory_space<hbm>> -> memref<5000xi32, #tpu.memory_space<hbm>>
    tpu.enqueue_dma source(%dma_start3A_309 : memref<5000xi32, #tpu.memory_space<hbm>>) target(%arg20 : memref<5000xi32, #tpu.memory_space<vmem>>) target_semaphore(%arg29 : memref<!tpu.dma_semaphore, #tpu.memory_space<semaphore_mem>>)
    %dma_start3A_310 = arith.constant 0 : i32
    %dma_start3A_311 = tpu.memref_slice %arg11[%dma_start3A_310] : memref<102400xf32, #tpu.memory_space<vmem_shared>> -> memref<102400xf32, #tpu.memory_space<vmem_shared>>
    tpu.enqueue_indirect_dma source(%dma_start3A_311 : memref<102400xf32, #tpu.memory_space<vmem_shared>>) target(%arg22 : memref<5000xf32, #tpu.memory_space<vmem>>) offsets(%arg16 : memref<5000xi32, #tpu.memory_space<vmem>>) semaphore(%arg31 : memref<!tpu.dma_semaphore, #tpu.memory_space<semaphore_mem>>)
    %dma_start3A_312 = arith.constant 0 : i32
    %dma_start3A_313 = tpu.memref_slice %arg12[%dma_start3A_312] : memref<102400xf32, #tpu.memory_space<vmem_shared>> -> memref<102400xf32, #tpu.memory_space<vmem_shared>>
    tpu.enqueue_indirect_dma source(%dma_start3A_313 : memref<102400xf32, #tpu.memory_space<vmem_shared>>) target(%arg24 : memref<5000xf32, #tpu.memory_space<vmem>>) offsets(%arg16 : memref<5000xi32, #tpu.memory_space<vmem>>) semaphore(%arg31 : memref<!tpu.dma_semaphore, #tpu.memory_space<semaphore_mem>>)
    %dma_wait3A_314 = arith.constant 0 : i32
    %dma_wait3A_315 = tpu.memref_slice %arg13[%dma_wait3A_314] : memref<102400xf32, #tpu.memory_space<vmem_shared>> -> memref<102400xf32, #tpu.memory_space<vmem_shared>>
    tpu.wait_indirect_dma semaphore(%arg32 : memref<!tpu.dma_semaphore, #tpu.memory_space<semaphore_mem>>) src(%arg21 : memref<5000xf32, #tpu.memory_space<vmem>>) dst(%dma_wait3A_315 : memref<102400xf32, #tpu.memory_space<vmem_shared>>)
    %dma_wait3A_316 = arith.constant 0 : i32
    %dma_wait3A_317 = tpu.memref_slice %arg14[%dma_wait3A_316] : memref<102400xf32, #tpu.memory_space<vmem_shared>> -> memref<102400xf32, #tpu.memory_space<vmem_shared>>
    tpu.wait_indirect_dma semaphore(%arg32 : memref<!tpu.dma_semaphore, #tpu.memory_space<semaphore_mem>>) src(%arg23 : memref<5000xf32, #tpu.memory_space<vmem>>) dst(%dma_wait3A_317 : memref<102400xf32, #tpu.memory_space<vmem_shared>>)
    %dma_wait3A_318 = arith.constant 0 : i32
    %dma_wait3A_319 = tpu.memref_slice %arg11[%dma_wait3A_318] : memref<102400xf32, #tpu.memory_space<vmem_shared>> -> memref<102400xf32, #tpu.memory_space<vmem_shared>>
    tpu.wait_indirect_dma semaphore(%arg31 : memref<!tpu.dma_semaphore, #tpu.memory_space<semaphore_mem>>) src(%dma_wait3A_319 : memref<102400xf32, #tpu.memory_space<vmem_shared>>) dst(%arg22 : memref<5000xf32, #tpu.memory_space<vmem>>)
    %dma_wait3A_320 = arith.constant 0 : i32
    %dma_wait3A_321 = tpu.memref_slice %arg12[%dma_wait3A_320] : memref<102400xf32, #tpu.memory_space<vmem_shared>> -> memref<102400xf32, #tpu.memory_space<vmem_shared>>
    tpu.wait_indirect_dma semaphore(%arg31 : memref<!tpu.dma_semaphore, #tpu.memory_space<semaphore_mem>>) src(%dma_wait3A_321 : memref<102400xf32, #tpu.memory_space<vmem_shared>>) dst(%arg24 : memref<5000xf32, #tpu.memory_space<vmem>>)
    %dma_start3A_322 = arith.constant 0 : i32
    %dma_start3A_323 = tpu.memref_slice %arg13[%dma_start3A_322] : memref<102400xf32, #tpu.memory_space<vmem_shared>> -> memref<102400xf32, #tpu.memory_space<vmem_shared>>
    tpu.enqueue_indirect_dma source(%arg22 : memref<5000xf32, #tpu.memory_space<vmem>>) target(%dma_start3A_323 : memref<102400xf32, #tpu.memory_space<vmem_shared>>) offsets(%arg19 : memref<5000xi32, #tpu.memory_space<vmem>>) semaphore(%arg33 : memref<!tpu.dma_semaphore, #tpu.memory_space<semaphore_mem>>) {add = true}
    %dma_start3A_324 = arith.constant 0 : i32
    %dma_start3A_325 = tpu.memref_slice %arg14[%dma_start3A_324] : memref<102400xf32, #tpu.memory_space<vmem_shared>> -> memref<102400xf32, #tpu.memory_space<vmem_shared>>
    tpu.enqueue_indirect_dma source(%arg24 : memref<5000xf32, #tpu.memory_space<vmem>>) target(%dma_start3A_325 : memref<102400xf32, #tpu.memory_space<vmem_shared>>) offsets(%arg19 : memref<5000xi32, #tpu.memory_space<vmem>>) semaphore(%arg33 : memref<!tpu.dma_semaphore, #tpu.memory_space<semaphore_mem>>) {add = true}
    %dma_wait3A_326 = tpu.memref_slice %arg2[%add3A_305] : memref<1600000xi32, #tpu.memory_space<hbm>> -> memref<5000xi32, #tpu.memory_space<hbm>>
    %dma_wait3A_327 = tpu.memref_slice %arg2[%add3A_305] : memref<1600000xi32, #tpu.memory_space<hbm>> -> memref<5000xi32, #tpu.memory_space<hbm>>
    tpu.wait_dma2 semaphore(%arg29 : memref<!tpu.dma_semaphore, #tpu.memory_space<semaphore_mem>>) src(%dma_wait3A_327 : memref<5000xi32, #tpu.memory_space<hbm>>) dst(%arg17 : memref<5000xi32, #tpu.memory_space<vmem>>)
    %dma_wait3A_328 = tpu.memref_slice %arg3[%add3A_305] : memref<1600000xi32, #tpu.memory_space<hbm>> -> memref<5000xi32, #tpu.memory_space<hbm>>
    %dma_wait3A_329 = tpu.memref_slice %arg3[%add3A_305] : memref<1600000xi32, #tpu.memory_space<hbm>> -> memref<5000xi32, #tpu.memory_space<hbm>>
    tpu.wait_dma2 semaphore(%arg29 : memref<!tpu.dma_semaphore, #tpu.memory_space<semaphore_mem>>) src(%dma_wait3A_329 : memref<5000xi32, #tpu.memory_space<hbm>>) dst(%arg20 : memref<5000xi32, #tpu.memory_space<vmem>>)
    %mul3A_330 = arith.constant 50000 : i32
    %mul3A_331 = arith.muli %add3A, %mul3A_330 : i32
    %add3A_332 = arith.constant 15000 : i32
    %add3A_333 = arith.addi %mul3A_331, %add3A_332 : i32
    %dma_start3A_334 = tpu.memref_slice %arg2[%add3A_333] : memref<1600000xi32, #tpu.memory_space<hbm>> -> memref<5000xi32, #tpu.memory_space<hbm>>
    %dma_start3A_335 = tpu.memref_slice %arg2[%add3A_333] : memref<1600000xi32, #tpu.memory_space<hbm>> -> memref<5000xi32, #tpu.memory_space<hbm>>
    tpu.enqueue_dma source(%dma_start3A_335 : memref<5000xi32, #tpu.memory_space<hbm>>) target(%arg15 : memref<5000xi32, #tpu.memory_space<vmem>>) target_semaphore(%arg29 : memref<!tpu.dma_semaphore, #tpu.memory_space<semaphore_mem>>)
    %dma_start3A_336 = tpu.memref_slice %arg3[%add3A_333] : memref<1600000xi32, #tpu.memory_space<hbm>> -> memref<5000xi32, #tpu.memory_space<hbm>>
    %dma_start3A_337 = tpu.memref_slice %arg3[%add3A_333] : memref<1600000xi32, #tpu.memory_space<hbm>> -> memref<5000xi32, #tpu.memory_space<hbm>>
    tpu.enqueue_dma source(%dma_start3A_337 : memref<5000xi32, #tpu.memory_space<hbm>>) target(%arg18 : memref<5000xi32, #tpu.memory_space<vmem>>) target_semaphore(%arg29 : memref<!tpu.dma_semaphore, #tpu.memory_space<semaphore_mem>>)
    %dma_start3A_338 = arith.constant 0 : i32
    %dma_start3A_339 = tpu.memref_slice %arg11[%dma_start3A_338] : memref<102400xf32, #tpu.memory_space<vmem_shared>> -> memref<102400xf32, #tpu.memory_space<vmem_shared>>
    tpu.enqueue_indirect_dma source(%dma_start3A_339 : memref<102400xf32, #tpu.memory_space<vmem_shared>>) target(%arg21 : memref<5000xf32, #tpu.memory_space<vmem>>) offsets(%arg17 : memref<5000xi32, #tpu.memory_space<vmem>>) semaphore(%arg30 : memref<!tpu.dma_semaphore, #tpu.memory_space<semaphore_mem>>)
    %dma_start3A_340 = arith.constant 0 : i32
    %dma_start3A_341 = tpu.memref_slice %arg12[%dma_start3A_340] : memref<102400xf32, #tpu.memory_space<vmem_shared>> -> memref<102400xf32, #tpu.memory_space<vmem_shared>>
    tpu.enqueue_indirect_dma source(%dma_start3A_341 : memref<102400xf32, #tpu.memory_space<vmem_shared>>) target(%arg23 : memref<5000xf32, #tpu.memory_space<vmem>>) offsets(%arg17 : memref<5000xi32, #tpu.memory_space<vmem>>) semaphore(%arg30 : memref<!tpu.dma_semaphore, #tpu.memory_space<semaphore_mem>>)
    %dma_wait3A_342 = arith.constant 0 : i32
    %dma_wait3A_343 = tpu.memref_slice %arg13[%dma_wait3A_342] : memref<102400xf32, #tpu.memory_space<vmem_shared>> -> memref<102400xf32, #tpu.memory_space<vmem_shared>>
    tpu.wait_indirect_dma semaphore(%arg33 : memref<!tpu.dma_semaphore, #tpu.memory_space<semaphore_mem>>) src(%arg22 : memref<5000xf32, #tpu.memory_space<vmem>>) dst(%dma_wait3A_343 : memref<102400xf32, #tpu.memory_space<vmem_shared>>)
    %dma_wait3A_344 = arith.constant 0 : i32
    %dma_wait3A_345 = tpu.memref_slice %arg14[%dma_wait3A_344] : memref<102400xf32, #tpu.memory_space<vmem_shared>> -> memref<102400xf32, #tpu.memory_space<vmem_shared>>
    tpu.wait_indirect_dma semaphore(%arg33 : memref<!tpu.dma_semaphore, #tpu.memory_space<semaphore_mem>>) src(%arg24 : memref<5000xf32, #tpu.memory_space<vmem>>) dst(%dma_wait3A_345 : memref<102400xf32, #tpu.memory_space<vmem_shared>>)
    %dma_wait3A_346 = arith.constant 0 : i32
    %dma_wait3A_347 = tpu.memref_slice %arg11[%dma_wait3A_346] : memref<102400xf32, #tpu.memory_space<vmem_shared>> -> memref<102400xf32, #tpu.memory_space<vmem_shared>>
    tpu.wait_indirect_dma semaphore(%arg30 : memref<!tpu.dma_semaphore, #tpu.memory_space<semaphore_mem>>) src(%dma_wait3A_347 : memref<102400xf32, #tpu.memory_space<vmem_shared>>) dst(%arg21 : memref<5000xf32, #tpu.memory_space<vmem>>)
    %dma_wait3A_348 = arith.constant 0 : i32
    %dma_wait3A_349 = tpu.memref_slice %arg12[%dma_wait3A_348] : memref<102400xf32, #tpu.memory_space<vmem_shared>> -> memref<102400xf32, #tpu.memory_space<vmem_shared>>
    tpu.wait_indirect_dma semaphore(%arg30 : memref<!tpu.dma_semaphore, #tpu.memory_space<semaphore_mem>>) src(%dma_wait3A_349 : memref<102400xf32, #tpu.memory_space<vmem_shared>>) dst(%arg23 : memref<5000xf32, #tpu.memory_space<vmem>>)
    %dma_start3A_350 = arith.constant 0 : i32
    %dma_start3A_351 = tpu.memref_slice %arg13[%dma_start3A_350] : memref<102400xf32, #tpu.memory_space<vmem_shared>> -> memref<102400xf32, #tpu.memory_space<vmem_shared>>
    tpu.enqueue_indirect_dma source(%arg21 : memref<5000xf32, #tpu.memory_space<vmem>>) target(%dma_start3A_351 : memref<102400xf32, #tpu.memory_space<vmem_shared>>) offsets(%arg20 : memref<5000xi32, #tpu.memory_space<vmem>>) semaphore(%arg32 : memref<!tpu.dma_semaphore, #tpu.memory_space<semaphore_mem>>) {add = true}
    %dma_start3A_352 = arith.constant 0 : i32
    %dma_start3A_353 = tpu.memref_slice %arg14[%dma_start3A_352] : memref<102400xf32, #tpu.memory_space<vmem_shared>> -> memref<102400xf32, #tpu.memory_space<vmem_shared>>
    tpu.enqueue_indirect_dma source(%arg23 : memref<5000xf32, #tpu.memory_space<vmem>>) target(%dma_start3A_353 : memref<102400xf32, #tpu.memory_space<vmem_shared>>) offsets(%arg20 : memref<5000xi32, #tpu.memory_space<vmem>>) semaphore(%arg32 : memref<!tpu.dma_semaphore, #tpu.memory_space<semaphore_mem>>) {add = true}
    %dma_wait3A_354 = tpu.memref_slice %arg2[%add3A_333] : memref<1600000xi32, #tpu.memory_space<hbm>> -> memref<5000xi32, #tpu.memory_space<hbm>>
    %dma_wait3A_355 = tpu.memref_slice %arg2[%add3A_333] : memref<1600000xi32, #tpu.memory_space<hbm>> -> memref<5000xi32, #tpu.memory_space<hbm>>
    tpu.wait_dma2 semaphore(%arg29 : memref<!tpu.dma_semaphore, #tpu.memory_space<semaphore_mem>>) src(%dma_wait3A_355 : memref<5000xi32, #tpu.memory_space<hbm>>) dst(%arg15 : memref<5000xi32, #tpu.memory_space<vmem>>)
    %dma_wait3A_356 = tpu.memref_slice %arg3[%add3A_333] : memref<1600000xi32, #tpu.memory_space<hbm>> -> memref<5000xi32, #tpu.memory_space<hbm>>
    %dma_wait3A_357 = tpu.memref_slice %arg3[%add3A_333] : memref<1600000xi32, #tpu.memory_space<hbm>> -> memref<5000xi32, #tpu.memory_space<hbm>>
    tpu.wait_dma2 semaphore(%arg29 : memref<!tpu.dma_semaphore, #tpu.memory_space<semaphore_mem>>) src(%dma_wait3A_357 : memref<5000xi32, #tpu.memory_space<hbm>>) dst(%arg18 : memref<5000xi32, #tpu.memory_space<vmem>>)
    %mul3A_358 = arith.constant 50000 : i32
    %mul3A_359 = arith.muli %add3A, %mul3A_358 : i32
    %add3A_360 = arith.constant 20000 : i32
    %add3A_361 = arith.addi %mul3A_359, %add3A_360 : i32
    %dma_start3A_362 = tpu.memref_slice %arg2[%add3A_361] : memref<1600000xi32, #tpu.memory_space<hbm>> -> memref<5000xi32, #tpu.memory_space<hbm>>
    %dma_start3A_363 = tpu.memref_slice %arg2[%add3A_361] : memref<1600000xi32, #tpu.memory_space<hbm>> -> memref<5000xi32, #tpu.memory_space<hbm>>
    tpu.enqueue_dma source(%dma_start3A_363 : memref<5000xi32, #tpu.memory_space<hbm>>) target(%arg16 : memref<5000xi32, #tpu.memory_space<vmem>>) target_semaphore(%arg29 : memref<!tpu.dma_semaphore, #tpu.memory_space<semaphore_mem>>)
    %dma_start3A_364 = tpu.memref_slice %arg3[%add3A_361] : memref<1600000xi32, #tpu.memory_space<hbm>> -> memref<5000xi32, #tpu.memory_space<hbm>>
    %dma_start3A_365 = tpu.memref_slice %arg3[%add3A_361] : memref<1600000xi32, #tpu.memory_space<hbm>> -> memref<5000xi32, #tpu.memory_space<hbm>>
    tpu.enqueue_dma source(%dma_start3A_365 : memref<5000xi32, #tpu.memory_space<hbm>>) target(%arg19 : memref<5000xi32, #tpu.memory_space<vmem>>) target_semaphore(%arg29 : memref<!tpu.dma_semaphore, #tpu.memory_space<semaphore_mem>>)
    %dma_start3A_366 = arith.constant 0 : i32
    %dma_start3A_367 = tpu.memref_slice %arg11[%dma_start3A_366] : memref<102400xf32, #tpu.memory_space<vmem_shared>> -> memref<102400xf32, #tpu.memory_space<vmem_shared>>
    tpu.enqueue_indirect_dma source(%dma_start3A_367 : memref<102400xf32, #tpu.memory_space<vmem_shared>>) target(%arg22 : memref<5000xf32, #tpu.memory_space<vmem>>) offsets(%arg15 : memref<5000xi32, #tpu.memory_space<vmem>>) semaphore(%arg31 : memref<!tpu.dma_semaphore, #tpu.memory_space<semaphore_mem>>)
    %dma_start3A_368 = arith.constant 0 : i32
    %dma_start3A_369 = tpu.memref_slice %arg12[%dma_start3A_368] : memref<102400xf32, #tpu.memory_space<vmem_shared>> -> memref<102400xf32, #tpu.memory_space<vmem_shared>>
    tpu.enqueue_indirect_dma source(%dma_start3A_369 : memref<102400xf32, #tpu.memory_space<vmem_shared>>) target(%arg24 : memref<5000xf32, #tpu.memory_space<vmem>>) offsets(%arg15 : memref<5000xi32, #tpu.memory_space<vmem>>) semaphore(%arg31 : memref<!tpu.dma_semaphore, #tpu.memory_space<semaphore_mem>>)
    %dma_wait3A_370 = arith.constant 0 : i32
    %dma_wait3A_371 = tpu.memref_slice %arg13[%dma_wait3A_370] : memref<102400xf32, #tpu.memory_space<vmem_shared>> -> memref<102400xf32, #tpu.memory_space<vmem_shared>>
    tpu.wait_indirect_dma semaphore(%arg32 : memref<!tpu.dma_semaphore, #tpu.memory_space<semaphore_mem>>) src(%arg21 : memref<5000xf32, #tpu.memory_space<vmem>>) dst(%dma_wait3A_371 : memref<102400xf32, #tpu.memory_space<vmem_shared>>)
    %dma_wait3A_372 = arith.constant 0 : i32
    %dma_wait3A_373 = tpu.memref_slice %arg14[%dma_wait3A_372] : memref<102400xf32, #tpu.memory_space<vmem_shared>> -> memref<102400xf32, #tpu.memory_space<vmem_shared>>
    tpu.wait_indirect_dma semaphore(%arg32 : memref<!tpu.dma_semaphore, #tpu.memory_space<semaphore_mem>>) src(%arg23 : memref<5000xf32, #tpu.memory_space<vmem>>) dst(%dma_wait3A_373 : memref<102400xf32, #tpu.memory_space<vmem_shared>>)
    %dma_wait3A_374 = arith.constant 0 : i32
    %dma_wait3A_375 = tpu.memref_slice %arg11[%dma_wait3A_374] : memref<102400xf32, #tpu.memory_space<vmem_shared>> -> memref<102400xf32, #tpu.memory_space<vmem_shared>>
    tpu.wait_indirect_dma semaphore(%arg31 : memref<!tpu.dma_semaphore, #tpu.memory_space<semaphore_mem>>) src(%dma_wait3A_375 : memref<102400xf32, #tpu.memory_space<vmem_shared>>) dst(%arg22 : memref<5000xf32, #tpu.memory_space<vmem>>)
    %dma_wait3A_376 = arith.constant 0 : i32
    %dma_wait3A_377 = tpu.memref_slice %arg12[%dma_wait3A_376] : memref<102400xf32, #tpu.memory_space<vmem_shared>> -> memref<102400xf32, #tpu.memory_space<vmem_shared>>
    tpu.wait_indirect_dma semaphore(%arg31 : memref<!tpu.dma_semaphore, #tpu.memory_space<semaphore_mem>>) src(%dma_wait3A_377 : memref<102400xf32, #tpu.memory_space<vmem_shared>>) dst(%arg24 : memref<5000xf32, #tpu.memory_space<vmem>>)
    %dma_start3A_378 = arith.constant 0 : i32
    %dma_start3A_379 = tpu.memref_slice %arg13[%dma_start3A_378] : memref<102400xf32, #tpu.memory_space<vmem_shared>> -> memref<102400xf32, #tpu.memory_space<vmem_shared>>
    tpu.enqueue_indirect_dma source(%arg22 : memref<5000xf32, #tpu.memory_space<vmem>>) target(%dma_start3A_379 : memref<102400xf32, #tpu.memory_space<vmem_shared>>) offsets(%arg18 : memref<5000xi32, #tpu.memory_space<vmem>>) semaphore(%arg33 : memref<!tpu.dma_semaphore, #tpu.memory_space<semaphore_mem>>) {add = true}
    %dma_start3A_380 = arith.constant 0 : i32
    %dma_start3A_381 = tpu.memref_slice %arg14[%dma_start3A_380] : memref<102400xf32, #tpu.memory_space<vmem_shared>> -> memref<102400xf32, #tpu.memory_space<vmem_shared>>
    tpu.enqueue_indirect_dma source(%arg24 : memref<5000xf32, #tpu.memory_space<vmem>>) target(%dma_start3A_381 : memref<102400xf32, #tpu.memory_space<vmem_shared>>) offsets(%arg18 : memref<5000xi32, #tpu.memory_space<vmem>>) semaphore(%arg33 : memref<!tpu.dma_semaphore, #tpu.memory_space<semaphore_mem>>) {add = true}
    %dma_wait3A_382 = tpu.memref_slice %arg2[%add3A_361] : memref<1600000xi32, #tpu.memory_space<hbm>> -> memref<5000xi32, #tpu.memory_space<hbm>>
    %dma_wait3A_383 = tpu.memref_slice %arg2[%add3A_361] : memref<1600000xi32, #tpu.memory_space<hbm>> -> memref<5000xi32, #tpu.memory_space<hbm>>
    tpu.wait_dma2 semaphore(%arg29 : memref<!tpu.dma_semaphore, #tpu.memory_space<semaphore_mem>>) src(%dma_wait3A_383 : memref<5000xi32, #tpu.memory_space<hbm>>) dst(%arg16 : memref<5000xi32, #tpu.memory_space<vmem>>)
    %dma_wait3A_384 = tpu.memref_slice %arg3[%add3A_361] : memref<1600000xi32, #tpu.memory_space<hbm>> -> memref<5000xi32, #tpu.memory_space<hbm>>
    %dma_wait3A_385 = tpu.memref_slice %arg3[%add3A_361] : memref<1600000xi32, #tpu.memory_space<hbm>> -> memref<5000xi32, #tpu.memory_space<hbm>>
    tpu.wait_dma2 semaphore(%arg29 : memref<!tpu.dma_semaphore, #tpu.memory_space<semaphore_mem>>) src(%dma_wait3A_385 : memref<5000xi32, #tpu.memory_space<hbm>>) dst(%arg19 : memref<5000xi32, #tpu.memory_space<vmem>>)
    %mul3A_386 = arith.constant 50000 : i32
    %mul3A_387 = arith.muli %add3A, %mul3A_386 : i32
    %add3A_388 = arith.constant 25000 : i32
    %add3A_389 = arith.addi %mul3A_387, %add3A_388 : i32
    %dma_start3A_390 = tpu.memref_slice %arg2[%add3A_389] : memref<1600000xi32, #tpu.memory_space<hbm>> -> memref<5000xi32, #tpu.memory_space<hbm>>
    %dma_start3A_391 = tpu.memref_slice %arg2[%add3A_389] : memref<1600000xi32, #tpu.memory_space<hbm>> -> memref<5000xi32, #tpu.memory_space<hbm>>
    tpu.enqueue_dma source(%dma_start3A_391 : memref<5000xi32, #tpu.memory_space<hbm>>) target(%arg17 : memref<5000xi32, #tpu.memory_space<vmem>>) target_semaphore(%arg29 : memref<!tpu.dma_semaphore, #tpu.memory_space<semaphore_mem>>)
    %dma_start3A_392 = tpu.memref_slice %arg3[%add3A_389] : memref<1600000xi32, #tpu.memory_space<hbm>> -> memref<5000xi32, #tpu.memory_space<hbm>>
    %dma_start3A_393 = tpu.memref_slice %arg3[%add3A_389] : memref<1600000xi32, #tpu.memory_space<hbm>> -> memref<5000xi32, #tpu.memory_space<hbm>>
    tpu.enqueue_dma source(%dma_start3A_393 : memref<5000xi32, #tpu.memory_space<hbm>>) target(%arg20 : memref<5000xi32, #tpu.memory_space<vmem>>) target_semaphore(%arg29 : memref<!tpu.dma_semaphore, #tpu.memory_space<semaphore_mem>>)
    %dma_start3A_394 = arith.constant 0 : i32
    %dma_start3A_395 = tpu.memref_slice %arg11[%dma_start3A_394] : memref<102400xf32, #tpu.memory_space<vmem_shared>> -> memref<102400xf32, #tpu.memory_space<vmem_shared>>
    tpu.enqueue_indirect_dma source(%dma_start3A_395 : memref<102400xf32, #tpu.memory_space<vmem_shared>>) target(%arg21 : memref<5000xf32, #tpu.memory_space<vmem>>) offsets(%arg16 : memref<5000xi32, #tpu.memory_space<vmem>>) semaphore(%arg30 : memref<!tpu.dma_semaphore, #tpu.memory_space<semaphore_mem>>)
    %dma_start3A_396 = arith.constant 0 : i32
    %dma_start3A_397 = tpu.memref_slice %arg12[%dma_start3A_396] : memref<102400xf32, #tpu.memory_space<vmem_shared>> -> memref<102400xf32, #tpu.memory_space<vmem_shared>>
    tpu.enqueue_indirect_dma source(%dma_start3A_397 : memref<102400xf32, #tpu.memory_space<vmem_shared>>) target(%arg23 : memref<5000xf32, #tpu.memory_space<vmem>>) offsets(%arg16 : memref<5000xi32, #tpu.memory_space<vmem>>) semaphore(%arg30 : memref<!tpu.dma_semaphore, #tpu.memory_space<semaphore_mem>>)
    %dma_wait3A_398 = arith.constant 0 : i32
    %dma_wait3A_399 = tpu.memref_slice %arg13[%dma_wait3A_398] : memref<102400xf32, #tpu.memory_space<vmem_shared>> -> memref<102400xf32, #tpu.memory_space<vmem_shared>>
    tpu.wait_indirect_dma semaphore(%arg33 : memref<!tpu.dma_semaphore, #tpu.memory_space<semaphore_mem>>) src(%arg22 : memref<5000xf32, #tpu.memory_space<vmem>>) dst(%dma_wait3A_399 : memref<102400xf32, #tpu.memory_space<vmem_shared>>)
    %dma_wait3A_400 = arith.constant 0 : i32
    %dma_wait3A_401 = tpu.memref_slice %arg14[%dma_wait3A_400] : memref<102400xf32, #tpu.memory_space<vmem_shared>> -> memref<102400xf32, #tpu.memory_space<vmem_shared>>
    tpu.wait_indirect_dma semaphore(%arg33 : memref<!tpu.dma_semaphore, #tpu.memory_space<semaphore_mem>>) src(%arg24 : memref<5000xf32, #tpu.memory_space<vmem>>) dst(%dma_wait3A_401 : memref<102400xf32, #tpu.memory_space<vmem_shared>>)
    %dma_wait3A_402 = arith.constant 0 : i32
    %dma_wait3A_403 = tpu.memref_slice %arg11[%dma_wait3A_402] : memref<102400xf32, #tpu.memory_space<vmem_shared>> -> memref<102400xf32, #tpu.memory_space<vmem_shared>>
    tpu.wait_indirect_dma semaphore(%arg30 : memref<!tpu.dma_semaphore, #tpu.memory_space<semaphore_mem>>) src(%dma_wait3A_403 : memref<102400xf32, #tpu.memory_space<vmem_shared>>) dst(%arg21 : memref<5000xf32, #tpu.memory_space<vmem>>)
    %dma_wait3A_404 = arith.constant 0 : i32
    %dma_wait3A_405 = tpu.memref_slice %arg12[%dma_wait3A_404] : memref<102400xf32, #tpu.memory_space<vmem_shared>> -> memref<102400xf32, #tpu.memory_space<vmem_shared>>
    tpu.wait_indirect_dma semaphore(%arg30 : memref<!tpu.dma_semaphore, #tpu.memory_space<semaphore_mem>>) src(%dma_wait3A_405 : memref<102400xf32, #tpu.memory_space<vmem_shared>>) dst(%arg23 : memref<5000xf32, #tpu.memory_space<vmem>>)
    %dma_start3A_406 = arith.constant 0 : i32
    %dma_start3A_407 = tpu.memref_slice %arg13[%dma_start3A_406] : memref<102400xf32, #tpu.memory_space<vmem_shared>> -> memref<102400xf32, #tpu.memory_space<vmem_shared>>
    tpu.enqueue_indirect_dma source(%arg21 : memref<5000xf32, #tpu.memory_space<vmem>>) target(%dma_start3A_407 : memref<102400xf32, #tpu.memory_space<vmem_shared>>) offsets(%arg19 : memref<5000xi32, #tpu.memory_space<vmem>>) semaphore(%arg32 : memref<!tpu.dma_semaphore, #tpu.memory_space<semaphore_mem>>) {add = true}
    %dma_start3A_408 = arith.constant 0 : i32
    %dma_start3A_409 = tpu.memref_slice %arg14[%dma_start3A_408] : memref<102400xf32, #tpu.memory_space<vmem_shared>> -> memref<102400xf32, #tpu.memory_space<vmem_shared>>
    tpu.enqueue_indirect_dma source(%arg23 : memref<5000xf32, #tpu.memory_space<vmem>>) target(%dma_start3A_409 : memref<102400xf32, #tpu.memory_space<vmem_shared>>) offsets(%arg19 : memref<5000xi32, #tpu.memory_space<vmem>>) semaphore(%arg32 : memref<!tpu.dma_semaphore, #tpu.memory_space<semaphore_mem>>) {add = true}
    %dma_wait3A_410 = tpu.memref_slice %arg2[%add3A_389] : memref<1600000xi32, #tpu.memory_space<hbm>> -> memref<5000xi32, #tpu.memory_space<hbm>>
    %dma_wait3A_411 = tpu.memref_slice %arg2[%add3A_389] : memref<1600000xi32, #tpu.memory_space<hbm>> -> memref<5000xi32, #tpu.memory_space<hbm>>
    tpu.wait_dma2 semaphore(%arg29 : memref<!tpu.dma_semaphore, #tpu.memory_space<semaphore_mem>>) src(%dma_wait3A_411 : memref<5000xi32, #tpu.memory_space<hbm>>) dst(%arg17 : memref<5000xi32, #tpu.memory_space<vmem>>)
    %dma_wait3A_412 = tpu.memref_slice %arg3[%add3A_389] : memref<1600000xi32, #tpu.memory_space<hbm>> -> memref<5000xi32, #tpu.memory_space<hbm>>
    %dma_wait3A_413 = tpu.memref_slice %arg3[%add3A_389] : memref<1600000xi32, #tpu.memory_space<hbm>> -> memref<5000xi32, #tpu.memory_space<hbm>>
    tpu.wait_dma2 semaphore(%arg29 : memref<!tpu.dma_semaphore, #tpu.memory_space<semaphore_mem>>) src(%dma_wait3A_413 : memref<5000xi32, #tpu.memory_space<hbm>>) dst(%arg20 : memref<5000xi32, #tpu.memory_space<vmem>>)
    %mul3A_414 = arith.constant 50000 : i32
    %mul3A_415 = arith.muli %add3A, %mul3A_414 : i32
    %add3A_416 = arith.constant 30000 : i32
    %add3A_417 = arith.addi %mul3A_415, %add3A_416 : i32
    %dma_start3A_418 = tpu.memref_slice %arg2[%add3A_417] : memref<1600000xi32, #tpu.memory_space<hbm>> -> memref<5000xi32, #tpu.memory_space<hbm>>
    %dma_start3A_419 = tpu.memref_slice %arg2[%add3A_417] : memref<1600000xi32, #tpu.memory_space<hbm>> -> memref<5000xi32, #tpu.memory_space<hbm>>
    tpu.enqueue_dma source(%dma_start3A_419 : memref<5000xi32, #tpu.memory_space<hbm>>) target(%arg15 : memref<5000xi32, #tpu.memory_space<vmem>>) target_semaphore(%arg29 : memref<!tpu.dma_semaphore, #tpu.memory_space<semaphore_mem>>)
    %dma_start3A_420 = tpu.memref_slice %arg3[%add3A_417] : memref<1600000xi32, #tpu.memory_space<hbm>> -> memref<5000xi32, #tpu.memory_space<hbm>>
    %dma_start3A_421 = tpu.memref_slice %arg3[%add3A_417] : memref<1600000xi32, #tpu.memory_space<hbm>> -> memref<5000xi32, #tpu.memory_space<hbm>>
    tpu.enqueue_dma source(%dma_start3A_421 : memref<5000xi32, #tpu.memory_space<hbm>>) target(%arg18 : memref<5000xi32, #tpu.memory_space<vmem>>) target_semaphore(%arg29 : memref<!tpu.dma_semaphore, #tpu.memory_space<semaphore_mem>>)
    %dma_start3A_422 = arith.constant 0 : i32
    %dma_start3A_423 = tpu.memref_slice %arg11[%dma_start3A_422] : memref<102400xf32, #tpu.memory_space<vmem_shared>> -> memref<102400xf32, #tpu.memory_space<vmem_shared>>
    tpu.enqueue_indirect_dma source(%dma_start3A_423 : memref<102400xf32, #tpu.memory_space<vmem_shared>>) target(%arg22 : memref<5000xf32, #tpu.memory_space<vmem>>) offsets(%arg17 : memref<5000xi32, #tpu.memory_space<vmem>>) semaphore(%arg31 : memref<!tpu.dma_semaphore, #tpu.memory_space<semaphore_mem>>)
    %dma_start3A_424 = arith.constant 0 : i32
    %dma_start3A_425 = tpu.memref_slice %arg12[%dma_start3A_424] : memref<102400xf32, #tpu.memory_space<vmem_shared>> -> memref<102400xf32, #tpu.memory_space<vmem_shared>>
    tpu.enqueue_indirect_dma source(%dma_start3A_425 : memref<102400xf32, #tpu.memory_space<vmem_shared>>) target(%arg24 : memref<5000xf32, #tpu.memory_space<vmem>>) offsets(%arg17 : memref<5000xi32, #tpu.memory_space<vmem>>) semaphore(%arg31 : memref<!tpu.dma_semaphore, #tpu.memory_space<semaphore_mem>>)
    %dma_wait3A_426 = arith.constant 0 : i32
    %dma_wait3A_427 = tpu.memref_slice %arg13[%dma_wait3A_426] : memref<102400xf32, #tpu.memory_space<vmem_shared>> -> memref<102400xf32, #tpu.memory_space<vmem_shared>>
    tpu.wait_indirect_dma semaphore(%arg32 : memref<!tpu.dma_semaphore, #tpu.memory_space<semaphore_mem>>) src(%arg21 : memref<5000xf32, #tpu.memory_space<vmem>>) dst(%dma_wait3A_427 : memref<102400xf32, #tpu.memory_space<vmem_shared>>)
    %dma_wait3A_428 = arith.constant 0 : i32
    %dma_wait3A_429 = tpu.memref_slice %arg14[%dma_wait3A_428] : memref<102400xf32, #tpu.memory_space<vmem_shared>> -> memref<102400xf32, #tpu.memory_space<vmem_shared>>
    tpu.wait_indirect_dma semaphore(%arg32 : memref<!tpu.dma_semaphore, #tpu.memory_space<semaphore_mem>>) src(%arg23 : memref<5000xf32, #tpu.memory_space<vmem>>) dst(%dma_wait3A_429 : memref<102400xf32, #tpu.memory_space<vmem_shared>>)
    %dma_wait3A_430 = arith.constant 0 : i32
    %dma_wait3A_431 = tpu.memref_slice %arg11[%dma_wait3A_430] : memref<102400xf32, #tpu.memory_space<vmem_shared>> -> memref<102400xf32, #tpu.memory_space<vmem_shared>>
    tpu.wait_indirect_dma semaphore(%arg31 : memref<!tpu.dma_semaphore, #tpu.memory_space<semaphore_mem>>) src(%dma_wait3A_431 : memref<102400xf32, #tpu.memory_space<vmem_shared>>) dst(%arg22 : memref<5000xf32, #tpu.memory_space<vmem>>)
    %dma_wait3A_432 = arith.constant 0 : i32
    %dma_wait3A_433 = tpu.memref_slice %arg12[%dma_wait3A_432] : memref<102400xf32, #tpu.memory_space<vmem_shared>> -> memref<102400xf32, #tpu.memory_space<vmem_shared>>
    tpu.wait_indirect_dma semaphore(%arg31 : memref<!tpu.dma_semaphore, #tpu.memory_space<semaphore_mem>>) src(%dma_wait3A_433 : memref<102400xf32, #tpu.memory_space<vmem_shared>>) dst(%arg24 : memref<5000xf32, #tpu.memory_space<vmem>>)
    %dma_start3A_434 = arith.constant 0 : i32
    %dma_start3A_435 = tpu.memref_slice %arg13[%dma_start3A_434] : memref<102400xf32, #tpu.memory_space<vmem_shared>> -> memref<102400xf32, #tpu.memory_space<vmem_shared>>
    tpu.enqueue_indirect_dma source(%arg22 : memref<5000xf32, #tpu.memory_space<vmem>>) target(%dma_start3A_435 : memref<102400xf32, #tpu.memory_space<vmem_shared>>) offsets(%arg20 : memref<5000xi32, #tpu.memory_space<vmem>>) semaphore(%arg33 : memref<!tpu.dma_semaphore, #tpu.memory_space<semaphore_mem>>) {add = true}
    %dma_start3A_436 = arith.constant 0 : i32
    %dma_start3A_437 = tpu.memref_slice %arg14[%dma_start3A_436] : memref<102400xf32, #tpu.memory_space<vmem_shared>> -> memref<102400xf32, #tpu.memory_space<vmem_shared>>
    tpu.enqueue_indirect_dma source(%arg24 : memref<5000xf32, #tpu.memory_space<vmem>>) target(%dma_start3A_437 : memref<102400xf32, #tpu.memory_space<vmem_shared>>) offsets(%arg20 : memref<5000xi32, #tpu.memory_space<vmem>>) semaphore(%arg33 : memref<!tpu.dma_semaphore, #tpu.memory_space<semaphore_mem>>) {add = true}
    %dma_wait3A_438 = tpu.memref_slice %arg2[%add3A_417] : memref<1600000xi32, #tpu.memory_space<hbm>> -> memref<5000xi32, #tpu.memory_space<hbm>>
    %dma_wait3A_439 = tpu.memref_slice %arg2[%add3A_417] : memref<1600000xi32, #tpu.memory_space<hbm>> -> memref<5000xi32, #tpu.memory_space<hbm>>
    tpu.wait_dma2 semaphore(%arg29 : memref<!tpu.dma_semaphore, #tpu.memory_space<semaphore_mem>>) src(%dma_wait3A_439 : memref<5000xi32, #tpu.memory_space<hbm>>) dst(%arg15 : memref<5000xi32, #tpu.memory_space<vmem>>)
    %dma_wait3A_440 = tpu.memref_slice %arg3[%add3A_417] : memref<1600000xi32, #tpu.memory_space<hbm>> -> memref<5000xi32, #tpu.memory_space<hbm>>
    %dma_wait3A_441 = tpu.memref_slice %arg3[%add3A_417] : memref<1600000xi32, #tpu.memory_space<hbm>> -> memref<5000xi32, #tpu.memory_space<hbm>>
    tpu.wait_dma2 semaphore(%arg29 : memref<!tpu.dma_semaphore, #tpu.memory_space<semaphore_mem>>) src(%dma_wait3A_441 : memref<5000xi32, #tpu.memory_space<hbm>>) dst(%arg18 : memref<5000xi32, #tpu.memory_space<vmem>>)
    %mul3A_442 = arith.constant 50000 : i32
    %mul3A_443 = arith.muli %add3A, %mul3A_442 : i32
    %add3A_444 = arith.constant 35000 : i32
    %add3A_445 = arith.addi %mul3A_443, %add3A_444 : i32
    %dma_start3A_446 = tpu.memref_slice %arg2[%add3A_445] : memref<1600000xi32, #tpu.memory_space<hbm>> -> memref<5000xi32, #tpu.memory_space<hbm>>
    %dma_start3A_447 = tpu.memref_slice %arg2[%add3A_445] : memref<1600000xi32, #tpu.memory_space<hbm>> -> memref<5000xi32, #tpu.memory_space<hbm>>
    tpu.enqueue_dma source(%dma_start3A_447 : memref<5000xi32, #tpu.memory_space<hbm>>) target(%arg16 : memref<5000xi32, #tpu.memory_space<vmem>>) target_semaphore(%arg29 : memref<!tpu.dma_semaphore, #tpu.memory_space<semaphore_mem>>)
    %dma_start3A_448 = tpu.memref_slice %arg3[%add3A_445] : memref<1600000xi32, #tpu.memory_space<hbm>> -> memref<5000xi32, #tpu.memory_space<hbm>>
    %dma_start3A_449 = tpu.memref_slice %arg3[%add3A_445] : memref<1600000xi32, #tpu.memory_space<hbm>> -> memref<5000xi32, #tpu.memory_space<hbm>>
    tpu.enqueue_dma source(%dma_start3A_449 : memref<5000xi32, #tpu.memory_space<hbm>>) target(%arg19 : memref<5000xi32, #tpu.memory_space<vmem>>) target_semaphore(%arg29 : memref<!tpu.dma_semaphore, #tpu.memory_space<semaphore_mem>>)
    %dma_start3A_450 = arith.constant 0 : i32
    %dma_start3A_451 = tpu.memref_slice %arg11[%dma_start3A_450] : memref<102400xf32, #tpu.memory_space<vmem_shared>> -> memref<102400xf32, #tpu.memory_space<vmem_shared>>
    tpu.enqueue_indirect_dma source(%dma_start3A_451 : memref<102400xf32, #tpu.memory_space<vmem_shared>>) target(%arg21 : memref<5000xf32, #tpu.memory_space<vmem>>) offsets(%arg15 : memref<5000xi32, #tpu.memory_space<vmem>>) semaphore(%arg30 : memref<!tpu.dma_semaphore, #tpu.memory_space<semaphore_mem>>)
    %dma_start3A_452 = arith.constant 0 : i32
    %dma_start3A_453 = tpu.memref_slice %arg12[%dma_start3A_452] : memref<102400xf32, #tpu.memory_space<vmem_shared>> -> memref<102400xf32, #tpu.memory_space<vmem_shared>>
    tpu.enqueue_indirect_dma source(%dma_start3A_453 : memref<102400xf32, #tpu.memory_space<vmem_shared>>) target(%arg23 : memref<5000xf32, #tpu.memory_space<vmem>>) offsets(%arg15 : memref<5000xi32, #tpu.memory_space<vmem>>) semaphore(%arg30 : memref<!tpu.dma_semaphore, #tpu.memory_space<semaphore_mem>>)
    %dma_wait3A_454 = arith.constant 0 : i32
    %dma_wait3A_455 = tpu.memref_slice %arg13[%dma_wait3A_454] : memref<102400xf32, #tpu.memory_space<vmem_shared>> -> memref<102400xf32, #tpu.memory_space<vmem_shared>>
    tpu.wait_indirect_dma semaphore(%arg33 : memref<!tpu.dma_semaphore, #tpu.memory_space<semaphore_mem>>) src(%arg22 : memref<5000xf32, #tpu.memory_space<vmem>>) dst(%dma_wait3A_455 : memref<102400xf32, #tpu.memory_space<vmem_shared>>)
    %dma_wait3A_456 = arith.constant 0 : i32
    %dma_wait3A_457 = tpu.memref_slice %arg14[%dma_wait3A_456] : memref<102400xf32, #tpu.memory_space<vmem_shared>> -> memref<102400xf32, #tpu.memory_space<vmem_shared>>
    tpu.wait_indirect_dma semaphore(%arg33 : memref<!tpu.dma_semaphore, #tpu.memory_space<semaphore_mem>>) src(%arg24 : memref<5000xf32, #tpu.memory_space<vmem>>) dst(%dma_wait3A_457 : memref<102400xf32, #tpu.memory_space<vmem_shared>>)
    %dma_wait3A_458 = arith.constant 0 : i32
    %dma_wait3A_459 = tpu.memref_slice %arg11[%dma_wait3A_458] : memref<102400xf32, #tpu.memory_space<vmem_shared>> -> memref<102400xf32, #tpu.memory_space<vmem_shared>>
    tpu.wait_indirect_dma semaphore(%arg30 : memref<!tpu.dma_semaphore, #tpu.memory_space<semaphore_mem>>) src(%dma_wait3A_459 : memref<102400xf32, #tpu.memory_space<vmem_shared>>) dst(%arg21 : memref<5000xf32, #tpu.memory_space<vmem>>)
    %dma_wait3A_460 = arith.constant 0 : i32
    %dma_wait3A_461 = tpu.memref_slice %arg12[%dma_wait3A_460] : memref<102400xf32, #tpu.memory_space<vmem_shared>> -> memref<102400xf32, #tpu.memory_space<vmem_shared>>
    tpu.wait_indirect_dma semaphore(%arg30 : memref<!tpu.dma_semaphore, #tpu.memory_space<semaphore_mem>>) src(%dma_wait3A_461 : memref<102400xf32, #tpu.memory_space<vmem_shared>>) dst(%arg23 : memref<5000xf32, #tpu.memory_space<vmem>>)
    %dma_start3A_462 = arith.constant 0 : i32
    %dma_start3A_463 = tpu.memref_slice %arg13[%dma_start3A_462] : memref<102400xf32, #tpu.memory_space<vmem_shared>> -> memref<102400xf32, #tpu.memory_space<vmem_shared>>
    tpu.enqueue_indirect_dma source(%arg21 : memref<5000xf32, #tpu.memory_space<vmem>>) target(%dma_start3A_463 : memref<102400xf32, #tpu.memory_space<vmem_shared>>) offsets(%arg18 : memref<5000xi32, #tpu.memory_space<vmem>>) semaphore(%arg32 : memref<!tpu.dma_semaphore, #tpu.memory_space<semaphore_mem>>) {add = true}
    %dma_start3A_464 = arith.constant 0 : i32
    %dma_start3A_465 = tpu.memref_slice %arg14[%dma_start3A_464] : memref<102400xf32, #tpu.memory_space<vmem_shared>> -> memref<102400xf32, #tpu.memory_space<vmem_shared>>
    tpu.enqueue_indirect_dma source(%arg23 : memref<5000xf32, #tpu.memory_space<vmem>>) target(%dma_start3A_465 : memref<102400xf32, #tpu.memory_space<vmem_shared>>) offsets(%arg18 : memref<5000xi32, #tpu.memory_space<vmem>>) semaphore(%arg32 : memref<!tpu.dma_semaphore, #tpu.memory_space<semaphore_mem>>) {add = true}
    %dma_wait3A_466 = tpu.memref_slice %arg2[%add3A_445] : memref<1600000xi32, #tpu.memory_space<hbm>> -> memref<5000xi32, #tpu.memory_space<hbm>>
    %dma_wait3A_467 = tpu.memref_slice %arg2[%add3A_445] : memref<1600000xi32, #tpu.memory_space<hbm>> -> memref<5000xi32, #tpu.memory_space<hbm>>
    tpu.wait_dma2 semaphore(%arg29 : memref<!tpu.dma_semaphore, #tpu.memory_space<semaphore_mem>>) src(%dma_wait3A_467 : memref<5000xi32, #tpu.memory_space<hbm>>) dst(%arg16 : memref<5000xi32, #tpu.memory_space<vmem>>)
    %dma_wait3A_468 = tpu.memref_slice %arg3[%add3A_445] : memref<1600000xi32, #tpu.memory_space<hbm>> -> memref<5000xi32, #tpu.memory_space<hbm>>
    %dma_wait3A_469 = tpu.memref_slice %arg3[%add3A_445] : memref<1600000xi32, #tpu.memory_space<hbm>> -> memref<5000xi32, #tpu.memory_space<hbm>>
    tpu.wait_dma2 semaphore(%arg29 : memref<!tpu.dma_semaphore, #tpu.memory_space<semaphore_mem>>) src(%dma_wait3A_469 : memref<5000xi32, #tpu.memory_space<hbm>>) dst(%arg19 : memref<5000xi32, #tpu.memory_space<vmem>>)
    %mul3A_470 = arith.constant 50000 : i32
    %mul3A_471 = arith.muli %add3A, %mul3A_470 : i32
    %add3A_472 = arith.constant 40000 : i32
    %add3A_473 = arith.addi %mul3A_471, %add3A_472 : i32
    %dma_start3A_474 = tpu.memref_slice %arg2[%add3A_473] : memref<1600000xi32, #tpu.memory_space<hbm>> -> memref<5000xi32, #tpu.memory_space<hbm>>
    %dma_start3A_475 = tpu.memref_slice %arg2[%add3A_473] : memref<1600000xi32, #tpu.memory_space<hbm>> -> memref<5000xi32, #tpu.memory_space<hbm>>
    tpu.enqueue_dma source(%dma_start3A_475 : memref<5000xi32, #tpu.memory_space<hbm>>) target(%arg17 : memref<5000xi32, #tpu.memory_space<vmem>>) target_semaphore(%arg29 : memref<!tpu.dma_semaphore, #tpu.memory_space<semaphore_mem>>)
    %dma_start3A_476 = tpu.memref_slice %arg3[%add3A_473] : memref<1600000xi32, #tpu.memory_space<hbm>> -> memref<5000xi32, #tpu.memory_space<hbm>>
    %dma_start3A_477 = tpu.memref_slice %arg3[%add3A_473] : memref<1600000xi32, #tpu.memory_space<hbm>> -> memref<5000xi32, #tpu.memory_space<hbm>>
    tpu.enqueue_dma source(%dma_start3A_477 : memref<5000xi32, #tpu.memory_space<hbm>>) target(%arg20 : memref<5000xi32, #tpu.memory_space<vmem>>) target_semaphore(%arg29 : memref<!tpu.dma_semaphore, #tpu.memory_space<semaphore_mem>>)
    %dma_start3A_478 = arith.constant 0 : i32
    %dma_start3A_479 = tpu.memref_slice %arg11[%dma_start3A_478] : memref<102400xf32, #tpu.memory_space<vmem_shared>> -> memref<102400xf32, #tpu.memory_space<vmem_shared>>
    tpu.enqueue_indirect_dma source(%dma_start3A_479 : memref<102400xf32, #tpu.memory_space<vmem_shared>>) target(%arg22 : memref<5000xf32, #tpu.memory_space<vmem>>) offsets(%arg16 : memref<5000xi32, #tpu.memory_space<vmem>>) semaphore(%arg31 : memref<!tpu.dma_semaphore, #tpu.memory_space<semaphore_mem>>)
    %dma_start3A_480 = arith.constant 0 : i32
    %dma_start3A_481 = tpu.memref_slice %arg12[%dma_start3A_480] : memref<102400xf32, #tpu.memory_space<vmem_shared>> -> memref<102400xf32, #tpu.memory_space<vmem_shared>>
    tpu.enqueue_indirect_dma source(%dma_start3A_481 : memref<102400xf32, #tpu.memory_space<vmem_shared>>) target(%arg24 : memref<5000xf32, #tpu.memory_space<vmem>>) offsets(%arg16 : memref<5000xi32, #tpu.memory_space<vmem>>) semaphore(%arg31 : memref<!tpu.dma_semaphore, #tpu.memory_space<semaphore_mem>>)
    %dma_wait3A_482 = arith.constant 0 : i32
    %dma_wait3A_483 = tpu.memref_slice %arg13[%dma_wait3A_482] : memref<102400xf32, #tpu.memory_space<vmem_shared>> -> memref<102400xf32, #tpu.memory_space<vmem_shared>>
    tpu.wait_indirect_dma semaphore(%arg32 : memref<!tpu.dma_semaphore, #tpu.memory_space<semaphore_mem>>) src(%arg21 : memref<5000xf32, #tpu.memory_space<vmem>>) dst(%dma_wait3A_483 : memref<102400xf32, #tpu.memory_space<vmem_shared>>)
    %dma_wait3A_484 = arith.constant 0 : i32
    %dma_wait3A_485 = tpu.memref_slice %arg14[%dma_wait3A_484] : memref<102400xf32, #tpu.memory_space<vmem_shared>> -> memref<102400xf32, #tpu.memory_space<vmem_shared>>
    tpu.wait_indirect_dma semaphore(%arg32 : memref<!tpu.dma_semaphore, #tpu.memory_space<semaphore_mem>>) src(%arg23 : memref<5000xf32, #tpu.memory_space<vmem>>) dst(%dma_wait3A_485 : memref<102400xf32, #tpu.memory_space<vmem_shared>>)
    %dma_wait3A_486 = arith.constant 0 : i32
    %dma_wait3A_487 = tpu.memref_slice %arg11[%dma_wait3A_486] : memref<102400xf32, #tpu.memory_space<vmem_shared>> -> memref<102400xf32, #tpu.memory_space<vmem_shared>>
    tpu.wait_indirect_dma semaphore(%arg31 : memref<!tpu.dma_semaphore, #tpu.memory_space<semaphore_mem>>) src(%dma_wait3A_487 : memref<102400xf32, #tpu.memory_space<vmem_shared>>) dst(%arg22 : memref<5000xf32, #tpu.memory_space<vmem>>)
    %dma_wait3A_488 = arith.constant 0 : i32
    %dma_wait3A_489 = tpu.memref_slice %arg12[%dma_wait3A_488] : memref<102400xf32, #tpu.memory_space<vmem_shared>> -> memref<102400xf32, #tpu.memory_space<vmem_shared>>
    tpu.wait_indirect_dma semaphore(%arg31 : memref<!tpu.dma_semaphore, #tpu.memory_space<semaphore_mem>>) src(%dma_wait3A_489 : memref<102400xf32, #tpu.memory_space<vmem_shared>>) dst(%arg24 : memref<5000xf32, #tpu.memory_space<vmem>>)
    %dma_start3A_490 = arith.constant 0 : i32
    %dma_start3A_491 = tpu.memref_slice %arg13[%dma_start3A_490] : memref<102400xf32, #tpu.memory_space<vmem_shared>> -> memref<102400xf32, #tpu.memory_space<vmem_shared>>
    tpu.enqueue_indirect_dma source(%arg22 : memref<5000xf32, #tpu.memory_space<vmem>>) target(%dma_start3A_491 : memref<102400xf32, #tpu.memory_space<vmem_shared>>) offsets(%arg19 : memref<5000xi32, #tpu.memory_space<vmem>>) semaphore(%arg33 : memref<!tpu.dma_semaphore, #tpu.memory_space<semaphore_mem>>) {add = true}
    %dma_start3A_492 = arith.constant 0 : i32
    %dma_start3A_493 = tpu.memref_slice %arg14[%dma_start3A_492] : memref<102400xf32, #tpu.memory_space<vmem_shared>> -> memref<102400xf32, #tpu.memory_space<vmem_shared>>
    tpu.enqueue_indirect_dma source(%arg24 : memref<5000xf32, #tpu.memory_space<vmem>>) target(%dma_start3A_493 : memref<102400xf32, #tpu.memory_space<vmem_shared>>) offsets(%arg19 : memref<5000xi32, #tpu.memory_space<vmem>>) semaphore(%arg33 : memref<!tpu.dma_semaphore, #tpu.memory_space<semaphore_mem>>) {add = true}
    %dma_wait3A_494 = tpu.memref_slice %arg2[%add3A_473] : memref<1600000xi32, #tpu.memory_space<hbm>> -> memref<5000xi32, #tpu.memory_space<hbm>>
    %dma_wait3A_495 = tpu.memref_slice %arg2[%add3A_473] : memref<1600000xi32, #tpu.memory_space<hbm>> -> memref<5000xi32, #tpu.memory_space<hbm>>
    tpu.wait_dma2 semaphore(%arg29 : memref<!tpu.dma_semaphore, #tpu.memory_space<semaphore_mem>>) src(%dma_wait3A_495 : memref<5000xi32, #tpu.memory_space<hbm>>) dst(%arg17 : memref<5000xi32, #tpu.memory_space<vmem>>)
    %dma_wait3A_496 = tpu.memref_slice %arg3[%add3A_473] : memref<1600000xi32, #tpu.memory_space<hbm>> -> memref<5000xi32, #tpu.memory_space<hbm>>
    %dma_wait3A_497 = tpu.memref_slice %arg3[%add3A_473] : memref<1600000xi32, #tpu.memory_space<hbm>> -> memref<5000xi32, #tpu.memory_space<hbm>>
    tpu.wait_dma2 semaphore(%arg29 : memref<!tpu.dma_semaphore, #tpu.memory_space<semaphore_mem>>) src(%dma_wait3A_497 : memref<5000xi32, #tpu.memory_space<hbm>>) dst(%arg20 : memref<5000xi32, #tpu.memory_space<vmem>>)
    %mul3A_498 = arith.constant 50000 : i32
    %mul3A_499 = arith.muli %add3A, %mul3A_498 : i32
    %add3A_500 = arith.constant 45000 : i32
    %add3A_501 = arith.addi %mul3A_499, %add3A_500 : i32
    %dma_start3A_502 = tpu.memref_slice %arg2[%add3A_501] : memref<1600000xi32, #tpu.memory_space<hbm>> -> memref<5000xi32, #tpu.memory_space<hbm>>
    %dma_start3A_503 = tpu.memref_slice %arg2[%add3A_501] : memref<1600000xi32, #tpu.memory_space<hbm>> -> memref<5000xi32, #tpu.memory_space<hbm>>
    tpu.enqueue_dma source(%dma_start3A_503 : memref<5000xi32, #tpu.memory_space<hbm>>) target(%arg15 : memref<5000xi32, #tpu.memory_space<vmem>>) target_semaphore(%arg29 : memref<!tpu.dma_semaphore, #tpu.memory_space<semaphore_mem>>)
    %dma_start3A_504 = tpu.memref_slice %arg3[%add3A_501] : memref<1600000xi32, #tpu.memory_space<hbm>> -> memref<5000xi32, #tpu.memory_space<hbm>>
    %dma_start3A_505 = tpu.memref_slice %arg3[%add3A_501] : memref<1600000xi32, #tpu.memory_space<hbm>> -> memref<5000xi32, #tpu.memory_space<hbm>>
    tpu.enqueue_dma source(%dma_start3A_505 : memref<5000xi32, #tpu.memory_space<hbm>>) target(%arg18 : memref<5000xi32, #tpu.memory_space<vmem>>) target_semaphore(%arg29 : memref<!tpu.dma_semaphore, #tpu.memory_space<semaphore_mem>>)
    %dma_start3A_506 = arith.constant 0 : i32
    %dma_start3A_507 = tpu.memref_slice %arg11[%dma_start3A_506] : memref<102400xf32, #tpu.memory_space<vmem_shared>> -> memref<102400xf32, #tpu.memory_space<vmem_shared>>
    tpu.enqueue_indirect_dma source(%dma_start3A_507 : memref<102400xf32, #tpu.memory_space<vmem_shared>>) target(%arg21 : memref<5000xf32, #tpu.memory_space<vmem>>) offsets(%arg17 : memref<5000xi32, #tpu.memory_space<vmem>>) semaphore(%arg30 : memref<!tpu.dma_semaphore, #tpu.memory_space<semaphore_mem>>)
    %dma_start3A_508 = arith.constant 0 : i32
    %dma_start3A_509 = tpu.memref_slice %arg12[%dma_start3A_508] : memref<102400xf32, #tpu.memory_space<vmem_shared>> -> memref<102400xf32, #tpu.memory_space<vmem_shared>>
    tpu.enqueue_indirect_dma source(%dma_start3A_509 : memref<102400xf32, #tpu.memory_space<vmem_shared>>) target(%arg23 : memref<5000xf32, #tpu.memory_space<vmem>>) offsets(%arg17 : memref<5000xi32, #tpu.memory_space<vmem>>) semaphore(%arg30 : memref<!tpu.dma_semaphore, #tpu.memory_space<semaphore_mem>>)
    %dma_wait3A_510 = arith.constant 0 : i32
    %dma_wait3A_511 = tpu.memref_slice %arg13[%dma_wait3A_510] : memref<102400xf32, #tpu.memory_space<vmem_shared>> -> memref<102400xf32, #tpu.memory_space<vmem_shared>>
    tpu.wait_indirect_dma semaphore(%arg33 : memref<!tpu.dma_semaphore, #tpu.memory_space<semaphore_mem>>) src(%arg22 : memref<5000xf32, #tpu.memory_space<vmem>>) dst(%dma_wait3A_511 : memref<102400xf32, #tpu.memory_space<vmem_shared>>)
    %dma_wait3A_512 = arith.constant 0 : i32
    %dma_wait3A_513 = tpu.memref_slice %arg14[%dma_wait3A_512] : memref<102400xf32, #tpu.memory_space<vmem_shared>> -> memref<102400xf32, #tpu.memory_space<vmem_shared>>
    tpu.wait_indirect_dma semaphore(%arg33 : memref<!tpu.dma_semaphore, #tpu.memory_space<semaphore_mem>>) src(%arg24 : memref<5000xf32, #tpu.memory_space<vmem>>) dst(%dma_wait3A_513 : memref<102400xf32, #tpu.memory_space<vmem_shared>>)
    %dma_wait3A_514 = arith.constant 0 : i32
    %dma_wait3A_515 = tpu.memref_slice %arg11[%dma_wait3A_514] : memref<102400xf32, #tpu.memory_space<vmem_shared>> -> memref<102400xf32, #tpu.memory_space<vmem_shared>>
    tpu.wait_indirect_dma semaphore(%arg30 : memref<!tpu.dma_semaphore, #tpu.memory_space<semaphore_mem>>) src(%dma_wait3A_515 : memref<102400xf32, #tpu.memory_space<vmem_shared>>) dst(%arg21 : memref<5000xf32, #tpu.memory_space<vmem>>)
    %dma_wait3A_516 = arith.constant 0 : i32
    %dma_wait3A_517 = tpu.memref_slice %arg12[%dma_wait3A_516] : memref<102400xf32, #tpu.memory_space<vmem_shared>> -> memref<102400xf32, #tpu.memory_space<vmem_shared>>
    tpu.wait_indirect_dma semaphore(%arg30 : memref<!tpu.dma_semaphore, #tpu.memory_space<semaphore_mem>>) src(%dma_wait3A_517 : memref<102400xf32, #tpu.memory_space<vmem_shared>>) dst(%arg23 : memref<5000xf32, #tpu.memory_space<vmem>>)
    %dma_start3A_518 = arith.constant 0 : i32
    %dma_start3A_519 = tpu.memref_slice %arg13[%dma_start3A_518] : memref<102400xf32, #tpu.memory_space<vmem_shared>> -> memref<102400xf32, #tpu.memory_space<vmem_shared>>
    tpu.enqueue_indirect_dma source(%arg21 : memref<5000xf32, #tpu.memory_space<vmem>>) target(%dma_start3A_519 : memref<102400xf32, #tpu.memory_space<vmem_shared>>) offsets(%arg20 : memref<5000xi32, #tpu.memory_space<vmem>>) semaphore(%arg32 : memref<!tpu.dma_semaphore, #tpu.memory_space<semaphore_mem>>) {add = true}
    %dma_start3A_520 = arith.constant 0 : i32
    %dma_start3A_521 = tpu.memref_slice %arg14[%dma_start3A_520] : memref<102400xf32, #tpu.memory_space<vmem_shared>> -> memref<102400xf32, #tpu.memory_space<vmem_shared>>
    tpu.enqueue_indirect_dma source(%arg23 : memref<5000xf32, #tpu.memory_space<vmem>>) target(%dma_start3A_521 : memref<102400xf32, #tpu.memory_space<vmem_shared>>) offsets(%arg20 : memref<5000xi32, #tpu.memory_space<vmem>>) semaphore(%arg32 : memref<!tpu.dma_semaphore, #tpu.memory_space<semaphore_mem>>) {add = true}
    %dma_wait3A_522 = tpu.memref_slice %arg2[%add3A_501] : memref<1600000xi32, #tpu.memory_space<hbm>> -> memref<5000xi32, #tpu.memory_space<hbm>>
    %dma_wait3A_523 = tpu.memref_slice %arg2[%add3A_501] : memref<1600000xi32, #tpu.memory_space<hbm>> -> memref<5000xi32, #tpu.memory_space<hbm>>
    tpu.wait_dma2 semaphore(%arg29 : memref<!tpu.dma_semaphore, #tpu.memory_space<semaphore_mem>>) src(%dma_wait3A_523 : memref<5000xi32, #tpu.memory_space<hbm>>) dst(%arg15 : memref<5000xi32, #tpu.memory_space<vmem>>)
    %dma_wait3A_524 = tpu.memref_slice %arg3[%add3A_501] : memref<1600000xi32, #tpu.memory_space<hbm>> -> memref<5000xi32, #tpu.memory_space<hbm>>
    %dma_wait3A_525 = tpu.memref_slice %arg3[%add3A_501] : memref<1600000xi32, #tpu.memory_space<hbm>> -> memref<5000xi32, #tpu.memory_space<hbm>>
    tpu.wait_dma2 semaphore(%arg29 : memref<!tpu.dma_semaphore, #tpu.memory_space<semaphore_mem>>) src(%dma_wait3A_525 : memref<5000xi32, #tpu.memory_space<hbm>>) dst(%arg18 : memref<5000xi32, #tpu.memory_space<vmem>>)
    %dma_start3A_526 = arith.constant 0 : i32
    %dma_start3A_527 = tpu.memref_slice %arg11[%dma_start3A_526] : memref<102400xf32, #tpu.memory_space<vmem_shared>> -> memref<102400xf32, #tpu.memory_space<vmem_shared>>
    tpu.enqueue_indirect_dma source(%dma_start3A_527 : memref<102400xf32, #tpu.memory_space<vmem_shared>>) target(%arg22 : memref<5000xf32, #tpu.memory_space<vmem>>) offsets(%arg15 : memref<5000xi32, #tpu.memory_space<vmem>>) semaphore(%arg31 : memref<!tpu.dma_semaphore, #tpu.memory_space<semaphore_mem>>)
    %dma_start3A_528 = arith.constant 0 : i32
    %dma_start3A_529 = tpu.memref_slice %arg12[%dma_start3A_528] : memref<102400xf32, #tpu.memory_space<vmem_shared>> -> memref<102400xf32, #tpu.memory_space<vmem_shared>>
    tpu.enqueue_indirect_dma source(%dma_start3A_529 : memref<102400xf32, #tpu.memory_space<vmem_shared>>) target(%arg24 : memref<5000xf32, #tpu.memory_space<vmem>>) offsets(%arg15 : memref<5000xi32, #tpu.memory_space<vmem>>) semaphore(%arg31 : memref<!tpu.dma_semaphore, #tpu.memory_space<semaphore_mem>>)
    %dma_wait3A_530 = arith.constant 0 : i32
    %dma_wait3A_531 = tpu.memref_slice %arg11[%dma_wait3A_530] : memref<102400xf32, #tpu.memory_space<vmem_shared>> -> memref<102400xf32, #tpu.memory_space<vmem_shared>>
    tpu.wait_indirect_dma semaphore(%arg31 : memref<!tpu.dma_semaphore, #tpu.memory_space<semaphore_mem>>) src(%dma_wait3A_531 : memref<102400xf32, #tpu.memory_space<vmem_shared>>) dst(%arg22 : memref<5000xf32, #tpu.memory_space<vmem>>)
    %dma_wait3A_532 = arith.constant 0 : i32
    %dma_wait3A_533 = tpu.memref_slice %arg12[%dma_wait3A_532] : memref<102400xf32, #tpu.memory_space<vmem_shared>> -> memref<102400xf32, #tpu.memory_space<vmem_shared>>
    tpu.wait_indirect_dma semaphore(%arg31 : memref<!tpu.dma_semaphore, #tpu.memory_space<semaphore_mem>>) src(%dma_wait3A_533 : memref<102400xf32, #tpu.memory_space<vmem_shared>>) dst(%arg24 : memref<5000xf32, #tpu.memory_space<vmem>>)
    %dma_start3A_534 = arith.constant 0 : i32
    %dma_start3A_535 = tpu.memref_slice %arg13[%dma_start3A_534] : memref<102400xf32, #tpu.memory_space<vmem_shared>> -> memref<102400xf32, #tpu.memory_space<vmem_shared>>
    tpu.enqueue_indirect_dma source(%arg22 : memref<5000xf32, #tpu.memory_space<vmem>>) target(%dma_start3A_535 : memref<102400xf32, #tpu.memory_space<vmem_shared>>) offsets(%arg18 : memref<5000xi32, #tpu.memory_space<vmem>>) semaphore(%arg33 : memref<!tpu.dma_semaphore, #tpu.memory_space<semaphore_mem>>) {add = true}
    %dma_start3A_536 = arith.constant 0 : i32
    %dma_start3A_537 = tpu.memref_slice %arg14[%dma_start3A_536] : memref<102400xf32, #tpu.memory_space<vmem_shared>> -> memref<102400xf32, #tpu.memory_space<vmem_shared>>
    tpu.enqueue_indirect_dma source(%arg24 : memref<5000xf32, #tpu.memory_space<vmem>>) target(%dma_start3A_537 : memref<102400xf32, #tpu.memory_space<vmem_shared>>) offsets(%arg18 : memref<5000xi32, #tpu.memory_space<vmem>>) semaphore(%arg33 : memref<!tpu.dma_semaphore, #tpu.memory_space<semaphore_mem>>) {add = true}
    %dma_wait3A_538 = arith.constant 0 : i32
    %dma_wait3A_539 = tpu.memref_slice %arg13[%dma_wait3A_538] : memref<102400xf32, #tpu.memory_space<vmem_shared>> -> memref<102400xf32, #tpu.memory_space<vmem_shared>>
    tpu.wait_indirect_dma semaphore(%arg32 : memref<!tpu.dma_semaphore, #tpu.memory_space<semaphore_mem>>) src(%arg21 : memref<5000xf32, #tpu.memory_space<vmem>>) dst(%dma_wait3A_539 : memref<102400xf32, #tpu.memory_space<vmem_shared>>)
    %dma_wait3A_540 = arith.constant 0 : i32
    %dma_wait3A_541 = tpu.memref_slice %arg14[%dma_wait3A_540] : memref<102400xf32, #tpu.memory_space<vmem_shared>> -> memref<102400xf32, #tpu.memory_space<vmem_shared>>
    tpu.wait_indirect_dma semaphore(%arg32 : memref<!tpu.dma_semaphore, #tpu.memory_space<semaphore_mem>>) src(%arg23 : memref<5000xf32, #tpu.memory_space<vmem>>) dst(%dma_wait3A_541 : memref<102400xf32, #tpu.memory_space<vmem_shared>>)
    %dma_wait3A_542 = arith.constant 0 : i32
    %dma_wait3A_543 = tpu.memref_slice %arg13[%dma_wait3A_542] : memref<102400xf32, #tpu.memory_space<vmem_shared>> -> memref<102400xf32, #tpu.memory_space<vmem_shared>>
    tpu.wait_indirect_dma semaphore(%arg33 : memref<!tpu.dma_semaphore, #tpu.memory_space<semaphore_mem>>) src(%arg22 : memref<5000xf32, #tpu.memory_space<vmem>>) dst(%dma_wait3A_543 : memref<102400xf32, #tpu.memory_space<vmem_shared>>)
    %dma_wait3A_544 = arith.constant 0 : i32
    %dma_wait3A_545 = tpu.memref_slice %arg14[%dma_wait3A_544] : memref<102400xf32, #tpu.memory_space<vmem_shared>> -> memref<102400xf32, #tpu.memory_space<vmem_shared>>
    tpu.wait_indirect_dma semaphore(%arg33 : memref<!tpu.dma_semaphore, #tpu.memory_space<semaphore_mem>>) src(%arg24 : memref<5000xf32, #tpu.memory_space<vmem>>) dst(%dma_wait3A_545 : memref<102400xf32, #tpu.memory_space<vmem_shared>>)
    %barrier3A_546 = arith.constant 0 : index
    tpu.barrier barrier_id(%barrier3A_546)
    %run_scoped3A = arith.constant 0 : i32
    "tpu.region"() ({
      %run_scoped3A_548 = tpu.sem_alloc : memref<!tpu.dma_semaphore, #tpu.memory_space<semaphore_mem>>
      %dma_start3A_549 = tpu.memref_slice %arg8[%arg0, %run_scoped3A, %mul3A_2] : memref<2x2x102400xf32, #tpu.memory_space<hbm>> -> memref<1x1x6400xf32, #tpu.memory_space<hbm>>
      %dma_start3A_550 = tpu.memref_squeeze %dma_start3A_549 : memref<1x1x6400xf32, #tpu.memory_space<hbm>> -> memref<6400xf32, #tpu.memory_space<hbm>>
      %dma_start3A_551 = tpu.memref_slice %arg13[%mul3A_2] : memref<102400xf32, #tpu.memory_space<vmem_shared>> -> memref<6400xf32, #tpu.memory_space<vmem_shared>>
      tpu.enqueue_dma source(%dma_start3A_551 : memref<6400xf32, #tpu.memory_space<vmem_shared>>) target(%dma_start3A_550 : memref<6400xf32, #tpu.memory_space<hbm>>) target_semaphore(%run_scoped3A_548 : memref<!tpu.dma_semaphore, #tpu.memory_space<semaphore_mem>>)
      %dma_wait3A_552 = tpu.memref_slice %arg8[%arg0, %run_scoped3A, %mul3A_2] : memref<2x2x102400xf32, #tpu.memory_space<hbm>> -> memref<1x1x6400xf32, #tpu.memory_space<hbm>>
      %dma_wait3A_553 = tpu.memref_squeeze %dma_wait3A_552 : memref<1x1x6400xf32, #tpu.memory_space<hbm>> -> memref<6400xf32, #tpu.memory_space<hbm>>
      %dma_wait3A_554 = tpu.memref_slice %arg13[%mul3A_2] : memref<102400xf32, #tpu.memory_space<vmem_shared>> -> memref<6400xf32, #tpu.memory_space<vmem_shared>>
      tpu.wait_dma2 semaphore(%run_scoped3A_548 : memref<!tpu.dma_semaphore, #tpu.memory_space<semaphore_mem>>) src(%dma_wait3A_554 : memref<6400xf32, #tpu.memory_space<vmem_shared>>) dst(%dma_wait3A_553 : memref<6400xf32, #tpu.memory_space<hbm>>)
      tpu.yield
    }) : () -> ()
    %run_scoped3A_547 = arith.constant 1 : i32
    "tpu.region"() ({
      %run_scoped3A_548 = tpu.sem_alloc : memref<!tpu.dma_semaphore, #tpu.memory_space<semaphore_mem>>
      %dma_start3A_549 = tpu.memref_slice %arg8[%arg0, %run_scoped3A_547, %mul3A_2] : memref<2x2x102400xf32, #tpu.memory_space<hbm>> -> memref<1x1x6400xf32, #tpu.memory_space<hbm>>
      %dma_start3A_550 = tpu.memref_squeeze %dma_start3A_549 : memref<1x1x6400xf32, #tpu.memory_space<hbm>> -> memref<6400xf32, #tpu.memory_space<hbm>>
      %dma_start3A_551 = tpu.memref_slice %arg14[%mul3A_2] : memref<102400xf32, #tpu.memory_space<vmem_shared>> -> memref<6400xf32, #tpu.memory_space<vmem_shared>>
      tpu.enqueue_dma source(%dma_start3A_551 : memref<6400xf32, #tpu.memory_space<vmem_shared>>) target(%dma_start3A_550 : memref<6400xf32, #tpu.memory_space<hbm>>) target_semaphore(%run_scoped3A_548 : memref<!tpu.dma_semaphore, #tpu.memory_space<semaphore_mem>>)
      %dma_wait3A_552 = tpu.memref_slice %arg8[%arg0, %run_scoped3A_547, %mul3A_2] : memref<2x2x102400xf32, #tpu.memory_space<hbm>> -> memref<1x1x6400xf32, #tpu.memory_space<hbm>>
      %dma_wait3A_553 = tpu.memref_squeeze %dma_wait3A_552 : memref<1x1x6400xf32, #tpu.memory_space<hbm>> -> memref<6400xf32, #tpu.memory_space<hbm>>
      %dma_wait3A_554 = tpu.memref_slice %arg14[%mul3A_2] : memref<102400xf32, #tpu.memory_space<vmem_shared>> -> memref<6400xf32, #tpu.memory_space<vmem_shared>>
      tpu.wait_dma2 semaphore(%run_scoped3A_548 : memref<!tpu.dma_semaphore, #tpu.memory_space<semaphore_mem>>) src(%dma_wait3A_554 : memref<6400xf32, #tpu.memory_space<vmem_shared>>) dst(%dma_wait3A_553 : memref<6400xf32, #tpu.memory_space<hbm>>)
      tpu.yield
    }) : () -> ()
    return
  }
}

#map = affine_map<(d0, d1) -> (0)>
#map1 = affine_map<(d0, d1) -> (0, 0)>
module attributes {stable_mosaic.version = 14 : i64} {
  func.func @_l2_body(%arg0: i32, %arg1: i32, %arg2: memref<1600000xi32, #tpu.memory_space<hbm>>, %arg3: memref<1600000xi32, #tpu.memory_space<hbm>>, %arg4: memref<102400xf32, #tpu.memory_space<hbm>>, %arg5: memref<6400xf32, #tpu.memory_space<hbm>>, %arg6: memref<2x102400xf32, #tpu.memory_space<hbm>>, %arg7: memref<102400xf32, #tpu.memory_space<vmem_shared>>, %arg8: memref<102400xf32, #tpu.memory_space<vmem_shared>>, %arg9: memref<10000xi32, #tpu.memory_space<vmem>>, %arg10: memref<10000xi32, #tpu.memory_space<vmem>>, %arg11: memref<10000xi32, #tpu.memory_space<vmem>>, %arg12: memref<10000xi32, #tpu.memory_space<vmem>>, %arg13: memref<10000xi32, #tpu.memory_space<vmem>>, %arg14: memref<10000xi32, #tpu.memory_space<vmem>>, %arg15: memref<10000xf32, #tpu.memory_space<vmem>>, %arg16: memref<10000xf32, #tpu.memory_space<vmem>>, %arg17: memref<!tpu.dma_semaphore, #tpu.memory_space<semaphore_mem>>, %arg18: memref<!tpu.dma_semaphore, #tpu.memory_space<semaphore_mem>>, %arg19: memref<!tpu.dma_semaphore, #tpu.memory_space<semaphore_mem>>, %arg20: memref<!tpu.dma_semaphore, #tpu.memory_space<semaphore_mem>>, %arg21: memref<!tpu.dma_semaphore, #tpu.memory_space<semaphore_mem>>) attributes {dimension_semantics = [#tpu.dimension_semantics<core_parallel>, #tpu.dimension_semantics<subcore_parallel>], iteration_bounds = array<i64: 2, 16>, scalar_prefetch = 0 : i64, scratch_operands = 15 : i64, tpu.core_type = #tpu.core_type<sc_vector_subcore>, window_params = [{transform_indices = #map}, {transform_indices = #map}, {transform_indices = #map}, {transform_indices = #map}, {transform_indices = #map1}]} {
    %mul3A = arith.constant 2 : i32
    %mul3A_0 = arith.muli %arg1, %mul3A : i32
    %add3A = arith.addi %mul3A_0, %arg0 : i32
    %mul3A_1 = arith.constant 6400 : i32
    %mul3A_2 = arith.muli %arg1, %mul3A_1 : i32
    %mul3A_3 = arith.constant 50000 : i32
    %mul3A_4 = arith.muli %add3A, %mul3A_3 : i32
    %dma_start3A = tpu.memref_slice %arg2[%mul3A_4] : memref<1600000xi32, #tpu.memory_space<hbm>> -> memref<10000xi32, #tpu.memory_space<hbm>>
    %dma_start3A_5 = tpu.memref_slice %arg2[%mul3A_4] : memref<1600000xi32, #tpu.memory_space<hbm>> -> memref<10000xi32, #tpu.memory_space<hbm>>
    tpu.enqueue_dma source(%dma_start3A_5 : memref<10000xi32, #tpu.memory_space<hbm>>) target(%arg9 : memref<10000xi32, #tpu.memory_space<vmem>>) target_semaphore(%arg17 : memref<!tpu.dma_semaphore, #tpu.memory_space<semaphore_mem>>)
    %dma_start3A_6 = tpu.memref_slice %arg3[%mul3A_4] : memref<1600000xi32, #tpu.memory_space<hbm>> -> memref<10000xi32, #tpu.memory_space<hbm>>
    %dma_start3A_7 = tpu.memref_slice %arg3[%mul3A_4] : memref<1600000xi32, #tpu.memory_space<hbm>> -> memref<10000xi32, #tpu.memory_space<hbm>>
    tpu.enqueue_dma source(%dma_start3A_7 : memref<10000xi32, #tpu.memory_space<hbm>>) target(%arg12 : memref<10000xi32, #tpu.memory_space<vmem>>) target_semaphore(%arg17 : memref<!tpu.dma_semaphore, #tpu.memory_space<semaphore_mem>>)
    %dma_start3A_8 = tpu.memref_slice %arg7[%mul3A_2] : memref<102400xf32, #tpu.memory_space<vmem_shared>> -> memref<6400xf32, #tpu.memory_space<vmem_shared>>
    %dma_start3A_9 = tpu.memref_slice %arg4[%mul3A_2] : memref<102400xf32, #tpu.memory_space<hbm>> -> memref<6400xf32, #tpu.memory_space<hbm>>
    tpu.enqueue_dma source(%dma_start3A_9 : memref<6400xf32, #tpu.memory_space<hbm>>) target(%dma_start3A_8 : memref<6400xf32, #tpu.memory_space<vmem_shared>>) target_semaphore(%arg18 : memref<!tpu.dma_semaphore, #tpu.memory_space<semaphore_mem>>)
    %dma_start3A_10 = tpu.memref_slice %arg8[%mul3A_2] : memref<102400xf32, #tpu.memory_space<vmem_shared>> -> memref<6400xf32, #tpu.memory_space<vmem_shared>>
    tpu.enqueue_dma source(%arg5 : memref<6400xf32, #tpu.memory_space<hbm>>) target(%dma_start3A_10 : memref<6400xf32, #tpu.memory_space<vmem_shared>>) target_semaphore(%arg19 : memref<!tpu.dma_semaphore, #tpu.memory_space<semaphore_mem>>)
    %dma_wait3A = tpu.memref_slice %arg7[%mul3A_2] : memref<102400xf32, #tpu.memory_space<vmem_shared>> -> memref<6400xf32, #tpu.memory_space<vmem_shared>>
    %dma_wait3A_11 = tpu.memref_slice %arg4[%mul3A_2] : memref<102400xf32, #tpu.memory_space<hbm>> -> memref<6400xf32, #tpu.memory_space<hbm>>
    tpu.wait_dma2 semaphore(%arg18 : memref<!tpu.dma_semaphore, #tpu.memory_space<semaphore_mem>>) src(%dma_wait3A_11 : memref<6400xf32, #tpu.memory_space<hbm>>) dst(%dma_wait3A : memref<6400xf32, #tpu.memory_space<vmem_shared>>)
    %dma_wait3A_12 = tpu.memref_slice %arg8[%mul3A_2] : memref<102400xf32, #tpu.memory_space<vmem_shared>> -> memref<6400xf32, #tpu.memory_space<vmem_shared>>
    tpu.wait_dma2 semaphore(%arg19 : memref<!tpu.dma_semaphore, #tpu.memory_space<semaphore_mem>>) src(%arg5 : memref<6400xf32, #tpu.memory_space<hbm>>) dst(%dma_wait3A_12 : memref<6400xf32, #tpu.memory_space<vmem_shared>>)
    %barrier3A = arith.constant 0 : index
    tpu.barrier barrier_id(%barrier3A)
    %dma_wait3A_13 = tpu.memref_slice %arg2[%mul3A_4] : memref<1600000xi32, #tpu.memory_space<hbm>> -> memref<10000xi32, #tpu.memory_space<hbm>>
    %dma_wait3A_14 = tpu.memref_slice %arg2[%mul3A_4] : memref<1600000xi32, #tpu.memory_space<hbm>> -> memref<10000xi32, #tpu.memory_space<hbm>>
    tpu.wait_dma2 semaphore(%arg17 : memref<!tpu.dma_semaphore, #tpu.memory_space<semaphore_mem>>) src(%dma_wait3A_14 : memref<10000xi32, #tpu.memory_space<hbm>>) dst(%arg9 : memref<10000xi32, #tpu.memory_space<vmem>>)
    %dma_wait3A_15 = tpu.memref_slice %arg3[%mul3A_4] : memref<1600000xi32, #tpu.memory_space<hbm>> -> memref<10000xi32, #tpu.memory_space<hbm>>
    %dma_wait3A_16 = tpu.memref_slice %arg3[%mul3A_4] : memref<1600000xi32, #tpu.memory_space<hbm>> -> memref<10000xi32, #tpu.memory_space<hbm>>
    tpu.wait_dma2 semaphore(%arg17 : memref<!tpu.dma_semaphore, #tpu.memory_space<semaphore_mem>>) src(%dma_wait3A_16 : memref<10000xi32, #tpu.memory_space<hbm>>) dst(%arg12 : memref<10000xi32, #tpu.memory_space<vmem>>)
    %mul3A_17 = arith.constant 50000 : i32
    %mul3A_18 = arith.muli %add3A, %mul3A_17 : i32
    %add3A_19 = arith.constant 10000 : i32
    %add3A_20 = arith.addi %mul3A_18, %add3A_19 : i32
    %dma_start3A_21 = tpu.memref_slice %arg2[%add3A_20] : memref<1600000xi32, #tpu.memory_space<hbm>> -> memref<10000xi32, #tpu.memory_space<hbm>>
    %dma_start3A_22 = tpu.memref_slice %arg2[%add3A_20] : memref<1600000xi32, #tpu.memory_space<hbm>> -> memref<10000xi32, #tpu.memory_space<hbm>>
    tpu.enqueue_dma source(%dma_start3A_22 : memref<10000xi32, #tpu.memory_space<hbm>>) target(%arg10 : memref<10000xi32, #tpu.memory_space<vmem>>) target_semaphore(%arg17 : memref<!tpu.dma_semaphore, #tpu.memory_space<semaphore_mem>>)
    %dma_start3A_23 = tpu.memref_slice %arg3[%add3A_20] : memref<1600000xi32, #tpu.memory_space<hbm>> -> memref<10000xi32, #tpu.memory_space<hbm>>
    %dma_start3A_24 = tpu.memref_slice %arg3[%add3A_20] : memref<1600000xi32, #tpu.memory_space<hbm>> -> memref<10000xi32, #tpu.memory_space<hbm>>
    tpu.enqueue_dma source(%dma_start3A_24 : memref<10000xi32, #tpu.memory_space<hbm>>) target(%arg13 : memref<10000xi32, #tpu.memory_space<vmem>>) target_semaphore(%arg17 : memref<!tpu.dma_semaphore, #tpu.memory_space<semaphore_mem>>)
    %dma_start3A_25 = arith.constant 0 : i32
    %dma_start3A_26 = tpu.memref_slice %arg7[%dma_start3A_25] : memref<102400xf32, #tpu.memory_space<vmem_shared>> -> memref<102400xf32, #tpu.memory_space<vmem_shared>>
    tpu.enqueue_indirect_dma source(%dma_start3A_26 : memref<102400xf32, #tpu.memory_space<vmem_shared>>) target(%arg15 : memref<10000xf32, #tpu.memory_space<vmem>>) offsets(%arg9 : memref<10000xi32, #tpu.memory_space<vmem>>) semaphore(%arg18 : memref<!tpu.dma_semaphore, #tpu.memory_space<semaphore_mem>>)
    %dma_wait3A_27 = arith.constant 0 : i32
    %dma_wait3A_28 = tpu.memref_slice %arg7[%dma_wait3A_27] : memref<102400xf32, #tpu.memory_space<vmem_shared>> -> memref<102400xf32, #tpu.memory_space<vmem_shared>>
    tpu.wait_indirect_dma semaphore(%arg18 : memref<!tpu.dma_semaphore, #tpu.memory_space<semaphore_mem>>) src(%dma_wait3A_28 : memref<102400xf32, #tpu.memory_space<vmem_shared>>) dst(%arg15 : memref<10000xf32, #tpu.memory_space<vmem>>)
    %dma_start3A_29 = arith.constant 0 : i32
    %dma_start3A_30 = tpu.memref_slice %arg8[%dma_start3A_29] : memref<102400xf32, #tpu.memory_space<vmem_shared>> -> memref<102400xf32, #tpu.memory_space<vmem_shared>>
    tpu.enqueue_indirect_dma source(%arg15 : memref<10000xf32, #tpu.memory_space<vmem>>) target(%dma_start3A_30 : memref<102400xf32, #tpu.memory_space<vmem_shared>>) offsets(%arg12 : memref<10000xi32, #tpu.memory_space<vmem>>) semaphore(%arg20 : memref<!tpu.dma_semaphore, #tpu.memory_space<semaphore_mem>>) {add = true}
    %dma_wait3A_31 = tpu.memref_slice %arg2[%add3A_20] : memref<1600000xi32, #tpu.memory_space<hbm>> -> memref<10000xi32, #tpu.memory_space<hbm>>
    %dma_wait3A_32 = tpu.memref_slice %arg2[%add3A_20] : memref<1600000xi32, #tpu.memory_space<hbm>> -> memref<10000xi32, #tpu.memory_space<hbm>>
    tpu.wait_dma2 semaphore(%arg17 : memref<!tpu.dma_semaphore, #tpu.memory_space<semaphore_mem>>) src(%dma_wait3A_32 : memref<10000xi32, #tpu.memory_space<hbm>>) dst(%arg10 : memref<10000xi32, #tpu.memory_space<vmem>>)
    %dma_wait3A_33 = tpu.memref_slice %arg3[%add3A_20] : memref<1600000xi32, #tpu.memory_space<hbm>> -> memref<10000xi32, #tpu.memory_space<hbm>>
    %dma_wait3A_34 = tpu.memref_slice %arg3[%add3A_20] : memref<1600000xi32, #tpu.memory_space<hbm>> -> memref<10000xi32, #tpu.memory_space<hbm>>
    tpu.wait_dma2 semaphore(%arg17 : memref<!tpu.dma_semaphore, #tpu.memory_space<semaphore_mem>>) src(%dma_wait3A_34 : memref<10000xi32, #tpu.memory_space<hbm>>) dst(%arg13 : memref<10000xi32, #tpu.memory_space<vmem>>)
    %mul3A_35 = arith.constant 50000 : i32
    %mul3A_36 = arith.muli %add3A, %mul3A_35 : i32
    %add3A_37 = arith.constant 20000 : i32
    %add3A_38 = arith.addi %mul3A_36, %add3A_37 : i32
    %dma_start3A_39 = tpu.memref_slice %arg2[%add3A_38] : memref<1600000xi32, #tpu.memory_space<hbm>> -> memref<10000xi32, #tpu.memory_space<hbm>>
    %dma_start3A_40 = tpu.memref_slice %arg2[%add3A_38] : memref<1600000xi32, #tpu.memory_space<hbm>> -> memref<10000xi32, #tpu.memory_space<hbm>>
    tpu.enqueue_dma source(%dma_start3A_40 : memref<10000xi32, #tpu.memory_space<hbm>>) target(%arg11 : memref<10000xi32, #tpu.memory_space<vmem>>) target_semaphore(%arg17 : memref<!tpu.dma_semaphore, #tpu.memory_space<semaphore_mem>>)
    %dma_start3A_41 = tpu.memref_slice %arg3[%add3A_38] : memref<1600000xi32, #tpu.memory_space<hbm>> -> memref<10000xi32, #tpu.memory_space<hbm>>
    %dma_start3A_42 = tpu.memref_slice %arg3[%add3A_38] : memref<1600000xi32, #tpu.memory_space<hbm>> -> memref<10000xi32, #tpu.memory_space<hbm>>
    tpu.enqueue_dma source(%dma_start3A_42 : memref<10000xi32, #tpu.memory_space<hbm>>) target(%arg14 : memref<10000xi32, #tpu.memory_space<vmem>>) target_semaphore(%arg17 : memref<!tpu.dma_semaphore, #tpu.memory_space<semaphore_mem>>)
    %dma_start3A_43 = arith.constant 0 : i32
    %dma_start3A_44 = tpu.memref_slice %arg7[%dma_start3A_43] : memref<102400xf32, #tpu.memory_space<vmem_shared>> -> memref<102400xf32, #tpu.memory_space<vmem_shared>>
    tpu.enqueue_indirect_dma source(%dma_start3A_44 : memref<102400xf32, #tpu.memory_space<vmem_shared>>) target(%arg16 : memref<10000xf32, #tpu.memory_space<vmem>>) offsets(%arg10 : memref<10000xi32, #tpu.memory_space<vmem>>) semaphore(%arg19 : memref<!tpu.dma_semaphore, #tpu.memory_space<semaphore_mem>>)
    %dma_wait3A_45 = arith.constant 0 : i32
    %dma_wait3A_46 = tpu.memref_slice %arg8[%dma_wait3A_45] : memref<102400xf32, #tpu.memory_space<vmem_shared>> -> memref<102400xf32, #tpu.memory_space<vmem_shared>>
    tpu.wait_indirect_dma semaphore(%arg20 : memref<!tpu.dma_semaphore, #tpu.memory_space<semaphore_mem>>) src(%arg15 : memref<10000xf32, #tpu.memory_space<vmem>>) dst(%dma_wait3A_46 : memref<102400xf32, #tpu.memory_space<vmem_shared>>)
    %dma_wait3A_47 = arith.constant 0 : i32
    %dma_wait3A_48 = tpu.memref_slice %arg7[%dma_wait3A_47] : memref<102400xf32, #tpu.memory_space<vmem_shared>> -> memref<102400xf32, #tpu.memory_space<vmem_shared>>
    tpu.wait_indirect_dma semaphore(%arg19 : memref<!tpu.dma_semaphore, #tpu.memory_space<semaphore_mem>>) src(%dma_wait3A_48 : memref<102400xf32, #tpu.memory_space<vmem_shared>>) dst(%arg16 : memref<10000xf32, #tpu.memory_space<vmem>>)
    %dma_start3A_49 = arith.constant 0 : i32
    %dma_start3A_50 = tpu.memref_slice %arg8[%dma_start3A_49] : memref<102400xf32, #tpu.memory_space<vmem_shared>> -> memref<102400xf32, #tpu.memory_space<vmem_shared>>
    tpu.enqueue_indirect_dma source(%arg16 : memref<10000xf32, #tpu.memory_space<vmem>>) target(%dma_start3A_50 : memref<102400xf32, #tpu.memory_space<vmem_shared>>) offsets(%arg13 : memref<10000xi32, #tpu.memory_space<vmem>>) semaphore(%arg21 : memref<!tpu.dma_semaphore, #tpu.memory_space<semaphore_mem>>) {add = true}
    %dma_wait3A_51 = tpu.memref_slice %arg2[%add3A_38] : memref<1600000xi32, #tpu.memory_space<hbm>> -> memref<10000xi32, #tpu.memory_space<hbm>>
    %dma_wait3A_52 = tpu.memref_slice %arg2[%add3A_38] : memref<1600000xi32, #tpu.memory_space<hbm>> -> memref<10000xi32, #tpu.memory_space<hbm>>
    tpu.wait_dma2 semaphore(%arg17 : memref<!tpu.dma_semaphore, #tpu.memory_space<semaphore_mem>>) src(%dma_wait3A_52 : memref<10000xi32, #tpu.memory_space<hbm>>) dst(%arg11 : memref<10000xi32, #tpu.memory_space<vmem>>)
    %dma_wait3A_53 = tpu.memref_slice %arg3[%add3A_38] : memref<1600000xi32, #tpu.memory_space<hbm>> -> memref<10000xi32, #tpu.memory_space<hbm>>
    %dma_wait3A_54 = tpu.memref_slice %arg3[%add3A_38] : memref<1600000xi32, #tpu.memory_space<hbm>> -> memref<10000xi32, #tpu.memory_space<hbm>>
    tpu.wait_dma2 semaphore(%arg17 : memref<!tpu.dma_semaphore, #tpu.memory_space<semaphore_mem>>) src(%dma_wait3A_54 : memref<10000xi32, #tpu.memory_space<hbm>>) dst(%arg14 : memref<10000xi32, #tpu.memory_space<vmem>>)
    %mul3A_55 = arith.constant 50000 : i32
    %mul3A_56 = arith.muli %add3A, %mul3A_55 : i32
    %add3A_57 = arith.constant 30000 : i32
    %add3A_58 = arith.addi %mul3A_56, %add3A_57 : i32
    %dma_start3A_59 = tpu.memref_slice %arg2[%add3A_58] : memref<1600000xi32, #tpu.memory_space<hbm>> -> memref<10000xi32, #tpu.memory_space<hbm>>
    %dma_start3A_60 = tpu.memref_slice %arg2[%add3A_58] : memref<1600000xi32, #tpu.memory_space<hbm>> -> memref<10000xi32, #tpu.memory_space<hbm>>
    tpu.enqueue_dma source(%dma_start3A_60 : memref<10000xi32, #tpu.memory_space<hbm>>) target(%arg9 : memref<10000xi32, #tpu.memory_space<vmem>>) target_semaphore(%arg17 : memref<!tpu.dma_semaphore, #tpu.memory_space<semaphore_mem>>)
    %dma_start3A_61 = tpu.memref_slice %arg3[%add3A_58] : memref<1600000xi32, #tpu.memory_space<hbm>> -> memref<10000xi32, #tpu.memory_space<hbm>>
    %dma_start3A_62 = tpu.memref_slice %arg3[%add3A_58] : memref<1600000xi32, #tpu.memory_space<hbm>> -> memref<10000xi32, #tpu.memory_space<hbm>>
    tpu.enqueue_dma source(%dma_start3A_62 : memref<10000xi32, #tpu.memory_space<hbm>>) target(%arg12 : memref<10000xi32, #tpu.memory_space<vmem>>) target_semaphore(%arg17 : memref<!tpu.dma_semaphore, #tpu.memory_space<semaphore_mem>>)
    %dma_start3A_63 = arith.constant 0 : i32
    %dma_start3A_64 = tpu.memref_slice %arg7[%dma_start3A_63] : memref<102400xf32, #tpu.memory_space<vmem_shared>> -> memref<102400xf32, #tpu.memory_space<vmem_shared>>
    tpu.enqueue_indirect_dma source(%dma_start3A_64 : memref<102400xf32, #tpu.memory_space<vmem_shared>>) target(%arg15 : memref<10000xf32, #tpu.memory_space<vmem>>) offsets(%arg11 : memref<10000xi32, #tpu.memory_space<vmem>>) semaphore(%arg18 : memref<!tpu.dma_semaphore, #tpu.memory_space<semaphore_mem>>)
    %dma_wait3A_65 = arith.constant 0 : i32
    %dma_wait3A_66 = tpu.memref_slice %arg8[%dma_wait3A_65] : memref<102400xf32, #tpu.memory_space<vmem_shared>> -> memref<102400xf32, #tpu.memory_space<vmem_shared>>
    tpu.wait_indirect_dma semaphore(%arg21 : memref<!tpu.dma_semaphore, #tpu.memory_space<semaphore_mem>>) src(%arg16 : memref<10000xf32, #tpu.memory_space<vmem>>) dst(%dma_wait3A_66 : memref<102400xf32, #tpu.memory_space<vmem_shared>>)
    %dma_wait3A_67 = arith.constant 0 : i32
    %dma_wait3A_68 = tpu.memref_slice %arg7[%dma_wait3A_67] : memref<102400xf32, #tpu.memory_space<vmem_shared>> -> memref<102400xf32, #tpu.memory_space<vmem_shared>>
    tpu.wait_indirect_dma semaphore(%arg18 : memref<!tpu.dma_semaphore, #tpu.memory_space<semaphore_mem>>) src(%dma_wait3A_68 : memref<102400xf32, #tpu.memory_space<vmem_shared>>) dst(%arg15 : memref<10000xf32, #tpu.memory_space<vmem>>)
    %dma_start3A_69 = arith.constant 0 : i32
    %dma_start3A_70 = tpu.memref_slice %arg8[%dma_start3A_69] : memref<102400xf32, #tpu.memory_space<vmem_shared>> -> memref<102400xf32, #tpu.memory_space<vmem_shared>>
    tpu.enqueue_indirect_dma source(%arg15 : memref<10000xf32, #tpu.memory_space<vmem>>) target(%dma_start3A_70 : memref<102400xf32, #tpu.memory_space<vmem_shared>>) offsets(%arg14 : memref<10000xi32, #tpu.memory_space<vmem>>) semaphore(%arg20 : memref<!tpu.dma_semaphore, #tpu.memory_space<semaphore_mem>>) {add = true}
    %dma_wait3A_71 = tpu.memref_slice %arg2[%add3A_58] : memref<1600000xi32, #tpu.memory_space<hbm>> -> memref<10000xi32, #tpu.memory_space<hbm>>
    %dma_wait3A_72 = tpu.memref_slice %arg2[%add3A_58] : memref<1600000xi32, #tpu.memory_space<hbm>> -> memref<10000xi32, #tpu.memory_space<hbm>>
    tpu.wait_dma2 semaphore(%arg17 : memref<!tpu.dma_semaphore, #tpu.memory_space<semaphore_mem>>) src(%dma_wait3A_72 : memref<10000xi32, #tpu.memory_space<hbm>>) dst(%arg9 : memref<10000xi32, #tpu.memory_space<vmem>>)
    %dma_wait3A_73 = tpu.memref_slice %arg3[%add3A_58] : memref<1600000xi32, #tpu.memory_space<hbm>> -> memref<10000xi32, #tpu.memory_space<hbm>>
    %dma_wait3A_74 = tpu.memref_slice %arg3[%add3A_58] : memref<1600000xi32, #tpu.memory_space<hbm>> -> memref<10000xi32, #tpu.memory_space<hbm>>
    tpu.wait_dma2 semaphore(%arg17 : memref<!tpu.dma_semaphore, #tpu.memory_space<semaphore_mem>>) src(%dma_wait3A_74 : memref<10000xi32, #tpu.memory_space<hbm>>) dst(%arg12 : memref<10000xi32, #tpu.memory_space<vmem>>)
    %mul3A_75 = arith.constant 50000 : i32
    %mul3A_76 = arith.muli %add3A, %mul3A_75 : i32
    %add3A_77 = arith.constant 40000 : i32
    %add3A_78 = arith.addi %mul3A_76, %add3A_77 : i32
    %dma_start3A_79 = tpu.memref_slice %arg2[%add3A_78] : memref<1600000xi32, #tpu.memory_space<hbm>> -> memref<10000xi32, #tpu.memory_space<hbm>>
    %dma_start3A_80 = tpu.memref_slice %arg2[%add3A_78] : memref<1600000xi32, #tpu.memory_space<hbm>> -> memref<10000xi32, #tpu.memory_space<hbm>>
    tpu.enqueue_dma source(%dma_start3A_80 : memref<10000xi32, #tpu.memory_space<hbm>>) target(%arg10 : memref<10000xi32, #tpu.memory_space<vmem>>) target_semaphore(%arg17 : memref<!tpu.dma_semaphore, #tpu.memory_space<semaphore_mem>>)
    %dma_start3A_81 = tpu.memref_slice %arg3[%add3A_78] : memref<1600000xi32, #tpu.memory_space<hbm>> -> memref<10000xi32, #tpu.memory_space<hbm>>
    %dma_start3A_82 = tpu.memref_slice %arg3[%add3A_78] : memref<1600000xi32, #tpu.memory_space<hbm>> -> memref<10000xi32, #tpu.memory_space<hbm>>
    tpu.enqueue_dma source(%dma_start3A_82 : memref<10000xi32, #tpu.memory_space<hbm>>) target(%arg13 : memref<10000xi32, #tpu.memory_space<vmem>>) target_semaphore(%arg17 : memref<!tpu.dma_semaphore, #tpu.memory_space<semaphore_mem>>)
    %dma_start3A_83 = arith.constant 0 : i32
    %dma_start3A_84 = tpu.memref_slice %arg7[%dma_start3A_83] : memref<102400xf32, #tpu.memory_space<vmem_shared>> -> memref<102400xf32, #tpu.memory_space<vmem_shared>>
    tpu.enqueue_indirect_dma source(%dma_start3A_84 : memref<102400xf32, #tpu.memory_space<vmem_shared>>) target(%arg16 : memref<10000xf32, #tpu.memory_space<vmem>>) offsets(%arg9 : memref<10000xi32, #tpu.memory_space<vmem>>) semaphore(%arg19 : memref<!tpu.dma_semaphore, #tpu.memory_space<semaphore_mem>>)
    %dma_wait3A_85 = arith.constant 0 : i32
    %dma_wait3A_86 = tpu.memref_slice %arg8[%dma_wait3A_85] : memref<102400xf32, #tpu.memory_space<vmem_shared>> -> memref<102400xf32, #tpu.memory_space<vmem_shared>>
    tpu.wait_indirect_dma semaphore(%arg20 : memref<!tpu.dma_semaphore, #tpu.memory_space<semaphore_mem>>) src(%arg15 : memref<10000xf32, #tpu.memory_space<vmem>>) dst(%dma_wait3A_86 : memref<102400xf32, #tpu.memory_space<vmem_shared>>)
    %dma_wait3A_87 = arith.constant 0 : i32
    %dma_wait3A_88 = tpu.memref_slice %arg7[%dma_wait3A_87] : memref<102400xf32, #tpu.memory_space<vmem_shared>> -> memref<102400xf32, #tpu.memory_space<vmem_shared>>
    tpu.wait_indirect_dma semaphore(%arg19 : memref<!tpu.dma_semaphore, #tpu.memory_space<semaphore_mem>>) src(%dma_wait3A_88 : memref<102400xf32, #tpu.memory_space<vmem_shared>>) dst(%arg16 : memref<10000xf32, #tpu.memory_space<vmem>>)
    %dma_start3A_89 = arith.constant 0 : i32
    %dma_start3A_90 = tpu.memref_slice %arg8[%dma_start3A_89] : memref<102400xf32, #tpu.memory_space<vmem_shared>> -> memref<102400xf32, #tpu.memory_space<vmem_shared>>
    tpu.enqueue_indirect_dma source(%arg16 : memref<10000xf32, #tpu.memory_space<vmem>>) target(%dma_start3A_90 : memref<102400xf32, #tpu.memory_space<vmem_shared>>) offsets(%arg12 : memref<10000xi32, #tpu.memory_space<vmem>>) semaphore(%arg21 : memref<!tpu.dma_semaphore, #tpu.memory_space<semaphore_mem>>) {add = true}
    %dma_wait3A_91 = tpu.memref_slice %arg2[%add3A_78] : memref<1600000xi32, #tpu.memory_space<hbm>> -> memref<10000xi32, #tpu.memory_space<hbm>>
    %dma_wait3A_92 = tpu.memref_slice %arg2[%add3A_78] : memref<1600000xi32, #tpu.memory_space<hbm>> -> memref<10000xi32, #tpu.memory_space<hbm>>
    tpu.wait_dma2 semaphore(%arg17 : memref<!tpu.dma_semaphore, #tpu.memory_space<semaphore_mem>>) src(%dma_wait3A_92 : memref<10000xi32, #tpu.memory_space<hbm>>) dst(%arg10 : memref<10000xi32, #tpu.memory_space<vmem>>)
    %dma_wait3A_93 = tpu.memref_slice %arg3[%add3A_78] : memref<1600000xi32, #tpu.memory_space<hbm>> -> memref<10000xi32, #tpu.memory_space<hbm>>
    %dma_wait3A_94 = tpu.memref_slice %arg3[%add3A_78] : memref<1600000xi32, #tpu.memory_space<hbm>> -> memref<10000xi32, #tpu.memory_space<hbm>>
    tpu.wait_dma2 semaphore(%arg17 : memref<!tpu.dma_semaphore, #tpu.memory_space<semaphore_mem>>) src(%dma_wait3A_94 : memref<10000xi32, #tpu.memory_space<hbm>>) dst(%arg13 : memref<10000xi32, #tpu.memory_space<vmem>>)
    %dma_start3A_95 = arith.constant 0 : i32
    %dma_start3A_96 = tpu.memref_slice %arg7[%dma_start3A_95] : memref<102400xf32, #tpu.memory_space<vmem_shared>> -> memref<102400xf32, #tpu.memory_space<vmem_shared>>
    tpu.enqueue_indirect_dma source(%dma_start3A_96 : memref<102400xf32, #tpu.memory_space<vmem_shared>>) target(%arg15 : memref<10000xf32, #tpu.memory_space<vmem>>) offsets(%arg10 : memref<10000xi32, #tpu.memory_space<vmem>>) semaphore(%arg18 : memref<!tpu.dma_semaphore, #tpu.memory_space<semaphore_mem>>)
    %dma_wait3A_97 = arith.constant 0 : i32
    %dma_wait3A_98 = tpu.memref_slice %arg7[%dma_wait3A_97] : memref<102400xf32, #tpu.memory_space<vmem_shared>> -> memref<102400xf32, #tpu.memory_space<vmem_shared>>
    tpu.wait_indirect_dma semaphore(%arg18 : memref<!tpu.dma_semaphore, #tpu.memory_space<semaphore_mem>>) src(%dma_wait3A_98 : memref<102400xf32, #tpu.memory_space<vmem_shared>>) dst(%arg15 : memref<10000xf32, #tpu.memory_space<vmem>>)
    %dma_start3A_99 = arith.constant 0 : i32
    %dma_start3A_100 = tpu.memref_slice %arg8[%dma_start3A_99] : memref<102400xf32, #tpu.memory_space<vmem_shared>> -> memref<102400xf32, #tpu.memory_space<vmem_shared>>
    tpu.enqueue_indirect_dma source(%arg15 : memref<10000xf32, #tpu.memory_space<vmem>>) target(%dma_start3A_100 : memref<102400xf32, #tpu.memory_space<vmem_shared>>) offsets(%arg13 : memref<10000xi32, #tpu.memory_space<vmem>>) semaphore(%arg20 : memref<!tpu.dma_semaphore, #tpu.memory_space<semaphore_mem>>) {add = true}
    %dma_wait3A_101 = arith.constant 0 : i32
    %dma_wait3A_102 = tpu.memref_slice %arg8[%dma_wait3A_101] : memref<102400xf32, #tpu.memory_space<vmem_shared>> -> memref<102400xf32, #tpu.memory_space<vmem_shared>>
    tpu.wait_indirect_dma semaphore(%arg21 : memref<!tpu.dma_semaphore, #tpu.memory_space<semaphore_mem>>) src(%arg16 : memref<10000xf32, #tpu.memory_space<vmem>>) dst(%dma_wait3A_102 : memref<102400xf32, #tpu.memory_space<vmem_shared>>)
    %dma_wait3A_103 = arith.constant 0 : i32
    %dma_wait3A_104 = tpu.memref_slice %arg8[%dma_wait3A_103] : memref<102400xf32, #tpu.memory_space<vmem_shared>> -> memref<102400xf32, #tpu.memory_space<vmem_shared>>
    tpu.wait_indirect_dma semaphore(%arg20 : memref<!tpu.dma_semaphore, #tpu.memory_space<semaphore_mem>>) src(%arg15 : memref<10000xf32, #tpu.memory_space<vmem>>) dst(%dma_wait3A_104 : memref<102400xf32, #tpu.memory_space<vmem_shared>>)
    %barrier3A_105 = arith.constant 0 : index
    tpu.barrier barrier_id(%barrier3A_105)
    "tpu.region"() ({
      %run_scoped3A = tpu.sem_alloc : memref<!tpu.dma_semaphore, #tpu.memory_space<semaphore_mem>>
      %dma_start3A_106 = tpu.memref_slice %arg6[%arg0, %mul3A_2] : memref<2x102400xf32, #tpu.memory_space<hbm>> -> memref<1x6400xf32, #tpu.memory_space<hbm>>
      %dma_start3A_107 = tpu.memref_squeeze %dma_start3A_106 : memref<1x6400xf32, #tpu.memory_space<hbm>> -> memref<6400xf32, #tpu.memory_space<hbm>>
      %dma_start3A_108 = tpu.memref_slice %arg8[%mul3A_2] : memref<102400xf32, #tpu.memory_space<vmem_shared>> -> memref<6400xf32, #tpu.memory_space<vmem_shared>>
      tpu.enqueue_dma source(%dma_start3A_108 : memref<6400xf32, #tpu.memory_space<vmem_shared>>) target(%dma_start3A_107 : memref<6400xf32, #tpu.memory_space<hbm>>) target_semaphore(%run_scoped3A : memref<!tpu.dma_semaphore, #tpu.memory_space<semaphore_mem>>)
      %dma_wait3A_109 = tpu.memref_slice %arg6[%arg0, %mul3A_2] : memref<2x102400xf32, #tpu.memory_space<hbm>> -> memref<1x6400xf32, #tpu.memory_space<hbm>>
      %dma_wait3A_110 = tpu.memref_squeeze %dma_wait3A_109 : memref<1x6400xf32, #tpu.memory_space<hbm>> -> memref<6400xf32, #tpu.memory_space<hbm>>
      %dma_wait3A_111 = tpu.memref_slice %arg8[%mul3A_2] : memref<102400xf32, #tpu.memory_space<vmem_shared>> -> memref<6400xf32, #tpu.memory_space<vmem_shared>>
      tpu.wait_dma2 semaphore(%run_scoped3A : memref<!tpu.dma_semaphore, #tpu.memory_space<semaphore_mem>>) src(%dma_wait3A_111 : memref<6400xf32, #tpu.memory_space<vmem_shared>>) dst(%dma_wait3A_110 : memref<6400xf32, #tpu.memory_space<hbm>>)
      tpu.yield
    }) : () -> ()
    return
  }
}

module attributes {stable_mosaic.version = 14 : i64} {
  func.func @_tc2_body(%arg0: memref<2x2x102400xf32, #tpu.memory_space<vmem>>, %arg1: memref<1x102400xf32, #tpu.memory_space<vmem>>, %arg2: memref<1x102400xf32, #tpu.memory_space<vmem>>, %arg3: memref<1x102400xf32, #tpu.memory_space<vmem>>, %arg4: memref<64x2xf32, #tpu.memory_space<vmem>>, %arg5: memref<64x1xf32, #tpu.memory_space<vmem>>, %arg6: memref<1x64xf32, #tpu.memory_space<vmem>>, %arg7: memref<1x102400xf32, #tpu.memory_space<vmem>>, %arg8: memref<1x102400xf32, #tpu.memory_space<vmem>>) attributes {dimension_semantics = [], scalar_prefetch = 0 : i64, scratch_operands = 0 : i64, tpu.core_type = #tpu.core_type<tc>} {
    %get3A = arith.constant 0 : index
    %get3A_0 = arith.constant 0 : index
    %get3A_1 = vector.load %arg3[%get3A, %get3A_0] : memref<1x102400xf32, #tpu.memory_space<vmem>>, vector<1x102400xf32>
    %mul3A = arith.mulf %get3A_1, %get3A_1 : vector<1x102400xf32>
    %get3A_2 = arith.constant 0 : index
    %get3A_3 = arith.constant 0 : index
    %get3A_4 = arith.constant 0 : index
    %get3A_5 = vector.load %arg0[%get3A_2, %get3A_3, %get3A_4] : memref<2x2x102400xf32, #tpu.memory_space<vmem>>, vector<1x2x102400xf32>
    %get3A_6 = vector.shape_cast %get3A_5 : vector<1x2x102400xf32> to vector<2x102400xf32>
    %get3A_7 = arith.constant 1 : index
    %get3A_8 = arith.constant 0 : index
    %get3A_9 = arith.constant 0 : index
    %get3A_10 = vector.load %arg0[%get3A_7, %get3A_8, %get3A_9] : memref<2x2x102400xf32, #tpu.memory_space<vmem>>, vector<1x2x102400xf32>
    %get3A_11 = vector.shape_cast %get3A_10 : vector<1x2x102400xf32> to vector<2x102400xf32>
    %add3A = arith.addf %get3A_6, %get3A_11 : vector<2x102400xf32>
    %get3A_12 = arith.constant 0 : index
    %get3A_13 = arith.constant 0 : index
    %get3A_14 = vector.load %arg1[%get3A_12, %get3A_13] : memref<1x102400xf32, #tpu.memory_space<vmem>>, vector<1x102400xf32>
    %get3A_15 = arith.constant 0 : index
    %get3A_16 = arith.constant 0 : index
    %get3A_17 = vector.load %arg2[%get3A_15, %get3A_16] : memref<1x102400xf32, #tpu.memory_space<vmem>>, vector<1x102400xf32>
    %concatenate3A = tpu.concatenate %get3A_14, %get3A_17 in 0 : vector<1x102400xf32>, vector<1x102400xf32> -> vector<2x102400xf32>
    %mul3A_18 = vector.broadcast %get3A_1 : vector<1x102400xf32> to vector<2x102400xf32>
    %mul3A_19 = arith.mulf %mul3A_18, %add3A : vector<2x102400xf32>
    %mul3A_20 = vector.broadcast %mul3A : vector<1x102400xf32> to vector<2x102400xf32>
    %mul3A_21 = arith.mulf %mul3A_20, %concatenate3A : vector<2x102400xf32>
    %add3A_22 = arith.addf %mul3A_19, %mul3A_21 : vector<2x102400xf32>
    %get3A_23 = arith.constant 0 : index
    %get3A_24 = arith.constant 0 : index
    %get3A_25 = vector.load %arg4[%get3A_23, %get3A_24] : memref<64x2xf32, #tpu.memory_space<vmem>>, vector<64x2xf32>
    %dot_general3A = arith.constant dense<0.000000e+00> : vector<64x102400xf32>
    %dot_general3A_26 = tpu.matmul %get3A_25, %add3A_22, %dot_general3A {dimension_numbers = #tpu.dot_dimension_numbers<[1], [0], [0], [1], [0, 0, 1, 1], [], []>, transpose_lhs_hint = false} : vector<64x2xf32>, vector<2x102400xf32>, vector<64x102400xf32> -> vector<64x102400xf32>
    %get3A_27 = arith.constant 0 : index
    %get3A_28 = arith.constant 0 : index
    %get3A_29 = vector.load %arg5[%get3A_27, %get3A_28] : memref<64x1xf32, #tpu.memory_space<vmem>>, vector<64x1xf32>
    %add3A_30 = vector.broadcast %get3A_29 : vector<64x1xf32> to vector<64x102400xf32>
    %add3A_31 = arith.addf %dot_general3A_26, %add3A_30 : vector<64x102400xf32>
    %max3A = arith.constant 0.000000e+00 : f32
    %max3A_32 = vector.broadcast %max3A : f32 to vector<64x102400xf32>
    %max3A_33 = arith.maximumf %add3A_31, %max3A_32 : vector<64x102400xf32>
    %get3A_34 = arith.constant 0 : index
    %get3A_35 = arith.constant 0 : index
    %get3A_36 = vector.load %arg6[%get3A_34, %get3A_35] : memref<1x64xf32, #tpu.memory_space<vmem>>, vector<1x64xf32>
    %dot_general3A_37 = arith.constant dense<0.000000e+00> : vector<1x102400xf32>
    %dot_general3A_38 = tpu.matmul %get3A_36, %max3A_33, %dot_general3A_37 {dimension_numbers = #tpu.dot_dimension_numbers<[1], [0], [0], [1], [0, 0, 1, 1], [], []>, transpose_lhs_hint = false} : vector<1x64xf32>, vector<64x102400xf32>, vector<1x102400xf32> -> vector<1x102400xf32>
    %swap3A = arith.constant 0 : index
    %swap3A_39 = arith.constant 0 : index
    %swap3A_40 = vector.load %arg7[%swap3A, %swap3A_39] : memref<1x102400xf32, #tpu.memory_space<vmem>>, vector<1x102400xf32>
    tpu.vector_store %arg7[%swap3A, %swap3A_39], %dot_general3A_38 {strides = array<i32>} : memref<1x102400xf32, #tpu.memory_space<vmem>>, vector<1x102400xf32>,
    %mul3A_41 = arith.mulf %get3A_1, %dot_general3A_38 : vector<1x102400xf32>
    %swap3A_42 = arith.constant 0 : index
    %swap3A_43 = arith.constant 0 : index
    %swap3A_44 = vector.load %arg8[%swap3A_42, %swap3A_43] : memref<1x102400xf32, #tpu.memory_space<vmem>>, vector<1x102400xf32>
    tpu.vector_store %arg8[%swap3A_42, %swap3A_43], %mul3A_41 {strides = array<i32>} : memref<1x102400xf32, #tpu.memory_space<vmem>>, vector<1x102400xf32>,
    return
  }
}

module attributes {stable_mosaic.version = 14 : i64} {
  func.func @_tc3_body(%arg0: memref<2x102400xf32, #tpu.memory_space<vmem>>, %arg1: memref<1x102400xf32, #tpu.memory_space<vmem>>, %arg2: memref<1x102400xf32, #tpu.memory_space<vmem>>, %arg3: memref<1x1xf32, #tpu.memory_space<vmem>>, %arg4: memref<1x102400xf32, #tpu.memory_space<vmem>>) attributes {dimension_semantics = [], scalar_prefetch = 0 : i64, scratch_operands = 0 : i64, tpu.core_type = #tpu.core_type<tc>} {
    %get3A = arith.constant 0 : index
    %get3A_0 = arith.constant 0 : index
    %get3A_1 = vector.load %arg2[%get3A, %get3A_0] : memref<1x102400xf32, #tpu.memory_space<vmem>>, vector<1x102400xf32>
    %get3A_2 = arith.constant 0 : index
    %get3A_3 = arith.constant 0 : index
    %get3A_4 = vector.load %arg0[%get3A_2, %get3A_3] : memref<2x102400xf32, #tpu.memory_space<vmem>>, vector<1x102400xf32>
    %get3A_5 = arith.constant 1 : index
    %get3A_6 = arith.constant 0 : index
    %get3A_7 = vector.load %arg0[%get3A_5, %get3A_6] : memref<2x102400xf32, #tpu.memory_space<vmem>>, vector<1x102400xf32>
    %add3A = arith.addf %get3A_4, %get3A_7 : vector<1x102400xf32>
    %get3A_8 = arith.constant 0 : index
    %get3A_9 = arith.constant 0 : index
    %get3A_10 = vector.load %arg1[%get3A_8, %get3A_9] : memref<1x102400xf32, #tpu.memory_space<vmem>>, vector<1x102400xf32>
    %mul3A = arith.mulf %get3A_1, %get3A_10 : vector<1x102400xf32>
    %add3A_11 = arith.addf %add3A, %mul3A : vector<1x102400xf32>
    %mul3A_12 = arith.mulf %get3A_1, %add3A_11 : vector<1x102400xf32>
    %get3A_13 = arith.constant 0 : index
    %get3A_14 = arith.constant 0 : index
    %get3A_15 = vector.load %arg3[%get3A_13, %get3A_14] : memref<1x1xf32, #tpu.memory_space<vmem>>, vector<1x1xf32>
    %add3A_16 = vector.broadcast %get3A_15 : vector<1x1xf32> to vector<1x102400xf32>
    %add3A_17 = arith.addf %mul3A_12, %add3A_16 : vector<1x102400xf32>
    %swap3A = arith.constant 0 : index
    %swap3A_18 = arith.constant 0 : index
    %swap3A_19 = vector.load %arg4[%swap3A, %swap3A_18] : memref<1x102400xf32, #tpu.memory_space<vmem>>, vector<1x102400xf32>
    tpu.vector_store %arg4[%swap3A, %swap3A_18], %add3A_17 {strides = array<i32>} : memref<1x102400xf32, #tpu.memory_space<vmem>>, vector<1x102400xf32>,
    return
  }
}

</mosaic_0001>

<sc_bundles>
// kernel: kernel.6.cloned.1.call-start
scs
__scs_entry_jumppad:
0x0: {  	(pc) =	sbr.rel $0x88, $3  }
0x1: {  	(tag) =	ssettag $0x0;
	lr =	simm.s32 $0x1  }
0x2: {  	[smem:$0x3F9B] =	sst lr;
	_ =	strace $0xD0000000  }
0x3: {  	_ = 	snop  }
0x4: {  	_ = 	snop  }
0x5: {  	_ = 	snop  }
0x6: {  	_ = 	snop  }
0x7: {  	_ = 	snop  }
__scs_overlays_trampoline_lowered:
0x8: {  	[smem:$0x3FAA] =	sst s0  }
0x9: {  	[smem:$0x3FAB] =	sst s1  }
0xa: {  	[smem:$0x3FAC] =	sst s2  }
0xb: {  	[smem:$0x3FAD] =	sst s3  }
0xc: {  	[smem:$0x3FAE] =	sst s4  }
0xd: {  	[smem:$0x3FAF] =	sst s5  }
0xe: {  	[smem:$0x3FB0] =	sst s6  }
0xf: {  	[smem:$0x3FB1] =	sst s7  }
0x10: {  	[smem:$0x3FB2] =	sst s8  }
0x11: {  	[smem:$0x3FB3] =	sst s9;
	s0 =	simm.s32 @!p0 $0x0  }
0x12: {  	s1 =	sld [smem:$0x3F99];
	s0 =	simm.s32 @p0 $0x1  }
0x13: {  	[smem:$0x3FB4] =	sst s0;
	s0 =	simm.s32 @!p1 $0x0  }
0x14: {  	s2 =	sld [smem:$0x3F98];
	s0 =	simm.s32 @p1 $0x1  }
0x15: {  	[smem:$0x3FB5] =	sst s0;
	s0 =	simm.s32 @!p2 $0x0  }
0x16: {  	s3 =	sld [smem:$0x3FDB];
	s0 =	simm.s32 @p2 $0x1  }
0x17: {  	s4 =	simm.s32 $0x1BF5;
	[smem:$0x3FB7] =	sst s0  }
0x18: {  	s0 =	sld [smem:$0x3F9A];
	_ =	swait.ge [sflag:s4], $0x0  }
0x19: {  	s7 =	sld [smem:$0x3F9B]  }
0x1a: {  	s8 =	sadd.s32 $0xFFFFE003, lr  }
0x1b: {  	s9 =	sadd.s32 $0xFFFFFEF7, lr;
	s5 =	simm.s32 $0xFFFFFFFF;
	p2 =	slt.u32 s8, $0xFFFFF086  }
0x1c: {  	p1 =	slt.u32 s9, $0xF7A;
	s5 =	simm.s32 @!p2 $0x0  }
0x1d: {  	s5 =	simm.s32 @p1 $0x1;
	p0 =	seq.s32 s7, s2  }
0x1e: {  	s7 =	smul.u32 @!p0 $0xF7A, s2;
	p2 =	seq.s32 @!p0 s5, $0x0  }
0x1f: {  	s9 =	smul.u32 $0xF7A, s1;
	s8 =	simm.s32 @!p0 $0x1BF5;
	p2 =	por !p2, p0  }
0x20: {  	[sflag:s8] =	ssyncset.s32 @!p0 $0xFFFFF086;
	s6 =	sadd.s32 @!p0 s3, s7;
	s7 =	simm.s32 @!p0 $0x108  }
0x21: {  	s3 =	sadd.s32 s3, s9;
	s6 =	sadd.s32 @!p0 $0x88, s6;
	s7 =	simm.s32 @p2 $0x1082  }
0x22: {  	[simem:s7], [sflag:s8] =	dma.local @!p0 [hbm:s6], $0xF7A  }
0x23: {  	s9 =	sor.u32 $0xD0000000, s2;
	s6 =	simm.s32 $0x108;
	_ =	swait.ge @!p0 [sflag:s8], $0x0  }
0x24: {  	s3 =	sadd.s32 $0x88, s3;
	s6 =	simm.s32 @!p1 $0x1082;
	[sflag:s4] =	ssyncset.s32 $0xFFFFF086  }
0x25: {  	[simem:s6], [sflag:s4] =	dma.local [hbm:s3], $0xF7A  }
0x26: {  	[smem:$0x3F9B] =	sst s1;
	(tag) =	ssettag s2;
	_ =	strace s9  }
0x27: {  	s1 =	sld [smem:$0x3FAB]  }
0x28: {  	s2 =	sld [smem:$0x3FAC]  }
0x29: {  	s4 =	sld [smem:$0x3FAE]  }
0x2a: {  	p0 =	seq.s32 s5, $0x0;
	s5 =	sld [smem:$0x3FAF]  }
0x2b: {  	s6 =	sld [smem:$0x3FB0]  }
0x2c: {  	s7 =	sld [smem:$0x3FB1]  }
0x2d: {  	s3 =	simm.s32 $0x108;
	s8 =	sld [smem:$0x3FB2]  }
0x2e: {  	s3 =	simm.s32 @!p0 $0x1082;
	s9 =	sld [smem:$0x3FB3]  }
0x2f: {  	lr =	sadd.s32 s0, s3;
	s0 =	sld [smem:$0x3FAA]  }
0x30: {  	s3 =	sld [smem:$0x3FAD]  }
0x31: {  	[smem:$0x3FB6] =	sst s10  }
0x32: {  	s10 =	sld [smem:$0x3FB4];
	_ =	sdelay $0x3  }
0x33: {  	p0 =	seq.s32 s10, $0x1;
	s10 =	sld [smem:$0x3FB6];
	_ =	sdelay $0x3  }
0x34: {  	[smem:$0x3FB6] =	sst s10  }
0x35: {  	s10 =	sld [smem:$0x3FB5];
	_ =	sdelay $0x3  }
0x36: {  	p1 =	seq.s32 s10, $0x1;
	s10 =	sld [smem:$0x3FB6];
	_ =	sdelay $0x3  }
0x37: {  	[smem:$0x3FB6] =	sst s10  }
0x38: {  	s10 =	sld [smem:$0x3FB7]  }
0x39: {  	_ = 	snop;
	(pc) =	sbr.ind lr, $3  }
0x3a: {  	_ = 	snop  }
0x3b: {  	_ = 	snop  }
0x3c: {  	p2 =	seq.s32 s10, $0x1;
	s10 =	sld [smem:$0x3FB6]  }
0x3d: {  	_ =	shalt  }
0x3e: {  	_ =	shalt  }
0x3f: {  	_ =	shalt  }
0x40: {  	_ =	shalt  }
0x41: {  	_ =	shalt  }
0x42: {  	_ =	shalt  }
0x43: {  	_ =	shalt  }
0x44: {  	_ =	shalt  }
0x45: {  	_ =	shalt  }
0x46: {  	_ =	shalt  }
0x47: {  	_ =	shalt  }
0x48: {  	_ =	shalt  }
0x49: {  	_ =	shalt  }
0x4a: {  	_ =	shalt  }
0x4b: {  	_ =	shalt  }
0x4c: {  	_ =	shalt  }
0x4d: {  	_ =	shalt  }
0x4e: {  	_ =	shalt  }
0x4f: {  	_ =	shalt  }
0x50: {  	_ =	shalt  }
0x51: {  	_ =	shalt  }
0x52: {  	_ =	shalt  }
0x53: {  	_ =	shalt  }
0x54: {  	_ =	shalt  }
0x55: {  	_ =	shalt  }
0x56: {  	_ =	shalt  }
0x57: {  	_ =	shalt  }
0x58: {  	_ =	shalt  }
0x59: {  	_ =	shalt  }
0x5a: {  	_ =	shalt  }
0x5b: {  	_ =	shalt  }
0x5c: {  	_ =	shalt  }
0x5d: {  	_ =	shalt  }
0x5e: {  	_ =	shalt  }
0x5f: {  	_ =	shalt  }
0x60: {  	_ =	shalt  }
0x61: {  	_ =	shalt  }
0x62: {  	_ =	shalt  }
0x63: {  	_ =	shalt  }
0x64: {  	_ =	shalt  }
0x65: {  	_ =	shalt  }
0x66: {  	_ =	shalt  }
0x67: {  	_ =	shalt  }
0x68: {  	_ =	shalt  }
0x69: {  	_ =	shalt  }
0x6a: {  	_ =	shalt  }
0x6b: {  	_ =	shalt  }
0x6c: {  	_ =	shalt  }
0x6d: {  	_ =	shalt  }
0x6e: {  	_ =	shalt  }
0x6f: {  	_ =	shalt  }
0x70: {  	_ =	shalt  }
0x71: {  	_ =	shalt  }
0x72: {  	_ =	shalt  }
0x73: {  	_ =	shalt  }
0x74: {  	_ =	shalt  }
0x75: {  	_ =	shalt  }
0x76: {  	_ =	shalt  }
0x77: {  	_ =	shalt  }
0x78: {  	_ =	shalt  }
0x79: {  	_ =	shalt  }
0x7a: {  	_ =	shalt  }
0x7b: {  	_ =	shalt  }
0x7c: {  	_ =	shalt  }
0x7d: {  	_ =	shalt  }
0x7e: {  	_ =	shalt  }
0x7f: {  	_ =	shalt  }
0x80: {  	_ =	shalt  }
0x81: {  	_ =	shalt  }
0x82: {  	_ =	shalt  }
0x83: {  	_ =	shalt  }
0x84: {  	_ =	shalt  }
0x85: {  	_ =	shalt  }
0x86: {  	_ =	shalt  }
0x87: {  	_ =	shalt  }
.Lfunc_end0:
.L_simem_size_0:
called_computation_lowered:
.L_overlay_start_0:
0x88: {  	s2 =	sld [smem:$0x3FD9]  }
0x89: {  	s3 =	sld [smem:$0x3FFE];
	_ =	sdelay $0x1  }
0x8a: {  	s1 =	srdreg.scid  }
0x8b: {  	s0 =	sand.u32 $0x1, s1  }
0x8c: {  	s17 =	sshll.u32 s0, $0xA;
	s2 =	sadd.s32 s3, s2  }
0x8d: {  	s2 =	sadd.s32 s2, s17  }
0x8e: {  	[smem:$0x3FC2] =	sst s2  }
0x8f: {  	_ = 	snop  }
0x90: {  	s2 =	sld [smem:$0x3FD0];
	(tm) =	ssettm $0x1  }
0x91: {  	s18 =	sld [smem:$0x3FFB];
	_ =	sdelay $0x3  }
0x92: {  	_ =	strace s18  }
0x93: {  	s3 =	sld [smem:$0x3FFC];
	_ =	sdelay $0x3  }
0x94: {  	_ =	strace s3  }
0x95: {  	s3 =	sld [smem:$0x3FFD];
	_ =	sdelay $0x3  }
0x96: {  	_ =	strace s3  }
0x97: {  	_ =	strace $0x8FFFFFFF  }
0x98: {  	s19 =	sld [smem:$0x3FDB];
	_ =	sdelay $0x1  }
0x99: {  	s4 =	simm.s32 $_scs_section_size  }
0x9a: {  	s5 =	simm.s32 $_size__tile_overlayer_lowered;
	s6 =	simm.s32 $_tile_overlayer_lowered  }
0x9b: {  	s22 =	simm.s32 $0x1BFF;
	s21 =	sshll.u32 s6, $0x1;
	s3 =	sadd.s32 s4, s19  }
0x9c: {  	s7 =	simm.s32 $0x0;
	s20 =	sshll.u32 s5, $0x1;
	s5 =	sadd.s32 s21, s3  }
0x9d: {  	[timem:s7], [sflag:s22] =	dma.local [hbm:s5], s20  }
0x9e: {  	_ =	swait.ge [sflag:s22], s20  }
0x9f: {  	s4 =	ssub.s32 $0x0, s20;
	[sflag:s22] =	ssyncset.done $0x0  }
0xa0: {  	[sflag:s22] =	ssyncadd.s32 s4;
	_ =	sdelay $0x1  }
0xa1: {  	s23 =	simm.s32 $0x1B8B  }
0xa2: {  	_ =	swait.ge [sflag:s23], $0x1  }
0xa3: {  	[sflag:s23] =	ssyncset.done $0x0  }
0xa4: {  	s25 =	simm.s32 $0x1B8E;
	s24 =	sld [smem:$0x3FFE];
	[sflag:s23] =	ssyncadd.s32 $0xFFFFFFFF  }
0xa5: {  	s26 =	simm.s32 $execute0_lowered;
	[smem:$0x3FD2] =	sst s25  }
0xa6: {  	s5 =	sshll.u32 s26, $0x1;
	_ =	strace $0x80000046;
	[dreg:$0x1] =	wrdreg $0xFFFFFFFF  }
0xa7: {  	s28 =	simm.s32 $_size_execute0_lowered;
	s3 =	sadd.s32 s3, s5;
	[dreg:$0x0] =	wrdreg $0x0  }
0xa8: {  	s5 =	sshll.u32 s28, $0x1;
	[dreg:$0x2] =	wrdreg s3  }
0xa9: {  	[dreg:$0x3] =	wrdreg s5  }
0xaa: {  	[dreg:$0x4] =	wrdreg $0xC0  }
0xab: {  	_ =	task [dreg:s7], $0x5FFFF  }
0xac: {  	[dreg:$0x1] =	wrdreg $0xFFFFFFFF  }
0xad: {  	[dreg:$0x0] =	wrdreg $0x60  }
0xae: {  	[dreg:$0x2] =	wrdreg s24  }
0xaf: {  	[dreg:$0x3] =	wrdreg s2  }
0xb0: {  	[dreg:$0x4] =	wrdreg $0x0  }
0xb1: {  	[dreg:$0x5] =	wrdreg $0x4B000  }
0xb2: {  	[dreg:$0x6] =	wrdreg $0x64000  }
0xb3: {  	[dreg:$0x7] =	wrdreg $0x19000  }
0xb4: {  	[dreg:$0x8] =	wrdreg $0x32000  }
0xb5: {  	[dreg:$0x9] =	wrdreg $0x9  }
0xb6: {  	_ =	task.clear_ibuf [dreg:s7], $0xAFFFF;
	_ =	strace $0x90000046  }
0xb7: {  	s29 =	simm.s32 $0x9;
	_ =	strace $0x80000048  }
0xb8: {  	_ =	swait.ge [sflag:s29], $0x1  }
0xb9: {  	[sflag:s29] =	ssyncadd.s32 $0xFFFFFFFF  }
0xba: {  	_ =	strace $0x90000048  }
0xbb: {  	_ =	sfence  }
0xbc: {  	s30 =	sld [smem:$0x0];
	_ =	sdelay $0x2  }
0xbd: {  	s31 =	sshll.u32 s1, $0xD;
	s1 =	sshrl.u32 s1, $0x2  }
0xbe: {  	s3 =	sand.u32 $0x4000, s31;
	s1 =	sadd.s32 s1, s30  }
0xbf: {  	s0 =	sor.u32 s3, s0;
	s1 =	sshll.u32 s1, $0x11  }
0xc0: {  	s0 =	sor.u32 s1, s0  }
0xc1: {  	s0 =	sadd.s32 $0x8F2B, s0  }
0xc2: {  	[sflag:s0] =	ssyncadd.remote.s32 $0x1  }
0xc3: {  	_ =	sfence.sel $0xFFFF  }
0xc4: {  	[dreg:$0x0] =	wrdreg $0xFFFFFFFF;
	(pc) =	sbr.abs _section_cstart, $3  }
0xc5: {  	[dreg:$0x1] =	wrdreg $0xFFFFFFFF  }
0xc6: {  	_ =	task.clear_ibuf [dreg:s7], $0x2FFFF;
	_ =	strace $0x9FFFFFFF  }
0xc7: {  	(tm) =	ssettm $0x7FFFFFFF  }
tec
execute0_lowered:
.L_overlay_start_1:
0x0: {  	(tag) =	ssettag $0x1  }
0x1: {  	s0 =	srdreg.scid  }
0x2: {  	s4 =	rddreg [dreg:$0x0];
	s1 =	simm.s32 $0x0;
	s12 =	stileid.u32  }
0x3: {  	s29 =	rddreg [dreg:$0x2];
	s6 =	sand.u32 $0x1, s0;
	s2 =	smul.u32 $0x3200, s12  }
0x4: {  	[smem:$0x7FF] =	sst s1;
	s7 =	sadd.s32 $0x31800, s4;
	s9 =	smul.u32 $0x186A0, s12  }
0x5: {  	s8 =	sadd.s32 $0xA00, s4;
	s25 =	sshll.u32 s12, $0x1;
	s3 =	ssub.s32 $0x2, s6  }
0x6: {  	s0 =	smul.u32 $0x32000, s6;
	s24 =	sshrl.u32 s3, $0x1;
	s26 =	sadd.s32 $0x1388, s9  }
0x7: {  	s10 =	sshrl.u32 s9, $0x3;
	s11 =	sadd.s32 $0x3A98, s9;
	s14 =	sadd.s32 $0x61A8, s9  }
0x8: {  	s18 =	sadd.s32 $0xAFC8, s9;
	s19 =	sadd.s32 $0xD6D8, s9;
	s20 =	sadd.s32 $0xFDE8, s9  }
0x9: {  	s2 =	sadd.s32 s2, s0;
	s5 =	ssub.s32 s3, s24;
	s0 =	sor.u32 s6, s25  }
0xa: {  	s3 =	sshrl.u32 s26, $0x3;
	s13 =	sadd.s32 s8, s10;
	s15 =	sshrl.u32 s14, $0x3  }
0xb: {  	s21 =	sshrl.u32 s19, $0x3;
	s22 =	sshrl.u32 s20, $0x3;
	s24 =	sadd.s32 $0x124F8, s9  }
0xc: {  	s25 =	sadd.s32 $0x14C08, s9;
	s3 =	sadd.s32 s8, s3;
	s23 =	sadd.s32 s8, s22  }
0xd: {  	s0 =	smul.u32 $0xC350, s0;
	s26 =	sshrl.u32 s25, $0x3;
	[dreg:$0x9] =	wrdreg s3  }
0xe: {  	s3 =	sshrl.u32 s11, $0x3;
	s11 =	sadd.s32 $0x88B8, s9;
	[dreg:$0xf] =	wrdreg s23  }
0xf: {  	s9 =	sadd.s32 $0x17318, s9;
	s3 =	sadd.s32 s8, s3;
	s16 =	sshrl.u32 s11, $0x3  }
0x10: {  	s19 =	sadd.s32 $0x61A8, s0;
	[dreg:$0xa] =	wrdreg s3;
	s3 =	sadd.s32 s8, s15  }
0x11: {  	s17 =	sadd.s32 s8, s16;
	s20 =	sshrl.u32 s19, $0x3;
	[dreg:$0xb] =	wrdreg s3  }
0x12: {  	[dreg:$0xc] =	wrdreg s17;
	s3 =	sshrl.u32 s18, $0x3;
	s23 =	sadd.s32 s7, s20  }
0x13: {  	s15 =	sadd.s32 $0x3A98, s0;
	s3 =	sadd.s32 s8, s3;
	[dreg:$0x1b] =	wrdreg s23  }
0x14: {  	s17 =	sshrl.u32 s15, $0x3;
	[dreg:$0xd] =	wrdreg s3;
	s3 =	sadd.s32 s8, s21  }
0x15: {  	s18 =	sadd.s32 s7, s17;
	[dreg:$0xe] =	wrdreg s3;
	s3 =	sshrl.u32 s24, $0x3  }
0x16: {  	s9 =	sshrl.u32 s9, $0x3;
	[dreg:$0x17] =	wrdreg s18;
	s3 =	sadd.s32 s8, s3  }
0x17: {  	s10 =	sadd.s32 $0x1388, s0;
	[dreg:$0x10] =	wrdreg s3;
	s3 =	sadd.s32 s8, s26  }
0x18: {  	s25 =	sadd.s32 $0x88B8, s0;
	[dreg:$0x11] =	wrdreg s3;
	s3 =	sadd.s32 s8, s9  }
0x19: {  	s18 =	sadd.s32 $0xAFC8, s0;
	s9 =	sshrl.u32 s10, $0x3;
	[dreg:$0x12] =	wrdreg s3  }
0x1a: {  	s3 =	sshrl.u32 s0, $0x3;
	s11 =	sadd.s32 s7, s9;
	s0 =	rddreg [dreg:$0x3]  }
0x1b: {  	s9 =	sadd.s32 s8, s9;
	[dreg:$0x13] =	wrdreg s11  }
0x1c: {  	[dreg:$0x14] =	wrdreg s9;
	s9 =	sadd.s32 s8, s17  }
0x1d: {  	s14 =	sadd.s32 $0x4E2, s3;
	s15 =	sadd.s32 s7, s3;
	[dreg:$0x18] =	wrdreg s9  }
0x1e: {  	s16 =	sadd.s32 s7, s14;
	[smem:$0x7E1] =	sst s15  }
0x1f: {  	s21 =	sadd.s32 $0x9C4, s3;
	s10 =	sadd.s32 s8, s14;
	[dreg:$0x15] =	wrdreg s16  }
0x20: {  	s22 =	sadd.s32 s7, s21;
	[dreg:$0x16] =	wrdreg s10  }
0x21: {  	s24 =	sadd.s32 $0xEA6, s3;
	s9 =	sadd.s32 s8, s20;
	[dreg:$0x19] =	wrdreg s22  }
0x22: {  	s26 =	sadd.s32 s7, s24;
	[dreg:$0x1c] =	wrdreg s9  }
0x23: {  	s17 =	sadd.s32 $0x1388, s3;
	[dreg:$0x1d] =	wrdreg s26  }
0x24: {  	s20 =	sadd.s32 s7, s17;
	s16 =	sadd.s32 s8, s3;
	s3 =	rddreg [dreg:$0x4]  }
0x25: {  	s10 =	sadd.s32 s8, s21;
	[smem:$0x7E3] =	sst s20  }
0x26: {  	s9 =	sadd.s32 s8, s24;
	[dreg:$0x1a] =	wrdreg s10  }
0x27: {  	s14 =	sshrl.u32 s25, $0x3;
	[dreg:$0x1e] =	wrdreg s9  }
0x28: {  	s10 =	sadd.s32 s7, s14;
	[smem:$0x7E2] =	sst s16  }
0x29: {  	s19 =	sshrl.u32 s18, $0x3;
	s9 =	sadd.s32 s8, s14;
	[dreg:$0x1f] =	wrdreg s10  }
0x2a: {  	s7 =	sadd.s32 s7, s19;
	[smem:$0x7E0] =	sst s9  }
0x2b: {  	p0 =	sne.s32 s6, $0x0;
	[smem:$0x7E5] =	sst s7  }
0x2c: {  	s21 =	smul.u32 $0x1900, s12;
	s9 =	sadd.s32 s8, s17;
	s7 =	rddreg [dreg:$0x5]  }
0x2d: {  	s2 =	sshrl.u32 s2, $0x3;
	s8 =	sadd.s32 s8, s19;
	[smem:$0x7E4] =	sst s9  }
0x2e: {  	s2 =	sadd.s32 s2, s4;
	s22 =	sshrl.u32 s21, $0x3;
	[smem:$0x7E6] =	sst s8  }
0x2f: {  	s9 =	rddreg [dreg:$0x6];
	s6 =	sadd.s32 s22, s4;
	s4 =	sadd.s32 $0x68A00, s4  }
0x30: {  	s23 =	sadd.s32 s21, s29;
	_ =	strace $0x80000047;
	[smem:$0x7E7] =	sst s4  }
0x31: {  	s24 =	sadd.s32 s21, s0;
	[smem:$0x7E8] =	sst s23  }
0x32: {  	s25 =	sadd.s32 s21, s3;
	[smem:$0x7E9] =	sst s24  }
0x33: {  	s26 =	sadd.s32 s21, s7;
	[smem:$0x7EA] =	sst s25  }
0x34: {  	s16 =	sadd.s32 $0x68E00, s2;
	[smem:$0x7EB] =	sst s26  }
0x35: {  	s2 =	sadd.s32 $0x68E10, s2;
	[smem:$0x7F0] =	sst s16  }
0x36: {  	s17 =	smax.u32 s5, $0x1;
	[smem:$0x7F1] =	sst s2  }
0x37: {  	s15 =	sshll.u32 s12, $0x6;
	[smem:$0x7F2] =	sst s17  }
0x38: {  	s18 =	sadd.s32 $0x4E2, s13;
	[smem:$0x7F3] =	sst s15  }
0x39: {  	s28 =	simm.s32 $0x17200;
	s19 =	sadd.s32 $0x9C4, s13;
	[smem:$0x7F4] =	sst s18  }
0x3a: {  	s30 =	simm.s32 $0x11D00;
	s20 =	sadd.s32 $0xEA6, s13;
	[smem:$0x7F5] =	sst s19  }
0x3b: {  	s31 =	simm.s32 $0xA500;
	s22 =	sadd.s32 $0x186A, s13;
	[smem:$0x7F6] =	sst s20  }
0x3c: {  	s12 =	simm.s32 $0x14500;
	s5 =	simm.s32 $0x13100;
	[smem:$0x7F8] =	sst s22  }
0x3d: {  	s8 =	sadd.s32 s21, s9;
	s10 =	sadd.s32 $0x62600, s6;
	[dreg:$0x8] =	wrdreg s13  }
0x3e: {  	s11 =	sadd.s32 $0x65800, s6;
	s14 =	sadd.s32 $0x75600, s6;
	[smem:$0x7EC] =	sst s8  }
0x3f: {  	s21 =	sadd.s32 $0x1388, s13;
	s23 =	sadd.s32 $0x1D4C, s13;
	[smem:$0x7ED] =	sst s10  }
0x40: {  	s24 =	sadd.s32 $0x222E, s13;
	s25 =	sadd.s32 $0x2710, s13;
	[smem:$0x7EE] =	sst s11  }
0x41: {  	s26 =	sadd.s32 $0x2BF2, s13;
	s16 =	simm.s32 $0x1;
	[smem:$0x7EF] =	sst s14  }
0x42: {  	s17 =	simm.s32 $0xCD00;
	s18 =	simm.s32 $0x1388;
	[smem:$0x7F7] =	sst s21  }
0x43: {  	s20 =	simm.s32 $0xE100;
	s22 =	simm.s32 $0x5;
	[smem:$0x7F9] =	sst s23  }
0x44: {  	s13 =	simm.s32 $0x3;
	s4 =	simm.s32 $0x10900;
	[smem:$0x7FA] =	sst s24  }
0x45: {  	s19 =	simm.s32 $0x0;
	s8 =	sor.u32 $0x1C06, s15;
	[smem:$0x7FB] =	sst s25  }
0x46: {  	[smem:$0x7FC] =	sst s26;
	s10 =	simm.s32 $0x6;
	s26 =	simm.s32 $0x18B00  }
0x47: {  	s15 =	simm.s32 $0xB900;
	s21 =	simm.s32 $0x4;
	s24 =	simm.s32 $0x7D00  }
0x48: {  	s25 =	simm.s32 $0x2;
	s14 =	simm.s32 $0xF500;
	[smem:$0x7FD] =	sst s8  }
.LBB2_1:
0x49: {  	s23 =	sld [smem:$0x7E8];
	_ =	sdelay $0x2  }
0x4a: {  	s11 =	rddreg [dreg:$0x1];
	s2 =	sshrl.u32 s23, $0x3  }
0x4b: {  	[spmem:s2], [sflag:s8] =	dma.local [hbm:s11], $0x320  }
0x4c: {  	_ =	swait.ge [sflag:s10], $0x320  }
0x4d: {  	s6 =	sld [smem:$0x7E7]  }
0x4e: {  	[sflag:s10] =	ssyncset.done $0x0  }
0x4f: {  	[sflag:s10] =	ssyncadd.s32 $0xFFFFFCE0  }
0x50: {  	[tilespmem:s12], [sflag:$0x6] =	stream.linear.gather [hbm4b:s6+s1], $0x1400, $0x38;
	[tilespmem:$0x1A400] =	vst v63  }
0x51: {  	_ =	swait.ge [sflag:s10], $0x1400  }
0x52: {  	s8 =	sld [smem:$0x7ED]  }
0x53: {  	[sflag:s10] =	ssyncset.done $0x0  }
0x54: {  	s6 =	sld [smem:$0x7EE];
	[sflag:s10] =	ssyncadd.s32 $0xFFFFEC00  }
0x55: {  	[tilespmem:s28], [sflag:$0x2] =	stream.linear.gather [hbm4b:s8+s1], $0x1900, $0x38;
	[tilespmem:$0x1A400] =	vst v63  }
0x56: {  	s8 =	sld [smem:$0x7F3]  }
0x57: {  	[tilespmem:s26], [sflag:$0x2] =	stream.linear.gather [hbm4b:s6+s1], $0x1900, $0x38;
	[tilespmem:$0x1A400] =	vst v63  }
0x58: {  	s6 =	sld [smem:$0x7E9];
	_ =	sdelay $0x2  }
0x59: {  	s2 =	sor.u32 $0x1C02, s8;
	s8 =	sshrl.u32 s6, $0x3  }
0x5a: {  	[spmem:s8], [sflag:s2] =	dma.local [hbm:s11], $0x320  }
0x5b: {  	s26 =	sld [smem:$0x7EA];
	_ =	sdelay $0x2  }
0x5c: {  	s6 =	sshrl.u32 s26, $0x3  }
0x5d: {  	[smem:$0x7DF] =	sst s6  }
0x5e: {  	[spmem:s6], [sflag:s2] =	dma.local [hbm:s11], $0x320  }
0x5f: {  	[bflag:$0x0] =	sbarrier.arrive $0xFFFF  }
0x60: {  	s11 =	rddreg [dreg:$0x8]  }
0x61: {  	[tilespmem:s15], [sflag:$0x1] =	stream.linear.gather [hbm4b:s11+s1], $0x1388, $0x38;
	[tilespmem:$0x1A400] =	vst v63  }
0x62: {  	_ =	swait.ge [sflag:s16], $0x1388  }
0x63: {  	[sflag:s16] =	ssyncset.done $0x0  }
0x64: {  	s26 =	rddreg [dreg:$0x9];
	[sflag:s16] =	ssyncadd.s32 $0xFFFFEC78  }
0x65: {  	[tilespmem:s17], [sflag:$0x1] =	stream.linear.gather [hbm4b:s26+s1], $0x1388, $0x38;
	[tilespmem:$0x1A400] =	vst v63  }
0x66: {  	_ = 	snop  }
0x67: {  	[spmem:s29] =	stream.indirect.scatter.add.f32 [tilespmem:s12], [sflag:$0x4], $0x1, s15, s18, $0xb8;
	[tilespmem:$0x1A400] =	vst v63  }
0x68: {  	_ =	swait.ge [sflag:s16], $0x1388  }
0x69: {  	s6 =	sld [smem:$0x7F4]  }
0x6a: {  	[sflag:s16] =	ssyncset.done $0x0  }
0x6b: {  	[sflag:s16] =	ssyncadd.s32 $0xFFFFEC78  }
0x6c: {  	[tilespmem:s20], [sflag:$0x1] =	stream.linear.gather [hbm4b:s6+s1], $0x1388, $0x38;
	[tilespmem:$0x1A400] =	vst v63  }
0x6d: {  	_ = 	snop  }
0x6e: {  	[spmem:s29] =	stream.indirect.scatter.add.f32 [tilespmem:s12], [sflag:$0x5], $0x1, s17, s18, $0xb8;
	[tilespmem:$0x1A400] =	vst v63  }
0x6f: {  	_ =	swait.ge [sflag:s16], $0x1388  }
0x70: {  	[sflag:s16] =	ssyncset.done $0x0  }
0x71: {  	[sflag:s16] =	ssyncadd.s32 $0xFFFFEC78  }
0x72: {  	_ =	swait.ge [sflag:s21], $0x1388  }
0x73: {  	[sflag:s21] =	ssyncset.done $0x0  }
0x74: {  	s11 =	rddreg [dreg:$0xa];
	[sflag:s21] =	ssyncadd.s32 $0xFFFFEC78  }
0x75: {  	[tilespmem:s15], [sflag:$0x1] =	stream.linear.gather [hbm4b:s11+s1], $0x1388, $0x38;
	[tilespmem:$0x1A400] =	vst v63  }
0x76: {  	_ = 	snop  }
0x77: {  	[spmem:s29] =	stream.indirect.scatter.add.f32 [tilespmem:s12], [sflag:$0x4], $0x1, s20, s18, $0xb8;
	[tilespmem:$0x1A400] =	vst v63  }
0x78: {  	_ =	swait.ge [sflag:s16], $0x1388  }
0x79: {  	[sflag:s16] =	ssyncset.done $0x0  }
0x7a: {  	[sflag:s16] =	ssyncadd.s32 $0xFFFFEC78  }
0x7b: {  	_ =	swait.ge [sflag:s22], $0x1388  }
0x7c: {  	s26 =	sld [smem:$0x7F5]  }
0x7d: {  	[sflag:s22] =	ssyncset.done $0x0  }
0x7e: {  	[sflag:s22] =	ssyncadd.s32 $0xFFFFEC78  }
0x7f: {  	[tilespmem:s17], [sflag:$0x1] =	stream.linear.gather [hbm4b:s26+s1], $0x1388, $0x38;
	[tilespmem:$0x1A400] =	vst v63  }
0x80: {  	_ = 	snop  }
0x81: {  	[spmem:s29] =	stream.indirect.scatter.add.f32 [tilespmem:s12], [sflag:$0x5], $0x1, s15, s18, $0xb8;
	[tilespmem:$0x1A400] =	vst v63  }
0x82: {  	_ =	swait.ge [sflag:s16], $0x1388  }
0x83: {  	[sflag:s16] =	ssyncset.done $0x0  }
0x84: {  	[sflag:s16] =	ssyncadd.s32 $0xFFFFEC78  }
0x85: {  	_ =	swait.ge [sflag:s21], $0x1388  }
0x86: {  	[sflag:s21] =	ssyncset.done $0x0  }
0x87: {  	s6 =	rddreg [dreg:$0xb];
	[sflag:s21] =	ssyncadd.s32 $0xFFFFEC78  }
0x88: {  	[tilespmem:s20], [sflag:$0x1] =	stream.linear.gather [hbm4b:s6+s1], $0x1388, $0x38;
	[tilespmem:$0x1A400] =	vst v63  }
0x89: {  	_ = 	snop  }
0x8a: {  	[spmem:s29] =	stream.indirect.scatter.add.f32 [tilespmem:s12], [sflag:$0x4], $0x1, s17, s18, $0xb8;
	[tilespmem:$0x1A400] =	vst v63  }
0x8b: {  	_ =	swait.ge [sflag:s16], $0x1388  }
0x8c: {  	[sflag:s16] =	ssyncset.done $0x0  }
0x8d: {  	[sflag:s16] =	ssyncadd.s32 $0xFFFFEC78  }
0x8e: {  	_ =	swait.ge [sflag:s22], $0x1388  }
0x8f: {  	s11 =	sld [smem:$0x7F6]  }
0x90: {  	[sflag:s22] =	ssyncset.done $0x0  }
0x91: {  	[sflag:s22] =	ssyncadd.s32 $0xFFFFEC78  }
0x92: {  	[tilespmem:s15], [sflag:$0x1] =	stream.linear.gather [hbm4b:s11+s1], $0x1388, $0x38;
	[tilespmem:$0x1A400] =	vst v63  }
0x93: {  	_ = 	snop  }
0x94: {  	[spmem:s29] =	stream.indirect.scatter.add.f32 [tilespmem:s12], [sflag:$0x5], $0x1, s20, s18, $0xb8;
	[tilespmem:$0x1A400] =	vst v63  }
0x95: {  	_ =	swait.ge [sflag:s16], $0x1388  }
0x96: {  	[sflag:s16] =	ssyncset.done $0x0  }
0x97: {  	[sflag:s16] =	ssyncadd.s32 $0xFFFFEC78  }
0x98: {  	_ =	swait.ge [sflag:s21], $0x1388  }
0x99: {  	[sflag:s21] =	ssyncset.done $0x0  }
0x9a: {  	s26 =	rddreg [dreg:$0xc];
	[sflag:s21] =	ssyncadd.s32 $0xFFFFEC78  }
0x9b: {  	[tilespmem:s17], [sflag:$0x1] =	stream.linear.gather [hbm4b:s26+s1], $0x1388, $0x38;
	[tilespmem:$0x1A400] =	vst v63  }
0x9c: {  	_ = 	snop  }
0x9d: {  	[spmem:s29] =	stream.indirect.scatter.add.f32 [tilespmem:s12], [sflag:$0x4], $0x1, s15, s18, $0xb8;
	[tilespmem:$0x1A400] =	vst v63  }
0x9e: {  	_ =	swait.ge [sflag:s16], $0x1388  }
0x9f: {  	[sflag:s16] =	ssyncset.done $0x0  }
0xa0: {  	[sflag:s16] =	ssyncadd.s32 $0xFFFFEC78  }
0xa1: {  	_ =	swait.ge [sflag:s22], $0x1388  }
0xa2: {  	s6 =	sld [smem:$0x7F7]  }
0xa3: {  	[sflag:s22] =	ssyncset.done $0x0  }
0xa4: {  	[sflag:s22] =	ssyncadd.s32 $0xFFFFEC78  }
0xa5: {  	[tilespmem:s20], [sflag:$0x1] =	stream.linear.gather [hbm4b:s6+s1], $0x1388, $0x38;
	[tilespmem:$0x1A400] =	vst v63  }
0xa6: {  	_ = 	snop  }
0xa7: {  	[spmem:s29] =	stream.indirect.scatter.add.f32 [tilespmem:s12], [sflag:$0x5], $0x1, s17, s18, $0xb8;
	[tilespmem:$0x1A400] =	vst v63  }
0xa8: {  	_ =	swait.ge [sflag:s16], $0x1388  }
0xa9: {  	[sflag:s16] =	ssyncset.done $0x0  }
0xaa: {  	[sflag:s16] =	ssyncadd.s32 $0xFFFFEC78  }
0xab: {  	_ =	swait.ge [sflag:s21], $0x1388  }
0xac: {  	[sflag:s21] =	ssyncset.done $0x0  }
0xad: {  	s11 =	rddreg [dreg:$0xd];
	[sflag:s21] =	ssyncadd.s32 $0xFFFFEC78  }
0xae: {  	[tilespmem:s15], [sflag:$0x1] =	stream.linear.gather [hbm4b:s11+s1], $0x1388, $0x38;
	[tilespmem:$0x1A400] =	vst v63  }
0xaf: {  	_ = 	snop  }
0xb0: {  	[spmem:s29] =	stream.indirect.scatter.add.f32 [tilespmem:s12], [sflag:$0x4], $0x1, s20, s18, $0xb8;
	[tilespmem:$0x1A400] =	vst v63  }
0xb1: {  	_ =	swait.ge [sflag:s16], $0x1388  }
0xb2: {  	[sflag:s16] =	ssyncset.done $0x0  }
0xb3: {  	[sflag:s16] =	ssyncadd.s32 $0xFFFFEC78  }
0xb4: {  	_ =	swait.ge [sflag:s22], $0x1388  }
0xb5: {  	s26 =	sld [smem:$0x7F8]  }
0xb6: {  	[sflag:s22] =	ssyncset.done $0x0  }
0xb7: {  	[sflag:s22] =	ssyncadd.s32 $0xFFFFEC78  }
0xb8: {  	[tilespmem:s17], [sflag:$0x1] =	stream.linear.gather [hbm4b:s26+s1], $0x1388, $0x38;
	[tilespmem:$0x1A400] =	vst v63  }
0xb9: {  	_ = 	snop  }
0xba: {  	[spmem:s29] =	stream.indirect.scatter.add.f32 [tilespmem:s12], [sflag:$0x5], $0x1, s15, s18, $0xb8;
	[tilespmem:$0x1A400] =	vst v63  }
0xbb: {  	_ =	swait.ge [sflag:s16], $0x1388  }
0xbc: {  	[sflag:s16] =	ssyncset.done $0x0  }
0xbd: {  	[sflag:s16] =	ssyncadd.s32 $0xFFFFEC78  }
0xbe: {  	_ =	swait.ge [sflag:s21], $0x1388  }
0xbf: {  	[sflag:s21] =	ssyncset.done $0x0  }
0xc0: {  	s6 =	rddreg [dreg:$0xe];
	[sflag:s21] =	ssyncadd.s32 $0xFFFFEC78  }
0xc1: {  	[tilespmem:s20], [sflag:$0x1] =	stream.linear.gather [hbm4b:s6+s1], $0x1388, $0x38;
	[tilespmem:$0x1A400] =	vst v63  }
0xc2: {  	_ = 	snop  }
0xc3: {  	[spmem:s29] =	stream.indirect.scatter.add.f32 [tilespmem:s12], [sflag:$0x4], $0x1, s17, s18, $0xb8;
	[tilespmem:$0x1A400] =	vst v63  }
0xc4: {  	_ =	swait.ge [sflag:s16], $0x1388  }
0xc5: {  	[sflag:s16] =	ssyncset.done $0x0  }
0xc6: {  	[sflag:s16] =	ssyncadd.s32 $0xFFFFEC78  }
0xc7: {  	_ =	swait.ge [sflag:s22], $0x1388  }
0xc8: {  	s11 =	sld [smem:$0x7F9]  }
0xc9: {  	[sflag:s22] =	ssyncset.done $0x0  }
0xca: {  	[sflag:s22] =	ssyncadd.s32 $0xFFFFEC78  }
0xcb: {  	[tilespmem:s15], [sflag:$0x1] =	stream.linear.gather [hbm4b:s11+s1], $0x1388, $0x38;
	[tilespmem:$0x1A400] =	vst v63  }
0xcc: {  	_ = 	snop  }
0xcd: {  	[spmem:s29] =	stream.indirect.scatter.add.f32 [tilespmem:s12], [sflag:$0x5], $0x1, s20, s18, $0xb8;
	[tilespmem:$0x1A400] =	vst v63  }
0xce: {  	_ =	swait.ge [sflag:s16], $0x1388  }
0xcf: {  	[sflag:s16] =	ssyncset.done $0x0  }
0xd0: {  	[sflag:s16] =	ssyncadd.s32 $0xFFFFEC78  }
0xd1: {  	_ =	swait.ge [sflag:s21], $0x1388  }
0xd2: {  	[sflag:s21] =	ssyncset.done $0x0  }
0xd3: {  	s26 =	rddreg [dreg:$0xf];
	[sflag:s21] =	ssyncadd.s32 $0xFFFFEC78  }
0xd4: {  	[tilespmem:s17], [sflag:$0x1] =	stream.linear.gather [hbm4b:s26+s1], $0x1388, $0x38;
	[tilespmem:$0x1A400] =	vst v63  }
0xd5: {  	_ = 	snop  }
0xd6: {  	[spmem:s29] =	stream.indirect.scatter.add.f32 [tilespmem:s12], [sflag:$0x4], $0x1, s15, s18, $0xb8;
	[tilespmem:$0x1A400] =	vst v63  }
0xd7: {  	_ =	swait.ge [sflag:s16], $0x1388  }
0xd8: {  	[sflag:s16] =	ssyncset.done $0x0  }
0xd9: {  	[sflag:s16] =	ssyncadd.s32 $0xFFFFEC78  }
0xda: {  	_ =	swait.ge [sflag:s22], $0x1388  }
0xdb: {  	s6 =	sld [smem:$0x7FA]  }
0xdc: {  	[sflag:s22] =	ssyncset.done $0x0  }
0xdd: {  	[sflag:s22] =	ssyncadd.s32 $0xFFFFEC78  }
0xde: {  	[tilespmem:s20], [sflag:$0x1] =	stream.linear.gather [hbm4b:s6+s1], $0x1388, $0x38;
	[tilespmem:$0x1A400] =	vst v63  }
0xdf: {  	_ = 	snop  }
0xe0: {  	[spmem:s29] =	stream.indirect.scatter.add.f32 [tilespmem:s12], [sflag:$0x5], $0x1, s17, s18, $0xb8;
	[tilespmem:$0x1A400] =	vst v63  }
0xe1: {  	_ =	swait.ge [sflag:s16], $0x1388  }
0xe2: {  	[sflag:s16] =	ssyncset.done $0x0  }
0xe3: {  	[sflag:s16] =	ssyncadd.s32 $0xFFFFEC78  }
0xe4: {  	_ =	swait.ge [sflag:s21], $0x1388  }
0xe5: {  	[sflag:s21] =	ssyncset.done $0x0  }
0xe6: {  	s11 =	rddreg [dreg:$0x10];
	[sflag:s21] =	ssyncadd.s32 $0xFFFFEC78  }
0xe7: {  	[tilespmem:s15], [sflag:$0x1] =	stream.linear.gather [hbm4b:s11+s1], $0x1388, $0x38;
	[tilespmem:$0x1A400] =	vst v63  }
0xe8: {  	_ = 	snop  }
0xe9: {  	[spmem:s29] =	stream.indirect.scatter.add.f32 [tilespmem:s12], [sflag:$0x4], $0x1, s20, s18, $0xb8;
	[tilespmem:$0x1A400] =	vst v63  }
0xea: {  	_ =	swait.ge [sflag:s16], $0x1388  }
0xeb: {  	[sflag:s16] =	ssyncset.done $0x0  }
0xec: {  	[sflag:s16] =	ssyncadd.s32 $0xFFFFEC78  }
0xed: {  	_ =	swait.ge [sflag:s22], $0x1388  }
0xee: {  	s26 =	sld [smem:$0x7FB]  }
0xef: {  	[sflag:s22] =	ssyncset.done $0x0  }
0xf0: {  	[sflag:s22] =	ssyncadd.s32 $0xFFFFEC78  }
0xf1: {  	[tilespmem:s17], [sflag:$0x1] =	stream.linear.gather [hbm4b:s26+s1], $0x1388, $0x38;
	[tilespmem:$0x1A400] =	vst v63  }
0xf2: {  	_ = 	snop  }
0xf3: {  	[spmem:s29] =	stream.indirect.scatter.add.f32 [tilespmem:s12], [sflag:$0x5], $0x1, s15, s18, $0xb8;
	[tilespmem:$0x1A400] =	vst v63  }
0xf4: {  	_ =	swait.ge [sflag:s16], $0x1388  }
0xf5: {  	[sflag:s16] =	ssyncset.done $0x0  }
0xf6: {  	[sflag:s16] =	ssyncadd.s32 $0xFFFFEC78  }
0xf7: {  	_ =	swait.ge [sflag:s21], $0x1388  }
0xf8: {  	[sflag:s21] =	ssyncset.done $0x0  }
0xf9: {  	s6 =	rddreg [dreg:$0x11];
	[sflag:s21] =	ssyncadd.s32 $0xFFFFEC78  }
0xfa: {  	[tilespmem:s20], [sflag:$0x1] =	stream.linear.gather [hbm4b:s6+s1], $0x1388, $0x38;
	[tilespmem:$0x1A400] =	vst v63  }
0xfb: {  	_ = 	snop  }
0xfc: {  	[spmem:s29] =	stream.indirect.scatter.add.f32 [tilespmem:s12], [sflag:$0x4], $0x1, s17, s18, $0xb8;
	[tilespmem:$0x1A400] =	vst v63  }
0xfd: {  	_ =	swait.ge [sflag:s16], $0x1388  }
0xfe: {  	[sflag:s16] =	ssyncset.done $0x0  }
0xff: {  	[sflag:s16] =	ssyncadd.s32 $0xFFFFEC78  }
0x100: {  	_ =	swait.ge [sflag:s22], $0x1388  }
0x101: {  	s11 =	sld [smem:$0x7FC]  }
0x102: {  	[sflag:s22] =	ssyncset.done $0x0  }
0x103: {  	[sflag:s22] =	ssyncadd.s32 $0xFFFFEC78  }
0x104: {  	[tilespmem:s15], [sflag:$0x1] =	stream.linear.gather [hbm4b:s11+s1], $0x1388, $0x38;
	[tilespmem:$0x1A400] =	vst v63  }
0x105: {  	_ = 	snop  }
0x106: {  	[spmem:s29] =	stream.indirect.scatter.add.f32 [tilespmem:s12], [sflag:$0x5], $0x1, s20, s18, $0xb8;
	[tilespmem:$0x1A400] =	vst v63  }
0x107: {  	_ =	swait.ge [sflag:s16], $0x1388  }
0x108: {  	[sflag:s16] =	ssyncset.done $0x0  }
0x109: {  	[sflag:s16] =	ssyncadd.s32 $0xFFFFEC78  }
0x10a: {  	_ =	swait.ge [sflag:s21], $0x1388  }
0x10b: {  	[sflag:s21] =	ssyncset.done $0x0  }
0x10c: {  	s26 =	rddreg [dreg:$0x12];
	[sflag:s21] =	ssyncadd.s32 $0xFFFFEC78  }
0x10d: {  	[tilespmem:s17], [sflag:$0x1] =	stream.linear.gather [hbm4b:s26+s1], $0x1388, $0x38;
	[tilespmem:$0x1A400] =	vst v63  }
0x10e: {  	_ = 	snop  }
0x10f: {  	[spmem:s29] =	stream.indirect.scatter.add.f32 [tilespmem:s12], [sflag:$0x4], $0x1, s15, s18, $0xb8;
	[tilespmem:$0x1A400] =	vst v63  }
0x110: {  	_ =	swait.ge [sflag:s16], $0x1388  }
0x111: {  	[sflag:s16] =	ssyncset.done $0x0  }
0x112: {  	[sflag:s16] =	ssyncadd.s32 $0xFFFFEC78  }
0x113: {  	_ =	swait.ge [sflag:s22], $0x1388  }
0x114: {  	[sflag:s22] =	ssyncset.done $0x0  }
0x115: {  	[sflag:s22] =	ssyncadd.s32 $0xFFFFEC78  }
0x116: {  	[spmem:s29] =	stream.indirect.scatter.add.f32 [tilespmem:s12], [sflag:$0x5], $0x1, s17, s18, $0xb8;
	[tilespmem:$0x1A400] =	vst v63  }
0x117: {  	_ =	swait.ge [sflag:s21], $0x1388  }
0x118: {  	[sflag:s21] =	ssyncset.done $0x0  }
0x119: {  	[sflag:s21] =	ssyncadd.s32 $0xFFFFEC78  }
0x11a: {  	_ =	swait.ge [sflag:s22], $0x1388  }
0x11b: {  	s6 =	sld [smem:$0x7E1]  }
0x11c: {  	[sflag:s22] =	ssyncset.done $0x0  }
0x11d: {  	s11 =	sld [smem:$0x7E2];
	[sflag:s22] =	ssyncadd.s32 $0xFFFFEC78  }
0x11e: {  	[tilespmem:s24], [sflag:$0x1] =	stream.linear.gather [hbm4b:s6+s1], $0x1388, $0x38;
	[tilespmem:$0x1A400] =	vst v63  }
0x11f: {  	_ = 	snop  }
0x120: {  	[tilespmem:s15], [sflag:$0x1] =	stream.linear.gather [hbm4b:s11+s1], $0x1388, $0x38;
	[tilespmem:$0x1A400] =	vst v63  }
0x121: {  	[bflag:$0x0] =	sbarrier.arrive $0xFFFF  }
0x122: {  	_ =	swait.ge [sflag:s25], $0x1900  }
0x123: {  	[sflag:s25] =	ssyncset.done $0x0  }
0x124: {  	[sflag:s25] =	ssyncadd.s32 $0xFFFFE700  }
0x125: {  	_ =	swait.ge [sflag:s25], $0x1900  }
0x126: {  	[sflag:s25] =	ssyncset.done $0x0  }
0x127: {  	[sflag:s25] =	ssyncadd.s32 $0xFFFFE700  }
0x128: {  	_ =	swait.ge [sflag:s25], $0x320  }
0x129: {  	[sflag:s25] =	ssyncset.done $0x0  }
0x12a: {  	[sflag:s25] =	ssyncadd.s32 $0xFFFFFCE0  }
0x12b: {  	_ =	swait.ge [sflag:s25], $0x320  }
0x12c: {  	[sflag:s25] =	ssyncset.done $0x0  }
0x12d: {  	s26 =	simm.s32 $0x15900;
	[sflag:s25] =	ssyncadd.s32 $0xFFFFFCE0  }
0x12e: {  	[tilespmem:s26], [sflag:$0x6] =	stream.linear.gather [spmem:s23], $0x1900, $0x38;
	[tilespmem:$0x1A400] =	vst v63  }
0x12f: {  	_ =	swait.ge [sflag:s10], $0x1900  }
0x130: {  	[sflag:s10] =	ssyncset.done $0x0  }
0x131: {  	s2 =	simm.s32 $0x0;
	[sflag:s10] =	ssyncadd.s32 $0xFFFFE700  }
0x132: {  	v0 =	vld [tilespmem:s2+$0x15900];
	_ =	sdelay $0x4  }
0x133: {  	v0 =	vadd.f32 $1.000000000e+00, v0;
	_ =	sdelay $0x1  }
0x134: {  	v1 =	vshra.s32 v0, $0x1;
	v0 =	vmul.f32 $5.000000000e-01, v0  }
0x135: {  	v1 =	vsub.s32 $0x5F3759DF, v1  }
0x136: {  	v2 =	vmul.f32 v1, v0;
	_ =	sdelay $0x1  }
0x137: {  	v2 =	vmul.f32 v1, v2;
	_ =	sdelay $0x1  }
0x138: {  	v2 =	vsub.f32 $1.500000000e+00, v2;
	_ =	sdelay $0x1  }
0x139: {  	v2 =	vmul.f32 v1, v2;
	_ =	sdelay $0x1  }
0x13a: {  	v0 =	vmul.f32 v2, v0;
	_ =	sdelay $0x1  }
0x13b: {  	v0 =	vmul.f32 v0, v2  }
0x13c: {  	v1 =	vld [tilespmem:s2+$0x18B00]  }
0x13d: {  	v3 =	vsub.f32 $1.500000000e+00, v0;
	v0 =	vld [tilespmem:s2+$0x17200];
	_ =	sdelay $0x2  }
0x13e: {  	s28 =	simm.s32 $0x80;
	s11 =	simm.s32 $0x40;
	v2 =	vmul.f32 v3, v2  }
.LBB2_2:
0x13f: {  	p1 =	sne.s32 s28, $0x63C0  }
0x140: {  	s23 =	sshra.s32 s11, $0x2;
	s11 =	smov.u32 s28;
	[tilespmem:s2+$0x15900] =	vst v2;
	v0 =	vmul.f32 v2, v0;
	v1 =	vmul.f32 v2, v1  }
0x141: {  	v2 =	vld [tilespmem:s23+$0x15900]  }
0x142: {  	[tilespmem:s2+$0x18B00] =	vst v1  }
0x143: {  	[tilespmem:s2+$0x17200] =	vst v0;
	s2 =	smov.u32 s23;
	_ =	sdelay $0x2  }
0x144: {  	v0 =	vadd.f32 $1.000000000e+00, v2;
	_ =	sdelay $0x1  }
0x145: {  	v1 =	vshra.s32 v0, $0x1;
	v0 =	vmul.f32 $5.000000000e-01, v0  }
0x146: {  	v1 =	vsub.s32 $0x5F3759DF, v1  }
0x147: {  	v2 =	vmul.f32 v1, v0;
	_ =	sdelay $0x1  }
0x148: {  	v2 =	vmul.f32 v1, v2;
	_ =	sdelay $0x1  }
0x149: {  	v2 =	vsub.f32 $1.500000000e+00, v2;
	_ =	sdelay $0x1  }
0x14a: {  	v2 =	vmul.f32 v1, v2;
	_ =	sdelay $0x1  }
0x14b: {  	v0 =	vmul.f32 v2, v0;
	_ =	sdelay $0x1  }
.Ltmp0:
0x14c: {  	v3 =	vmul.f32 v0, v2;
	v0 =	vld [tilespmem:s2+$0x17200];
	(pc) =	sbr.rel @p1 .LBB2_2-.Ltmp0, $3  }
0x14d: {  	v1 =	vld [tilespmem:s2+$0x18B00]  }
0x14e: {  	v3 =	vsub.f32 $1.500000000e+00, v3;
	_ =	sdelay $0x1  }
0x14f: {  	s28 =	sadd.s32 $0x40, s28;
	v2 =	vmul.f32 v3, v2  }
0x150: {  	_ = 	snop  }
0x151: {  	s11 =	sshra.s32 s11, $0x2;
	[tilespmem:s2+$0x15900] =	vst v2  }
0x152: {  	v3 =	vld [tilespmem:s11+$0x15900];
	_ =	sdelay $0x4  }
0x153: {  	v3 =	vadd.f32 $1.000000000e+00, v3;
	_ =	sdelay $0x1  }
0x154: {  	v4 =	vshra.s32 v3, $0x1;
	v3 =	vmul.f32 $5.000000000e-01, v3  }
0x155: {  	v4 =	vsub.s32 $0x5F3759DF, v4  }
0x156: {  	v5 =	vmul.f32 v4, v3;
	_ =	sdelay $0x1  }
0x157: {  	v5 =	vmul.f32 v4, v5;
	_ =	sdelay $0x1  }
0x158: {  	v5 =	vsub.f32 $1.500000000e+00, v5;
	_ =	sdelay $0x1  }
0x159: {  	v4 =	vmul.f32 v4, v5  }
0x15a: {  	v1 =	vmul.f32 v2, v1  }
0x15b: {  	v0 =	vmul.f32 v2, v0;
	v61 =	vmul.f32 v4, v3  }
0x15c: {  	[tilespmem:s2+$0x18B00] =	vst v1  }
0x15d: {  	[tilespmem:s2+$0x17200] =	vst v0;
	v62 =	vmul.f32 v61, v4  }
0x15e: {  	v1 =	vld [tilespmem:s11+$0x18B00]  }
0x15f: {  	v63 =	vld [tilespmem:s11+$0x17200];
	v0 =	vsub.f32 $1.500000000e+00, v62;
	_ =	sdelay $0x1  }
0x160: {  	v0 =	vmul.f32 v0, v4;
	_ =	sdelay $0x1  }
0x161: {  	v1 =	vmul.f32 v0, v1  }
0x162: {  	[tilespmem:s11+$0x15900] =	vst v0;
	v0 =	vmul.f32 v0, v63  }
0x163: {  	[tilespmem:s11+$0x18B00] =	vst v1  }
0x164: {  	[tilespmem:s11+$0x17200] =	vst v0;
	s11 =	sld [smem:$0x7EB];
	_ =	sdelay $0x1  }
0x165: {  	s28 =	simm.s32 $0x17200;
	s23 =	sld [smem:$0x7EC]  }
0x166: {  	[spmem:s11] =	stream.linear.scatter [tilespmem:s28], [sflag:$0x2], $0x1900, $0x38;
	[tilespmem:$0x1A400] =	vst v63  }
0x167: {  	s26 =	simm.s32 $0x18B00  }
0x168: {  	[spmem:s23] =	stream.linear.scatter [tilespmem:s26], [sflag:$0x3], $0x1900, $0x38;
	[tilespmem:$0x1A400] =	vst v63  }
0x169: {  	s23 =	sld [smem:$0x7EF];
	_ =	sdelay $0x1  }
0x16a: {  	s2 =	simm.s32 @!p0 $0x0;
	s11 =	simm.s32 @!p0 $0x15900  }
0x16b: {  	[hbm4b:s23+s2] =	stream.linear.scatter @!p0 [tilespmem:s11], [sflag:$0x6], $0x1900, $0x38;
	[tilespmem:$0x1A400] =	vst v63  }
0x16c: {  	s2 =	simm.s32 @!p0 $0x6  }
0x16d: {  	_ =	swait.ge @!p0 [sflag:s2], $0x1900  }
0x16e: {  	[sflag:s2] =	ssyncset.done @!p0 $0x0  }
0x16f: {  	[sflag:s2] =	ssyncadd.s32 @!p0 $0xFFFFE700  }
0x170: {  	_ =	swait.ge [sflag:s25], $0x1900  }
0x171: {  	[sflag:s25] =	ssyncset.done $0x0  }
0x172: {  	[sflag:s25] =	ssyncadd.s32 $0xFFFFE700  }
0x173: {  	_ =	swait.ge [sflag:s13], $0x1900  }
0x174: {  	[sflag:s13] =	ssyncset.done $0x0  }
0x175: {  	[sflag:s13] =	ssyncadd.s32 $0xFFFFE700  }
0x176: {  	[bflag:$0x0] =	sbarrier.arrive $0xFFFF  }
0x177: {  	_ =	swait.ge [sflag:s16], $0x1388  }
0x178: {  	[sflag:s16] =	ssyncset.done $0x0  }
0x179: {  	[sflag:s16] =	ssyncadd.s32 $0xFFFFEC78  }
0x17a: {  	_ =	swait.ge [sflag:s16], $0x1388  }
0x17b: {  	[sflag:s16] =	ssyncset.done $0x0  }
0x17c: {  	s11 =	simm.s32 $0x9100;
	s6 =	rddreg [dreg:$0x13];
	[sflag:s16] =	ssyncadd.s32 $0xFFFFEC78  }
0x17d: {  	[tilespmem:s11], [sflag:$0x1] =	stream.linear.gather [hbm4b:s6+s1], $0x1388, $0x38;
	[tilespmem:$0x1A400] =	vst v63  }
0x17e: {  	s23 =	rddreg [dreg:$0x14]  }
0x17f: {  	[tilespmem:s17], [sflag:$0x1] =	stream.linear.gather [hbm4b:s23+s1], $0x1388, $0x38;
	[tilespmem:$0x1A400] =	vst v63  }
0x180: {  	_ = 	snop  }
0x181: {  	[tilespmem:s14], [sflag:$0x2] =	stream.indirect.gather [spmem:s7], $0x1, s24, s18, $0xb8;
	[tilespmem:$0x1A400] =	vst v63  }
0x182: {  	_ = 	snop  }
0x183: {  	[tilespmem:s30], [sflag:$0x2] =	stream.indirect.gather [spmem:s9], $0x1, s24, s18, $0xb8;
	[tilespmem:$0x1A400] =	vst v63  }
0x184: {  	_ =	swait.ge [sflag:s25], $0x1388  }
0x185: {  	[sflag:s25] =	ssyncset.done $0x0  }
0x186: {  	[sflag:s25] =	ssyncadd.s32 $0xFFFFEC78  }
0x187: {  	_ =	swait.ge [sflag:s25], $0x1388  }
0x188: {  	[sflag:s25] =	ssyncset.done $0x0  }
0x189: {  	[sflag:s25] =	ssyncadd.s32 $0xFFFFEC78  }
0x18a: {  	[spmem:s0] =	stream.indirect.scatter.add.f32 [tilespmem:s14], [sflag:$0x4], $0x1, s15, s18, $0xb8;
	[tilespmem:$0x1A400] =	vst v63  }
0x18b: {  	_ = 	snop  }
0x18c: {  	[spmem:s3] =	stream.indirect.scatter.add.f32 [tilespmem:s30], [sflag:$0x4], $0x1, s15, s18, $0xb8;
	[tilespmem:$0x1A400] =	vst v63  }
0x18d: {  	_ =	swait.ge [sflag:s16], $0x1388  }
0x18e: {  	[sflag:s16] =	ssyncset.done $0x0  }
0x18f: {  	[sflag:s16] =	ssyncadd.s32 $0xFFFFEC78  }
0x190: {  	_ =	swait.ge [sflag:s16], $0x1388  }
0x191: {  	[sflag:s16] =	ssyncset.done $0x0  }
0x192: {  	s6 =	rddreg [dreg:$0x15];
	[sflag:s16] =	ssyncadd.s32 $0xFFFFEC78  }
0x193: {  	[tilespmem:s31], [sflag:$0x1] =	stream.linear.gather [hbm4b:s6+s1], $0x1388, $0x38;
	[tilespmem:$0x1A400] =	vst v63  }
0x194: {  	s23 =	rddreg [dreg:$0x16]  }
0x195: {  	[tilespmem:s20], [sflag:$0x1] =	stream.linear.gather [hbm4b:s23+s1], $0x1388, $0x38;
	[tilespmem:$0x1A400] =	vst v63  }
0x196: {  	_ = 	snop  }
0x197: {  	[tilespmem:s4], [sflag:$0x3] =	stream.indirect.gather [spmem:s7], $0x1, s11, s18, $0xb8;
	[tilespmem:$0x1A400] =	vst v63  }
0x198: {  	_ = 	snop  }
0x199: {  	[tilespmem:s5], [sflag:$0x3] =	stream.indirect.gather [spmem:s9], $0x1, s11, s18, $0xb8;
	[tilespmem:$0x1A400] =	vst v63  }
0x19a: {  	_ =	swait.ge [sflag:s21], $0x1388  }
0x19b: {  	[sflag:s21] =	ssyncset.done $0x0  }
0x19c: {  	[sflag:s21] =	ssyncadd.s32 $0xFFFFEC78  }
0x19d: {  	_ =	swait.ge [sflag:s21], $0x1388  }
0x19e: {  	[sflag:s21] =	ssyncset.done $0x0  }
0x19f: {  	[sflag:s21] =	ssyncadd.s32 $0xFFFFEC78  }
0x1a0: {  	_ =	swait.ge [sflag:s13], $0x1388  }
0x1a1: {  	[sflag:s13] =	ssyncset.done $0x0  }
0x1a2: {  	[sflag:s13] =	ssyncadd.s32 $0xFFFFEC78  }
0x1a3: {  	_ =	swait.ge [sflag:s13], $0x1388  }
0x1a4: {  	[sflag:s13] =	ssyncset.done $0x0  }
0x1a5: {  	[sflag:s13] =	ssyncadd.s32 $0xFFFFEC78  }
0x1a6: {  	[spmem:s0] =	stream.indirect.scatter.add.f32 [tilespmem:s4], [sflag:$0x5], $0x1, s17, s18, $0xb8;
	[tilespmem:$0x1A400] =	vst v63  }
0x1a7: {  	_ = 	snop  }
0x1a8: {  	[spmem:s3] =	stream.indirect.scatter.add.f32 [tilespmem:s5], [sflag:$0x5], $0x1, s17, s18, $0xb8;
	[tilespmem:$0x1A400] =	vst v63  }
0x1a9: {  	_ =	swait.ge [sflag:s16], $0x1388  }
0x1aa: {  	[sflag:s16] =	ssyncset.done $0x0  }
0x1ab: {  	[sflag:s16] =	ssyncadd.s32 $0xFFFFEC78  }
0x1ac: {  	_ =	swait.ge [sflag:s16], $0x1388  }
0x1ad: {  	[sflag:s16] =	ssyncset.done $0x0  }
0x1ae: {  	s6 =	rddreg [dreg:$0x17];
	[sflag:s16] =	ssyncadd.s32 $0xFFFFEC78  }
0x1af: {  	[tilespmem:s24], [sflag:$0x1] =	stream.linear.gather [hbm4b:s6+s1], $0x1388, $0x38;
	[tilespmem:$0x1A400] =	vst v63  }
0x1b0: {  	s23 =	rddreg [dreg:$0x18]  }
0x1b1: {  	[tilespmem:s15], [sflag:$0x1] =	stream.linear.gather [hbm4b:s23+s1], $0x1388, $0x38;
	[tilespmem:$0x1A400] =	vst v63  }
0x1b2: {  	_ = 	snop  }
0x1b3: {  	[tilespmem:s14], [sflag:$0x2] =	stream.indirect.gather [spmem:s7], $0x1, s31, s18, $0xb8;
	[tilespmem:$0x1A400] =	vst v63  }
0x1b4: {  	_ = 	snop  }
0x1b5: {  	[tilespmem:s30], [sflag:$0x2] =	stream.indirect.gather [spmem:s9], $0x1, s31, s18, $0xb8;
	[tilespmem:$0x1A400] =	vst v63  }
0x1b6: {  	_ =	swait.ge [sflag:s22], $0x1388  }
0x1b7: {  	[sflag:s22] =	ssyncset.done $0x0  }
0x1b8: {  	[sflag:s22] =	ssyncadd.s32 $0xFFFFEC78  }
0x1b9: {  	_ =	swait.ge [sflag:s22], $0x1388  }
0x1ba: {  	[sflag:s22] =	ssyncset.done $0x0  }
0x1bb: {  	[sflag:s22] =	ssyncadd.s32 $0xFFFFEC78  }
0x1bc: {  	_ =	swait.ge [sflag:s25], $0x1388  }
0x1bd: {  	[sflag:s25] =	ssyncset.done $0x0  }
0x1be: {  	[sflag:s25] =	ssyncadd.s32 $0xFFFFEC78  }
0x1bf: {  	_ =	swait.ge [sflag:s25], $0x1388  }
0x1c0: {  	[sflag:s25] =	ssyncset.done $0x0  }
0x1c1: {  	[sflag:s25] =	ssyncadd.s32 $0xFFFFEC78  }
0x1c2: {  	[spmem:s0] =	stream.indirect.scatter.add.f32 [tilespmem:s14], [sflag:$0x4], $0x1, s20, s18, $0xb8;
	[tilespmem:$0x1A400] =	vst v63  }
0x1c3: {  	_ = 	snop  }
0x1c4: {  	[spmem:s3] =	stream.indirect.scatter.add.f32 [tilespmem:s30], [sflag:$0x4], $0x1, s20, s18, $0xb8;
	[tilespmem:$0x1A400] =	vst v63  }
0x1c5: {  	_ =	swait.ge [sflag:s16], $0x1388  }
0x1c6: {  	[sflag:s16] =	ssyncset.done $0x0  }
0x1c7: {  	[sflag:s16] =	ssyncadd.s32 $0xFFFFEC78  }
0x1c8: {  	_ =	swait.ge [sflag:s16], $0x1388  }
0x1c9: {  	[sflag:s16] =	ssyncset.done $0x0  }
0x1ca: {  	s6 =	rddreg [dreg:$0x19];
	[sflag:s16] =	ssyncadd.s32 $0xFFFFEC78  }
0x1cb: {  	[tilespmem:s11], [sflag:$0x1] =	stream.linear.gather [hbm4b:s6+s1], $0x1388, $0x38;
	[tilespmem:$0x1A400] =	vst v63  }
0x1cc: {  	s23 =	rddreg [dreg:$0x1a]  }
0x1cd: {  	[tilespmem:s17], [sflag:$0x1] =	stream.linear.gather [hbm4b:s23+s1], $0x1388, $0x38;
	[tilespmem:$0x1A400] =	vst v63  }
0x1ce: {  	_ = 	snop  }
0x1cf: {  	[tilespmem:s4], [sflag:$0x3] =	stream.indirect.gather [spmem:s7], $0x1, s24, s18, $0xb8;
	[tilespmem:$0x1A400] =	vst v63  }
0x1d0: {  	_ = 	snop  }
0x1d1: {  	[tilespmem:s5], [sflag:$0x3] =	stream.indirect.gather [spmem:s9], $0x1, s24, s18, $0xb8;
	[tilespmem:$0x1A400] =	vst v63  }
0x1d2: {  	_ =	swait.ge [sflag:s21], $0x1388  }
0x1d3: {  	[sflag:s21] =	ssyncset.done $0x0  }
0x1d4: {  	[sflag:s21] =	ssyncadd.s32 $0xFFFFEC78  }
0x1d5: {  	_ =	swait.ge [sflag:s21], $0x1388  }
0x1d6: {  	[sflag:s21] =	ssyncset.done $0x0  }
0x1d7: {  	[sflag:s21] =	ssyncadd.s32 $0xFFFFEC78  }
0x1d8: {  	_ =	swait.ge [sflag:s13], $0x1388  }
0x1d9: {  	[sflag:s13] =	ssyncset.done $0x0  }
0x1da: {  	[sflag:s13] =	ssyncadd.s32 $0xFFFFEC78  }
0x1db: {  	_ =	swait.ge [sflag:s13], $0x1388  }
0x1dc: {  	[sflag:s13] =	ssyncset.done $0x0  }
0x1dd: {  	[sflag:s13] =	ssyncadd.s32 $0xFFFFEC78  }
0x1de: {  	[spmem:s0] =	stream.indirect.scatter.add.f32 [tilespmem:s4], [sflag:$0x5], $0x1, s15, s18, $0xb8;
	[tilespmem:$0x1A400] =	vst v63  }
0x1df: {  	_ = 	snop  }
0x1e0: {  	[spmem:s3] =	stream.indirect.scatter.add.f32 [tilespmem:s5], [sflag:$0x5], $0x1, s15, s18, $0xb8;
	[tilespmem:$0x1A400] =	vst v63  }
0x1e1: {  	_ =	swait.ge [sflag:s16], $0x1388  }
0x1e2: {  	[sflag:s16] =	ssyncset.done $0x0  }
0x1e3: {  	[sflag:s16] =	ssyncadd.s32 $0xFFFFEC78  }
0x1e4: {  	_ =	swait.ge [sflag:s16], $0x1388  }
0x1e5: {  	[sflag:s16] =	ssyncset.done $0x0  }
0x1e6: {  	s6 =	rddreg [dreg:$0x1b];
	[sflag:s16] =	ssyncadd.s32 $0xFFFFEC78  }
0x1e7: {  	[tilespmem:s31], [sflag:$0x1] =	stream.linear.gather [hbm4b:s6+s1], $0x1388, $0x38;
	[tilespmem:$0x1A400] =	vst v63  }
0x1e8: {  	s23 =	rddreg [dreg:$0x1c]  }
0x1e9: {  	[tilespmem:s20], [sflag:$0x1] =	stream.linear.gather [hbm4b:s23+s1], $0x1388, $0x38;
	[tilespmem:$0x1A400] =	vst v63  }
0x1ea: {  	_ = 	snop  }
0x1eb: {  	[tilespmem:s14], [sflag:$0x2] =	stream.indirect.gather [spmem:s7], $0x1, s11, s18, $0xb8;
	[tilespmem:$0x1A400] =	vst v63  }
0x1ec: {  	_ = 	snop  }
0x1ed: {  	[tilespmem:s30], [sflag:$0x2] =	stream.indirect.gather [spmem:s9], $0x1, s11, s18, $0xb8;
	[tilespmem:$0x1A400] =	vst v63  }
0x1ee: {  	_ =	swait.ge [sflag:s22], $0x1388  }
0x1ef: {  	[sflag:s22] =	ssyncset.done $0x0  }
0x1f0: {  	[sflag:s22] =	ssyncadd.s32 $0xFFFFEC78  }
0x1f1: {  	_ =	swait.ge [sflag:s22], $0x1388  }
0x1f2: {  	[sflag:s22] =	ssyncset.done $0x0  }
0x1f3: {  	[sflag:s22] =	ssyncadd.s32 $0xFFFFEC78  }
0x1f4: {  	_ =	swait.ge [sflag:s25], $0x1388  }
0x1f5: {  	[sflag:s25] =	ssyncset.done $0x0  }
0x1f6: {  	[sflag:s25] =	ssyncadd.s32 $0xFFFFEC78  }
0x1f7: {  	_ =	swait.ge [sflag:s25], $0x1388  }
0x1f8: {  	[sflag:s25] =	ssyncset.done $0x0  }
0x1f9: {  	[sflag:s25] =	ssyncadd.s32 $0xFFFFEC78  }
0x1fa: {  	[spmem:s0] =	stream.indirect.scatter.add.f32 [tilespmem:s14], [sflag:$0x4], $0x1, s17, s18, $0xb8;
	[tilespmem:$0x1A400] =	vst v63  }
0x1fb: {  	_ = 	snop  }
0x1fc: {  	[spmem:s3] =	stream.indirect.scatter.add.f32 [tilespmem:s30], [sflag:$0x4], $0x1, s17, s18, $0xb8;
	[tilespmem:$0x1A400] =	vst v63  }
0x1fd: {  	_ =	swait.ge [sflag:s16], $0x1388  }
0x1fe: {  	[sflag:s16] =	ssyncset.done $0x0  }
0x1ff: {  	[sflag:s16] =	ssyncadd.s32 $0xFFFFEC78  }
0x200: {  	_ =	swait.ge [sflag:s16], $0x1388  }
0x201: {  	[sflag:s16] =	ssyncset.done $0x0  }
0x202: {  	s6 =	rddreg [dreg:$0x1d];
	[sflag:s16] =	ssyncadd.s32 $0xFFFFEC78  }
0x203: {  	[tilespmem:s24], [sflag:$0x1] =	stream.linear.gather [hbm4b:s6+s1], $0x1388, $0x38;
	[tilespmem:$0x1A400] =	vst v63  }
0x204: {  	s23 =	rddreg [dreg:$0x1e]  }
0x205: {  	[tilespmem:s15], [sflag:$0x1] =	stream.linear.gather [hbm4b:s23+s1], $0x1388, $0x38;
	[tilespmem:$0x1A400] =	vst v63  }
0x206: {  	_ = 	snop  }
0x207: {  	[tilespmem:s4], [sflag:$0x3] =	stream.indirect.gather [spmem:s7], $0x1, s31, s18, $0xb8;
	[tilespmem:$0x1A400] =	vst v63  }
0x208: {  	_ = 	snop  }
0x209: {  	[tilespmem:s5], [sflag:$0x3] =	stream.indirect.gather [spmem:s9], $0x1, s31, s18, $0xb8;
	[tilespmem:$0x1A400] =	vst v63  }
0x20a: {  	_ =	swait.ge [sflag:s21], $0x1388  }
0x20b: {  	[sflag:s21] =	ssyncset.done $0x0  }
0x20c: {  	[sflag:s21] =	ssyncadd.s32 $0xFFFFEC78  }
0x20d: {  	_ =	swait.ge [sflag:s21], $0x1388  }
0x20e: {  	[sflag:s21] =	ssyncset.done $0x0  }
0x20f: {  	[sflag:s21] =	ssyncadd.s32 $0xFFFFEC78  }
0x210: {  	_ =	swait.ge [sflag:s13], $0x1388  }
0x211: {  	[sflag:s13] =	ssyncset.done $0x0  }
0x212: {  	[sflag:s13] =	ssyncadd.s32 $0xFFFFEC78  }
0x213: {  	_ =	swait.ge [sflag:s13], $0x1388  }
0x214: {  	[sflag:s13] =	ssyncset.done $0x0  }
0x215: {  	[sflag:s13] =	ssyncadd.s32 $0xFFFFEC78  }
0x216: {  	[spmem:s0] =	stream.indirect.scatter.add.f32 [tilespmem:s4], [sflag:$0x5], $0x1, s20, s18, $0xb8;
	[tilespmem:$0x1A400] =	vst v63  }
0x217: {  	_ = 	snop  }
0x218: {  	[spmem:s3] =	stream.indirect.scatter.add.f32 [tilespmem:s5], [sflag:$0x5], $0x1, s20, s18, $0xb8;
	[tilespmem:$0x1A400] =	vst v63  }
0x219: {  	_ =	swait.ge [sflag:s16], $0x1388  }
0x21a: {  	[sflag:s16] =	ssyncset.done $0x0  }
0x21b: {  	[sflag:s16] =	ssyncadd.s32 $0xFFFFEC78  }
0x21c: {  	_ =	swait.ge [sflag:s16], $0x1388  }
0x21d: {  	[sflag:s16] =	ssyncset.done $0x0;
	s6 =	rddreg [dreg:$0x1f]  }
0x21e: {  	s23 =	sld [smem:$0x7E0];
	[sflag:s16] =	ssyncadd.s32 $0xFFFFEC78  }
0x21f: {  	[tilespmem:s11], [sflag:$0x1] =	stream.linear.gather [hbm4b:s6+s1], $0x1388, $0x38;
	[tilespmem:$0x1A400] =	vst v63  }
0x220: {  	_ = 	snop  }
0x221: {  	[tilespmem:s17], [sflag:$0x1] =	stream.linear.gather [hbm4b:s23+s1], $0x1388, $0x38;
	[tilespmem:$0x1A400] =	vst v63  }
0x222: {  	_ = 	snop  }
0x223: {  	[tilespmem:s14], [sflag:$0x2] =	stream.indirect.gather [spmem:s7], $0x1, s24, s18, $0xb8;
	[tilespmem:$0x1A400] =	vst v63  }
0x224: {  	_ = 	snop  }
0x225: {  	[tilespmem:s30], [sflag:$0x2] =	stream.indirect.gather [spmem:s9], $0x1, s24, s18, $0xb8;
	[tilespmem:$0x1A400] =	vst v63  }
0x226: {  	_ =	swait.ge [sflag:s22], $0x1388  }
0x227: {  	[sflag:s22] =	ssyncset.done $0x0  }
0x228: {  	[sflag:s22] =	ssyncadd.s32 $0xFFFFEC78  }
0x229: {  	_ =	swait.ge [sflag:s22], $0x1388  }
0x22a: {  	[sflag:s22] =	ssyncset.done $0x0  }
0x22b: {  	[sflag:s22] =	ssyncadd.s32 $0xFFFFEC78  }
0x22c: {  	_ =	swait.ge [sflag:s25], $0x1388  }
0x22d: {  	[sflag:s25] =	ssyncset.done $0x0  }
0x22e: {  	[sflag:s25] =	ssyncadd.s32 $0xFFFFEC78  }
0x22f: {  	_ =	swait.ge [sflag:s25], $0x1388  }
0x230: {  	[sflag:s25] =	ssyncset.done $0x0  }
0x231: {  	[sflag:s25] =	ssyncadd.s32 $0xFFFFEC78  }
0x232: {  	[spmem:s0] =	stream.indirect.scatter.add.f32 [tilespmem:s14], [sflag:$0x4], $0x1, s15, s18, $0xb8;
	[tilespmem:$0x1A400] =	vst v63  }
0x233: {  	_ = 	snop  }
0x234: {  	[spmem:s3] =	stream.indirect.scatter.add.f32 [tilespmem:s30], [sflag:$0x4], $0x1, s15, s18, $0xb8;
	[tilespmem:$0x1A400] =	vst v63  }
0x235: {  	_ =	swait.ge [sflag:s16], $0x1388  }
0x236: {  	[sflag:s16] =	ssyncset.done $0x0  }
0x237: {  	[sflag:s16] =	ssyncadd.s32 $0xFFFFEC78  }
0x238: {  	_ =	swait.ge [sflag:s16], $0x1388  }
0x239: {  	s6 =	sld [smem:$0x7E3]  }
0x23a: {  	[sflag:s16] =	ssyncset.done $0x0  }
0x23b: {  	s23 =	sld [smem:$0x7E4];
	[sflag:s16] =	ssyncadd.s32 $0xFFFFEC78  }
0x23c: {  	[tilespmem:s31], [sflag:$0x1] =	stream.linear.gather [hbm4b:s6+s1], $0x1388, $0x38;
	[tilespmem:$0x1A400] =	vst v63  }
0x23d: {  	_ = 	snop  }
0x23e: {  	[tilespmem:s20], [sflag:$0x1] =	stream.linear.gather [hbm4b:s23+s1], $0x1388, $0x38;
	[tilespmem:$0x1A400] =	vst v63  }
0x23f: {  	_ = 	snop  }
0x240: {  	[tilespmem:s4], [sflag:$0x3] =	stream.indirect.gather [spmem:s7], $0x1, s11, s18, $0xb8;
	[tilespmem:$0x1A400] =	vst v63  }
0x241: {  	_ = 	snop  }
0x242: {  	[tilespmem:s5], [sflag:$0x3] =	stream.indirect.gather [spmem:s9], $0x1, s11, s18, $0xb8;
	[tilespmem:$0x1A400] =	vst v63  }
0x243: {  	_ =	swait.ge [sflag:s21], $0x1388  }
0x244: {  	[sflag:s21] =	ssyncset.done $0x0  }
0x245: {  	[sflag:s21] =	ssyncadd.s32 $0xFFFFEC78  }
0x246: {  	_ =	swait.ge [sflag:s21], $0x1388  }
0x247: {  	[sflag:s21] =	ssyncset.done $0x0  }
0x248: {  	[sflag:s21] =	ssyncadd.s32 $0xFFFFEC78  }
0x249: {  	_ =	swait.ge [sflag:s13], $0x1388  }
0x24a: {  	[sflag:s13] =	ssyncset.done $0x0  }
0x24b: {  	[sflag:s13] =	ssyncadd.s32 $0xFFFFEC78  }
0x24c: {  	_ =	swait.ge [sflag:s13], $0x1388  }
0x24d: {  	[sflag:s13] =	ssyncset.done $0x0  }
0x24e: {  	[sflag:s13] =	ssyncadd.s32 $0xFFFFEC78  }
0x24f: {  	[spmem:s0] =	stream.indirect.scatter.add.f32 [tilespmem:s4], [sflag:$0x5], $0x1, s17, s18, $0xb8;
	[tilespmem:$0x1A400] =	vst v63  }
0x250: {  	_ = 	snop  }
0x251: {  	[spmem:s3] =	stream.indirect.scatter.add.f32 [tilespmem:s5], [sflag:$0x5], $0x1, s17, s18, $0xb8;
	[tilespmem:$0x1A400] =	vst v63  }
0x252: {  	_ =	swait.ge [sflag:s16], $0x1388  }
0x253: {  	[sflag:s16] =	ssyncset.done $0x0  }
0x254: {  	[sflag:s16] =	ssyncadd.s32 $0xFFFFEC78  }
0x255: {  	_ =	swait.ge [sflag:s16], $0x1388  }
0x256: {  	s6 =	sld [smem:$0x7E5]  }
0x257: {  	[sflag:s16] =	ssyncset.done $0x0  }
0x258: {  	s11 =	sld [smem:$0x7E6];
	[sflag:s16] =	ssyncadd.s32 $0xFFFFEC78  }
0x259: {  	[tilespmem:s24], [sflag:$0x1] =	stream.linear.gather [hbm4b:s6+s1], $0x1388, $0x38;
	[tilespmem:$0x1A400] =	vst v63  }
0x25a: {  	_ = 	snop  }
0x25b: {  	[tilespmem:s15], [sflag:$0x1] =	stream.linear.gather [hbm4b:s11+s1], $0x1388, $0x38;
	[tilespmem:$0x1A400] =	vst v63  }
0x25c: {  	_ = 	snop  }
0x25d: {  	[tilespmem:s14], [sflag:$0x2] =	stream.indirect.gather [spmem:s7], $0x1, s31, s18, $0xb8;
	[tilespmem:$0x1A400] =	vst v63  }
0x25e: {  	_ = 	snop  }
0x25f: {  	[tilespmem:s30], [sflag:$0x2] =	stream.indirect.gather [spmem:s9], $0x1, s31, s18, $0xb8;
	[tilespmem:$0x1A400] =	vst v63  }
0x260: {  	_ =	swait.ge [sflag:s22], $0x1388  }
0x261: {  	[sflag:s22] =	ssyncset.done $0x0  }
0x262: {  	[sflag:s22] =	ssyncadd.s32 $0xFFFFEC78  }
0x263: {  	_ =	swait.ge [sflag:s22], $0x1388  }
0x264: {  	[sflag:s22] =	ssyncset.done $0x0  }
0x265: {  	[sflag:s22] =	ssyncadd.s32 $0xFFFFEC78  }
0x266: {  	_ =	swait.ge [sflag:s25], $0x1388  }
0x267: {  	[sflag:s25] =	ssyncset.done $0x0  }
0x268: {  	[sflag:s25] =	ssyncadd.s32 $0xFFFFEC78  }
0x269: {  	_ =	swait.ge [sflag:s25], $0x1388  }
0x26a: {  	[sflag:s25] =	ssyncset.done $0x0  }
0x26b: {  	[sflag:s25] =	ssyncadd.s32 $0xFFFFEC78  }
0x26c: {  	[spmem:s0] =	stream.indirect.scatter.add.f32 [tilespmem:s14], [sflag:$0x4], $0x1, s20, s18, $0xb8;
	[tilespmem:$0x1A400] =	vst v63  }
0x26d: {  	_ = 	snop  }
0x26e: {  	[spmem:s3] =	stream.indirect.scatter.add.f32 [tilespmem:s30], [sflag:$0x4], $0x1, s20, s18, $0xb8;
	[tilespmem:$0x1A400] =	vst v63  }
0x26f: {  	_ =	swait.ge [sflag:s16], $0x1388  }
0x270: {  	[sflag:s16] =	ssyncset.done $0x0  }
0x271: {  	[sflag:s16] =	ssyncadd.s32 $0xFFFFEC78  }
0x272: {  	_ =	swait.ge [sflag:s16], $0x1388  }
0x273: {  	[sflag:s16] =	ssyncset.done $0x0  }
0x274: {  	[sflag:s16] =	ssyncadd.s32 $0xFFFFEC78  }
0x275: {  	[tilespmem:s4], [sflag:$0x3] =	stream.indirect.gather [spmem:s7], $0x1, s24, s18, $0xb8;
	[tilespmem:$0x1A400] =	vst v63  }
0x276: {  	_ = 	snop  }
0x277: {  	[tilespmem:s5], [sflag:$0x3] =	stream.indirect.gather [spmem:s9], $0x1, s24, s18, $0xb8;
	[tilespmem:$0x1A400] =	vst v63  }
0x278: {  	_ =	swait.ge [sflag:s13], $0x1388  }
0x279: {  	[sflag:s13] =	ssyncset.done $0x0  }
0x27a: {  	[sflag:s13] =	ssyncadd.s32 $0xFFFFEC78  }
0x27b: {  	_ =	swait.ge [sflag:s13], $0x1388  }
0x27c: {  	[sflag:s13] =	ssyncset.done $0x0  }
0x27d: {  	[sflag:s13] =	ssyncadd.s32 $0xFFFFEC78  }
0x27e: {  	[spmem:s0] =	stream.indirect.scatter.add.f32 [tilespmem:s4], [sflag:$0x5], $0x1, s15, s18, $0xb8;
	[tilespmem:$0x1A400] =	vst v63  }
0x27f: {  	_ = 	snop  }
0x280: {  	[spmem:s3] =	stream.indirect.scatter.add.f32 [tilespmem:s5], [sflag:$0x5], $0x1, s15, s18, $0xb8;
	[tilespmem:$0x1A400] =	vst v63  }
0x281: {  	_ =	swait.ge [sflag:s21], $0x1388  }
0x282: {  	[sflag:s21] =	ssyncset.done $0x0  }
0x283: {  	[sflag:s21] =	ssyncadd.s32 $0xFFFFEC78  }
0x284: {  	_ =	swait.ge [sflag:s21], $0x1388  }
0x285: {  	[sflag:s21] =	ssyncset.done $0x0  }
0x286: {  	[sflag:s21] =	ssyncadd.s32 $0xFFFFEC78  }
0x287: {  	_ =	swait.ge [sflag:s22], $0x1388  }
0x288: {  	[sflag:s22] =	ssyncset.done $0x0  }
0x289: {  	[sflag:s22] =	ssyncadd.s32 $0xFFFFEC78  }
0x28a: {  	_ =	swait.ge [sflag:s22], $0x1388  }
0x28b: {  	[sflag:s22] =	ssyncset.done $0x0  }
0x28c: {  	[sflag:s22] =	ssyncadd.s32 $0xFFFFEC78  }
0x28d: {  	[bflag:$0x0] =	sbarrier.arrive $0xFFFF  }
0x28e: {  	s2 =	sld [smem:$0x7F0]  }
0x28f: {  	s11 =	sld [smem:$0x7FD];
	_ =	sdelay $0x1  }
0x290: {  	s23 =	simm.s32 $0x20;
	s6 =	simm.s32 $0x10  }
0x291: {  	[hbm:s2@s23], [sflag:s11] =	dma.strided [spmem:s8@s6], $0x320, s16, $0x10   }
0x292: {  	_ =	swait.ge [sflag:s10], $0x320  }
0x293: {  	s2 =	sld [smem:$0x7F1]  }
0x294: {  	s8 =	smov.u32 s11;
	s11 =	sld [smem:$0x7DF]  }
0x295: {  	[sflag:s10] =	ssyncset.done $0x0  }
0x296: {  	[sflag:s10] =	ssyncadd.s32 $0xFFFFFCE0  }
0x297: {  	[hbm:s2@s23], [sflag:s8] =	dma.strided [spmem:s11@s6], $0x320, s16, $0x10   }
0x298: {  	_ =	swait.ge [sflag:s10], $0x320  }
0x299: {  	s23 =	sld [smem:$0x7F2];
	_ =	sdelay $0x1  }
0x29a: {  	s19 =	sadd.s32 $0x1, s19  }
0x29b: {  	p1 =	sne.s32 s19, s23  }
.Ltmp1:
0x29c: {  	_ = 	snop;
	(pc) =	sbr.rel @p1 .LBB2_1-.Ltmp1, $3  }
0x29d: {  	_ =	sdelay $0x1  }
0x29e: {  	[sflag:s10] =	ssyncset.done $0x0  }
0x29f: {  	[sflag:s10] =	ssyncadd.s32 $0xFFFFFCE0  }
0x2a0: {  	_ =	sfence.sel $0x180000  }
0x2a1: {  	[bflag:$0x0] =	sbarrier.arrive $0xFFFF  }
0x2a2: {  	_ =	strace $0x90000047  }
0x2a3: {  	s0 =	stileid.u32;
	[bflag:$0x2] =	sbarrier.arrive $0xFFFF  }
0x2a4: {  	p0 =	sne.s32 s0, $0x0;
	s0 =	rddreg [dreg:$0x7]  }
0x2a5: {  	s0 =	sadd.s32 @!p0 $0x100000, s0  }
0x2a6: {  	[sflag:s0] =	ssyncadd.tile.s32 @!p0 $0x1;
	_ =	shalt  }
.Lfunc_end2:
_tile_overlayer_lowered:
.L_overlay_start_2:
0x2a7: {  	(tag) =	ssettag $0x2  }
0x2a8: {  	s0 =	rddreg [dreg:$0x0];
	s2 =	stileid.u32  }
0x2a9: {  	s1 =	rddreg [dreg:$0x1];
	p0 =	sne.s32 s2, $0x0  }
0x2aa: {  	s3 =	rddreg [dreg:$0x2];
	[bflag:$0x3] =	sbarrier.arrive $0xFFFF;
	s2 =	simm.s32 @!p0 $0x1C06  }
0x2ab: {  	[timem:s3], [sflag:s2] =	dma.local @!p0 [hbm:s0], s1  }
0x2ac: {  	s0 =	simm.s32 @!p0 $0x6  }
0x2ad: {  	_ =	swait.ge @!p0 [sflag:s0], s1  }
0x2ae: {  	s1 =	ssub.s32 @!p0 $0x0, s1;
	[sflag:s0] =	ssyncset.done @!p0 $0x0  }
0x2af: {  	[sflag:s0] =	ssyncadd.s32 @!p0 s1  }
0x2b0: {  	[bflag:$0x3] =	sbarrier.arrive $0xFFFF  }
0x2b1: {  	_ =	shalt  }

// kernel: kernel.9.cloned.1.call-start
scs
__scs_entry_jumppad:
0x0: {  	(pc) =	sbr.rel $0x88, $3  }
0x1: {  	(tag) =	ssettag $0x0;
	lr =	simm.s32 $0x1  }
0x2: {  	[smem:$0x3F9B] =	sst lr;
	_ =	strace $0xD0000000  }
0x3: {  	_ = 	snop  }
0x4: {  	_ = 	snop  }
0x5: {  	_ = 	snop  }
0x6: {  	_ = 	snop  }
0x7: {  	_ = 	snop  }
__scs_overlays_trampoline_lowered:
0x8: {  	[smem:$0x3FAA] =	sst s0  }
0x9: {  	[smem:$0x3FAB] =	sst s1  }
0xa: {  	[smem:$0x3FAC] =	sst s2  }
0xb: {  	[smem:$0x3FAD] =	sst s3  }
0xc: {  	[smem:$0x3FAE] =	sst s4  }
0xd: {  	[smem:$0x3FAF] =	sst s5  }
0xe: {  	[smem:$0x3FB0] =	sst s6  }
0xf: {  	[smem:$0x3FB1] =	sst s7  }
0x10: {  	[smem:$0x3FB2] =	sst s8  }
0x11: {  	[smem:$0x3FB3] =	sst s9;
	s0 =	simm.s32 @!p0 $0x0  }
0x12: {  	s1 =	sld [smem:$0x3F99];
	s0 =	simm.s32 @p0 $0x1  }
0x13: {  	[smem:$0x3FB4] =	sst s0;
	s0 =	simm.s32 @!p1 $0x0  }
0x14: {  	s2 =	sld [smem:$0x3F98];
	s0 =	simm.s32 @p1 $0x1  }
0x15: {  	[smem:$0x3FB5] =	sst s0;
	s0 =	simm.s32 @!p2 $0x0  }
0x16: {  	s3 =	sld [smem:$0x3FDB];
	s0 =	simm.s32 @p2 $0x1  }
0x17: {  	s4 =	simm.s32 $0x1BF5;
	[smem:$0x3FB7] =	sst s0  }
0x18: {  	s0 =	sld [smem:$0x3F9A];
	_ =	swait.ge [sflag:s4], $0x0  }
0x19: {  	s7 =	sld [smem:$0x3F9B]  }
0x1a: {  	s8 =	sadd.s32 $0xFFFFE003, lr  }
0x1b: {  	s9 =	sadd.s32 $0xFFFFFEF7, lr;
	s5 =	simm.s32 $0xFFFFFFFF;
	p2 =	slt.u32 s8, $0xFFFFF086  }
0x1c: {  	p1 =	slt.u32 s9, $0xF7A;
	s5 =	simm.s32 @!p2 $0x0  }
0x1d: {  	s5 =	simm.s32 @p1 $0x1;
	p0 =	seq.s32 s7, s2  }
0x1e: {  	s7 =	smul.u32 @!p0 $0xF7A, s2;
	p2 =	seq.s32 @!p0 s5, $0x0  }
0x1f: {  	s9 =	smul.u32 $0xF7A, s1;
	s8 =	simm.s32 @!p0 $0x1BF5;
	p2 =	por !p2, p0  }
0x20: {  	[sflag:s8] =	ssyncset.s32 @!p0 $0xFFFFF086;
	s6 =	sadd.s32 @!p0 s3, s7;
	s7 =	simm.s32 @!p0 $0x108  }
0x21: {  	s3 =	sadd.s32 s3, s9;
	s6 =	sadd.s32 @!p0 $0x88, s6;
	s7 =	simm.s32 @p2 $0x1082  }
0x22: {  	[simem:s7], [sflag:s8] =	dma.local @!p0 [hbm:s6], $0xF7A  }
0x23: {  	s9 =	sor.u32 $0xD0000000, s2;
	s6 =	simm.s32 $0x108;
	_ =	swait.ge @!p0 [sflag:s8], $0x0  }
0x24: {  	s3 =	sadd.s32 $0x88, s3;
	s6 =	simm.s32 @!p1 $0x1082;
	[sflag:s4] =	ssyncset.s32 $0xFFFFF086  }
0x25: {  	[simem:s6], [sflag:s4] =	dma.local [hbm:s3], $0xF7A  }
0x26: {  	[smem:$0x3F9B] =	sst s1;
	(tag) =	ssettag s2;
	_ =	strace s9  }
0x27: {  	s1 =	sld [smem:$0x3FAB]  }
0x28: {  	s2 =	sld [smem:$0x3FAC]  }
0x29: {  	s4 =	sld [smem:$0x3FAE]  }
0x2a: {  	p0 =	seq.s32 s5, $0x0;
	s5 =	sld [smem:$0x3FAF]  }
0x2b: {  	s6 =	sld [smem:$0x3FB0]  }
0x2c: {  	s7 =	sld [smem:$0x3FB1]  }
0x2d: {  	s3 =	simm.s32 $0x108;
	s8 =	sld [smem:$0x3FB2]  }
0x2e: {  	s3 =	simm.s32 @!p0 $0x1082;
	s9 =	sld [smem:$0x3FB3]  }
0x2f: {  	lr =	sadd.s32 s0, s3;
	s0 =	sld [smem:$0x3FAA]  }
0x30: {  	s3 =	sld [smem:$0x3FAD]  }
0x31: {  	[smem:$0x3FB6] =	sst s10  }
0x32: {  	s10 =	sld [smem:$0x3FB4];
	_ =	sdelay $0x3  }
0x33: {  	p0 =	seq.s32 s10, $0x1;
	s10 =	sld [smem:$0x3FB6];
	_ =	sdelay $0x3  }
0x34: {  	[smem:$0x3FB6] =	sst s10  }
0x35: {  	s10 =	sld [smem:$0x3FB5];
	_ =	sdelay $0x3  }
0x36: {  	p1 =	seq.s32 s10, $0x1;
	s10 =	sld [smem:$0x3FB6];
	_ =	sdelay $0x3  }
0x37: {  	[smem:$0x3FB6] =	sst s10  }
0x38: {  	s10 =	sld [smem:$0x3FB7]  }
0x39: {  	_ = 	snop;
	(pc) =	sbr.ind lr, $3  }
0x3a: {  	_ = 	snop  }
0x3b: {  	_ = 	snop  }
0x3c: {  	p2 =	seq.s32 s10, $0x1;
	s10 =	sld [smem:$0x3FB6]  }
0x3d: {  	_ =	shalt  }
0x3e: {  	_ =	shalt  }
0x3f: {  	_ =	shalt  }
0x40: {  	_ =	shalt  }
0x41: {  	_ =	shalt  }
0x42: {  	_ =	shalt  }
0x43: {  	_ =	shalt  }
0x44: {  	_ =	shalt  }
0x45: {  	_ =	shalt  }
0x46: {  	_ =	shalt  }
0x47: {  	_ =	shalt  }
0x48: {  	_ =	shalt  }
0x49: {  	_ =	shalt  }
0x4a: {  	_ =	shalt  }
0x4b: {  	_ =	shalt  }
0x4c: {  	_ =	shalt  }
0x4d: {  	_ =	shalt  }
0x4e: {  	_ =	shalt  }
0x4f: {  	_ =	shalt  }
0x50: {  	_ =	shalt  }
0x51: {  	_ =	shalt  }
0x52: {  	_ =	shalt  }
0x53: {  	_ =	shalt  }
0x54: {  	_ =	shalt  }
0x55: {  	_ =	shalt  }
0x56: {  	_ =	shalt  }
0x57: {  	_ =	shalt  }
0x58: {  	_ =	shalt  }
0x59: {  	_ =	shalt  }
0x5a: {  	_ =	shalt  }
0x5b: {  	_ =	shalt  }
0x5c: {  	_ =	shalt  }
0x5d: {  	_ =	shalt  }
0x5e: {  	_ =	shalt  }
0x5f: {  	_ =	shalt  }
0x60: {  	_ =	shalt  }
0x61: {  	_ =	shalt  }
0x62: {  	_ =	shalt  }
0x63: {  	_ =	shalt  }
0x64: {  	_ =	shalt  }
0x65: {  	_ =	shalt  }
0x66: {  	_ =	shalt  }
0x67: {  	_ =	shalt  }
0x68: {  	_ =	shalt  }
0x69: {  	_ =	shalt  }
0x6a: {  	_ =	shalt  }
0x6b: {  	_ =	shalt  }
0x6c: {  	_ =	shalt  }
0x6d: {  	_ =	shalt  }
0x6e: {  	_ =	shalt  }
0x6f: {  	_ =	shalt  }
0x70: {  	_ =	shalt  }
0x71: {  	_ =	shalt  }
0x72: {  	_ =	shalt  }
0x73: {  	_ =	shalt  }
0x74: {  	_ =	shalt  }
0x75: {  	_ =	shalt  }
0x76: {  	_ =	shalt  }
0x77: {  	_ =	shalt  }
0x78: {  	_ =	shalt  }
0x79: {  	_ =	shalt  }
0x7a: {  	_ =	shalt  }
0x7b: {  	_ =	shalt  }
0x7c: {  	_ =	shalt  }
0x7d: {  	_ =	shalt  }
0x7e: {  	_ =	shalt  }
0x7f: {  	_ =	shalt  }
0x80: {  	_ =	shalt  }
0x81: {  	_ =	shalt  }
0x82: {  	_ =	shalt  }
0x83: {  	_ =	shalt  }
0x84: {  	_ =	shalt  }
0x85: {  	_ =	shalt  }
0x86: {  	_ =	shalt  }
0x87: {  	_ =	shalt  }
.Lfunc_end0:
.L_simem_size_0:
called_computation.1_lowered:
.L_overlay_start_0:
0x88: {  	s2 =	sld [smem:$0x3FD9]  }
0x89: {  	s3 =	sld [smem:$0x3FFE];
	_ =	sdelay $0x1  }
0x8a: {  	s1 =	srdreg.scid  }
0x8b: {  	s0 =	sand.u32 $0x1, s1  }
0x8c: {  	s17 =	sshll.u32 s0, $0xA;
	s2 =	sadd.s32 s3, s2  }
0x8d: {  	s2 =	sadd.s32 s2, s17  }
0x8e: {  	[smem:$0x3FC2] =	sst s2  }
0x8f: {  	_ = 	snop  }
0x90: {  	s2 =	sld [smem:$0x3FD0];
	(tm) =	ssettm $0x1  }
0x91: {  	s18 =	sld [smem:$0x3FFB];
	_ =	sdelay $0x3  }
0x92: {  	_ =	strace s18  }
0x93: {  	s3 =	sld [smem:$0x3FFC];
	_ =	sdelay $0x3  }
0x94: {  	_ =	strace s3  }
0x95: {  	s3 =	sld [smem:$0x3FFD];
	_ =	sdelay $0x3  }
0x96: {  	_ =	strace s3  }
0x97: {  	_ =	strace $0x8FFFFFFF  }
0x98: {  	s19 =	sld [smem:$0x3FDB];
	_ =	sdelay $0x1  }
0x99: {  	s4 =	simm.s32 $_scs_section_size  }
0x9a: {  	s5 =	simm.s32 $_size__tile_overlayer_lowered;
	s6 =	simm.s32 $_tile_overlayer_lowered  }
0x9b: {  	s22 =	simm.s32 $0x1BFF;
	s21 =	sshll.u32 s6, $0x1;
	s3 =	sadd.s32 s4, s19  }
0x9c: {  	s7 =	simm.s32 $0x0;
	s20 =	sshll.u32 s5, $0x1;
	s5 =	sadd.s32 s21, s3  }
0x9d: {  	[timem:s7], [sflag:s22] =	dma.local [hbm:s5], s20  }
0x9e: {  	_ =	swait.ge [sflag:s22], s20  }
0x9f: {  	s4 =	ssub.s32 $0x0, s20;
	[sflag:s22] =	ssyncset.done $0x0  }
0xa0: {  	[sflag:s22] =	ssyncadd.s32 s4;
	_ =	sdelay $0x1  }
0xa1: {  	s23 =	simm.s32 $0x1B8B  }
0xa2: {  	_ =	swait.ge [sflag:s23], $0x1  }
0xa3: {  	[sflag:s23] =	ssyncset.done $0x0  }
0xa4: {  	s25 =	simm.s32 $0x1B8E;
	s24 =	sld [smem:$0x3FFE];
	[sflag:s23] =	ssyncadd.s32 $0xFFFFFFFF  }
0xa5: {  	s26 =	simm.s32 $execute0_lowered;
	[smem:$0x3FD2] =	sst s25  }
0xa6: {  	s5 =	sshll.u32 s26, $0x1;
	_ =	strace $0x80000049;
	[dreg:$0x1] =	wrdreg $0xFFFFFFFF  }
0xa7: {  	s28 =	simm.s32 $_size_execute0_lowered;
	s3 =	sadd.s32 s3, s5;
	[dreg:$0x0] =	wrdreg $0x0  }
0xa8: {  	s5 =	sshll.u32 s28, $0x1;
	[dreg:$0x2] =	wrdreg s3  }
0xa9: {  	[dreg:$0x3] =	wrdreg s5  }
0xaa: {  	[dreg:$0x4] =	wrdreg $0xC0  }
0xab: {  	_ =	task [dreg:s7], $0x5FFFF  }
0xac: {  	[dreg:$0x1] =	wrdreg $0xFFFFFFFF  }
0xad: {  	[dreg:$0x0] =	wrdreg $0x60  }
0xae: {  	[dreg:$0x2] =	wrdreg s24  }
0xaf: {  	[dreg:$0x3] =	wrdreg s2  }
0xb0: {  	[dreg:$0x4] =	wrdreg $0x0  }
0xb1: {  	[dreg:$0x5] =	wrdreg $0x19000  }
0xb2: {  	[dreg:$0x6] =	wrdreg $0x9  }
0xb3: {  	_ =	task.clear_ibuf [dreg:s7], $0x7FFFF;
	_ =	strace $0x90000049  }
0xb4: {  	s29 =	simm.s32 $0x9;
	_ =	strace $0x8000004B  }
0xb5: {  	_ =	swait.ge [sflag:s29], $0x1  }
0xb6: {  	[sflag:s29] =	ssyncadd.s32 $0xFFFFFFFF  }
0xb7: {  	_ =	strace $0x9000004B  }
0xb8: {  	_ =	sfence  }
0xb9: {  	s30 =	sld [smem:$0x0];
	_ =	sdelay $0x2  }
0xba: {  	s31 =	sshll.u32 s1, $0xD;
	s1 =	sshrl.u32 s1, $0x2  }
0xbb: {  	s3 =	sand.u32 $0x4000, s31;
	s1 =	sadd.s32 s1, s30  }
0xbc: {  	s0 =	sor.u32 s3, s0;
	s1 =	sshll.u32 s1, $0x11  }
0xbd: {  	s0 =	sor.u32 s1, s0  }
0xbe: {  	s0 =	sadd.s32 $0x8F2B, s0  }
0xbf: {  	[sflag:s0] =	ssyncadd.remote.s32 $0x1  }
0xc0: {  	_ =	sfence.sel $0xFFFF  }
0xc1: {  	[dreg:$0x0] =	wrdreg $0xFFFFFFFF;
	(pc) =	sbr.abs _section_cstart, $3  }
0xc2: {  	[dreg:$0x1] =	wrdreg $0xFFFFFFFF  }
0xc3: {  	_ =	task.clear_ibuf [dreg:s7], $0x2FFFF;
	_ =	strace $0x9FFFFFFF  }
0xc4: {  	(tm) =	ssettm $0x7FFFFFFF  }
0xc5: {  	_ =	shalt  }
tec
execute0_lowered:
.L_overlay_start_1:
0x0: {  	(tag) =	ssettag $0x1  }
0x1: {  	s0 =	rddreg [dreg:$0x0]  }
0x2: {  	s1 =	rddreg [dreg:$0x1]  }
0x3: {  	s3 =	rddreg [dreg:$0x2]  }
0x4: {  	s2 =	rddreg [dreg:$0x3]  }
0x5: {  	s15 =	rddreg [dreg:$0x4];
	s4 =	simm.s32 $0x0  }
0x6: {  	s17 =	stileid.u32;
	s14 =	srdreg.scid;
	s28 =	simm.s32 $0x8100  }
0x7: {  	p0 =	por $0x0, $0x0;
	s30 =	simm.s32 $0x20;
	[dreg:$0x5] =	wrdreg s1  }
0x8: {  	s31 =	simm.s32 $0x10;
	[smem:$0x7FF] =	sst s4;
	s6 =	smul.u32 $0x1900, s17  }
0x9: {  	s1 =	sand.u32 $0x1, s14;
	s5 =	sshll.u32 s17, $0x1;
	s7 =	smul.u32 $0x3200, s17  }
0xa: {  	s8 =	sadd.s32 $0x31800, s0;
	s10 =	sadd.s32 $0xA00, s0;
	_ =	strace $0x8000004A  }
0xb: {  	s5 =	sor.u32 s1, s5;
	s9 =	sshll.u32 s1, $0x7;
	s1 =	ssub.s32 $0x2, s1  }
0xc: {  	s5 =	smul.u32 $0xC350, s5;
	s11 =	sshrl.u32 s6, $0x3;
	s7 =	sor.u32 s9, s7  }
0xd: {  	s18 =	sshrl.u32 s1, $0x1;
	s24 =	sadd.s32 s6, s3;
	s13 =	sadd.s32 s6, s2  }
0xe: {  	s16 =	sadd.s32 s11, s0;
	s7 =	sshrl.u32 s7, $0x3;
	s1 =	ssub.s32 s1, s18  }
0xf: {  	s29 =	sshrl.u32 s24, $0x3;
	s24 =	simm.s32 $0x14680;
	s11 =	sshrl.u32 s5, $0x3  }
0x10: {  	s0 =	sadd.s32 s7, s0;
	s9 =	sadd.s32 $0x62600, s16;
	s7 =	sshrl.u32 s13, $0x3  }
0x11: {  	s13 =	simm.s32 $0x6;
	s5 =	sadd.s32 s8, s11;
	s19 =	sadd.s32 s10, s11  }
0x12: {  	[dreg:$0x8] =	wrdreg s9;
	s12 =	sadd.s32 $0x4E2, s11;
	s23 =	sadd.s32 $0x9C4, s11  }
0x13: {  	s14 =	sadd.s32 $0xEA6, s11;
	s18 =	sadd.s32 $0x1388, s11;
	[dreg:$0x6] =	wrdreg s5  }
0x14: {  	s6 =	sadd.s32 $0x65800, s0;
	s11 =	simm.s32 $0x4;
	[dreg:$0x7] =	wrdreg s19  }
0x15: {  	s5 =	sshll.u32 s17, $0x6;
	s21 =	sadd.s32 s8, s12;
	s22 =	sadd.s32 s10, s12  }
0x16: {  	s26 =	sadd.s32 s8, s23;
	s9 =	sadd.s32 s10, s23;
	[dreg:$0xa] =	wrdreg s21  }
0x17: {  	s16 =	sadd.s32 s8, s14;
	s25 =	sadd.s32 s10, s14;
	[dreg:$0xb] =	wrdreg s22  }
0x18: {  	s19 =	smax.u32 s1, $0x1;
	s23 =	simm.s32 $0x3200;
	[dreg:$0xc] =	wrdreg s26  }
0x19: {  	s12 =	simm.s32 $0x2710;
	s14 =	simm.s32 $0x11F00;
	[dreg:$0xd] =	wrdreg s9  }
0x1a: {  	s20 =	sor.u32 $0x1C02, s5;
	[dreg:$0xe] =	wrdreg s16;
	p1 =	sne.s32 s19, $0x1  }
.Ltmp0:
0x1b: {  	s21 =	sadd.s32 s10, s18;
	s9 =	simm.s32 $0x2;
	(pc) =	sbr.rel @!p1 .LBB2_5-.Ltmp0, $4  }
0x1c: {  	s22 =	simm.s32 $0x3;
	s16 =	simm.s32 $0x5980;
	s10 =	simm.s32 $0xD000  }
0x1d: {  	s26 =	simm.s32 $0xF780;
	s0 =	sadd.s32 $0xFFFFFFFF, s19;
	[dreg:$0xf] =	wrdreg s5  }
0x1e: {  	s19 =	simm.s32 $0x5;
	[dreg:$0x9] =	wrdreg s20;
	s20 =	sadd.s32 s8, s18  }
0x1f: {  	s18 =	simm.s32 $0xA880;
	s8 =	simm.s32 $0x1;
	s1 =	rddreg [dreg:$0x9]  }
0x20: {  	s30 =	rddreg [dreg:$0x6]  }
0x21: {  	s31 =	rddreg [dreg:$0x7]  }
0x22: {  	[tilespmem:s23], [sflag:$0x1] =	stream.linear.gather [hbm4b:s30+s4], $0x2710, $0x38;
	[tilespmem:$0x16E00] =	vst v63  }
0x23: {  	s30 =	rddreg [dreg:$0x8]  }
0x24: {  	[tilespmem:s18], [sflag:$0x1] =	stream.linear.gather [hbm4b:s31+s4], $0x2710, $0x38;
	[tilespmem:$0x16E00] =	vst v63  }
0x25: {  	[spmem:s29], [sflag:s1] =	dma.local [hbm:s30], $0x320  }
0x26: {  	s30 =	sor.u32 $0x1C03, s5;
	s1 =	rddreg [dreg:$0x5]  }
0x27: {  	[spmem:s7], [sflag:s30] =	dma.local [hbm:s1], $0x320  }
0x28: {  	_ =	swait.ge [sflag:s9], $0x320  }
0x29: {  	[sflag:s9] =	ssyncset.done $0x0  }
0x2a: {  	[sflag:s9] =	ssyncadd.s32 $0xFFFFFCE0  }
0x2b: {  	_ =	swait.ge [sflag:s22], $0x320  }
0x2c: {  	[sflag:s22] =	ssyncset.done $0x0  }
0x2d: {  	[sflag:s22] =	ssyncadd.s32 $0xFFFFFCE0  }
0x2e: {  	[bflag:$0x0] =	sbarrier.arrive $0xFFFF  }
0x2f: {  	_ =	swait.ge [sflag:s8], $0x2710  }
0x30: {  	[sflag:s8] =	ssyncset.done $0x0  }
0x31: {  	[sflag:s8] =	ssyncadd.s32 $0xFFFFD8F0  }
0x32: {  	_ =	swait.ge [sflag:s8], $0x2710  }
0x33: {  	[sflag:s8] =	ssyncset.done $0x0  }
0x34: {  	s1 =	rddreg [dreg:$0xa];
	[sflag:s8] =	ssyncadd.s32 $0xFFFFD8F0  }
0x35: {  	[tilespmem:s16], [sflag:$0x1] =	stream.linear.gather [hbm4b:s1+s4], $0x2710, $0x38;
	[tilespmem:$0x16E00] =	vst v63  }
0x36: {  	s31 =	rddreg [dreg:$0xb]  }
0x37: {  	[tilespmem:s10], [sflag:$0x1] =	stream.linear.gather [hbm4b:s31+s4], $0x2710, $0x38;
	[tilespmem:$0x16E00] =	vst v63  }
0x38: {  	_ = 	snop  }
0x39: {  	[tilespmem:s14], [sflag:$0x2] =	stream.indirect.gather [spmem:s3], $0x1, s23, s12, $0xb8;
	[tilespmem:$0x16E00] =	vst v63  }
0x3a: {  	_ =	swait.ge [sflag:s9], $0x2710  }
0x3b: {  	[sflag:s9] =	ssyncset.done $0x0  }
0x3c: {  	[sflag:s9] =	ssyncadd.s32 $0xFFFFD8F0  }
0x3d: {  	[spmem:s2] =	stream.indirect.scatter.add.f32 [tilespmem:s14], [sflag:$0x4], $0x1, s18, s12, $0xb8;
	[tilespmem:$0x16E00] =	vst v63  }
0x3e: {  	_ =	swait.ge [sflag:s8], $0x2710  }
0x3f: {  	[sflag:s8] =	ssyncset.done $0x0  }
0x40: {  	[sflag:s8] =	ssyncadd.s32 $0xFFFFD8F0  }
0x41: {  	_ =	swait.ge [sflag:s8], $0x2710  }
0x42: {  	[sflag:s8] =	ssyncset.done $0x0  }
0x43: {  	s1 =	rddreg [dreg:$0xc];
	[sflag:s8] =	ssyncadd.s32 $0xFFFFD8F0  }
0x44: {  	[tilespmem:s28], [sflag:$0x1] =	stream.linear.gather [hbm4b:s1+s4], $0x2710, $0x38;
	[tilespmem:$0x16E00] =	vst v63  }
0x45: {  	s31 =	rddreg [dreg:$0xd]  }
0x46: {  	[tilespmem:s26], [sflag:$0x1] =	stream.linear.gather [hbm4b:s31+s4], $0x2710, $0x38;
	[tilespmem:$0x16E00] =	vst v63  }
0x47: {  	_ = 	snop  }
0x48: {  	[tilespmem:s24], [sflag:$0x3] =	stream.indirect.gather [spmem:s3], $0x1, s16, s12, $0xb8;
	[tilespmem:$0x16E00] =	vst v63  }
0x49: {  	_ =	swait.ge [sflag:s11], $0x2710  }
0x4a: {  	[sflag:s11] =	ssyncset.done $0x0  }
0x4b: {  	[sflag:s11] =	ssyncadd.s32 $0xFFFFD8F0  }
0x4c: {  	_ =	swait.ge [sflag:s22], $0x2710  }
0x4d: {  	[sflag:s22] =	ssyncset.done $0x0  }
0x4e: {  	[sflag:s22] =	ssyncadd.s32 $0xFFFFD8F0  }
0x4f: {  	[spmem:s2] =	stream.indirect.scatter.add.f32 [tilespmem:s24], [sflag:$0x5], $0x1, s10, s12, $0xb8;
	[tilespmem:$0x16E00] =	vst v63  }
0x50: {  	_ =	swait.ge [sflag:s8], $0x2710  }
0x51: {  	[sflag:s8] =	ssyncset.done $0x0  }
0x52: {  	[sflag:s8] =	ssyncadd.s32 $0xFFFFD8F0  }
0x53: {  	_ =	swait.ge [sflag:s8], $0x2710  }
0x54: {  	[sflag:s8] =	ssyncset.done $0x0  }
0x55: {  	s1 =	rddreg [dreg:$0xe];
	[sflag:s8] =	ssyncadd.s32 $0xFFFFD8F0  }
0x56: {  	[tilespmem:s23], [sflag:$0x1] =	stream.linear.gather [hbm4b:s1+s4], $0x2710, $0x38;
	[tilespmem:$0x16E00] =	vst v63  }
0x57: {  	_ = 	snop  }
0x58: {  	[tilespmem:s18], [sflag:$0x1] =	stream.linear.gather [hbm4b:s25+s4], $0x2710, $0x38;
	[tilespmem:$0x16E00] =	vst v63  }
0x59: {  	_ = 	snop  }
0x5a: {  	[tilespmem:s14], [sflag:$0x2] =	stream.indirect.gather [spmem:s3], $0x1, s28, s12, $0xb8;
	[tilespmem:$0x16E00] =	vst v63  }
0x5b: {  	_ =	swait.ge [sflag:s19], $0x2710  }
0x5c: {  	[sflag:s19] =	ssyncset.done $0x0  }
0x5d: {  	[sflag:s19] =	ssyncadd.s32 $0xFFFFD8F0  }
0x5e: {  	_ =	swait.ge [sflag:s9], $0x2710  }
0x5f: {  	[sflag:s9] =	ssyncset.done $0x0  }
0x60: {  	[sflag:s9] =	ssyncadd.s32 $0xFFFFD8F0  }
0x61: {  	[spmem:s2] =	stream.indirect.scatter.add.f32 [tilespmem:s14], [sflag:$0x4], $0x1, s26, s12, $0xb8;
	[tilespmem:$0x16E00] =	vst v63  }
0x62: {  	_ =	swait.ge [sflag:s8], $0x2710  }
0x63: {  	[sflag:s8] =	ssyncset.done $0x0  }
0x64: {  	[sflag:s8] =	ssyncadd.s32 $0xFFFFD8F0  }
0x65: {  	_ =	swait.ge [sflag:s8], $0x2710  }
0x66: {  	[sflag:s8] =	ssyncset.done $0x0  }
0x67: {  	[sflag:s8] =	ssyncadd.s32 $0xFFFFD8F0  }
0x68: {  	[tilespmem:s16], [sflag:$0x1] =	stream.linear.gather [hbm4b:s20+s4], $0x2710, $0x38;
	[tilespmem:$0x16E00] =	vst v63  }
0x69: {  	_ = 	snop  }
0x6a: {  	[tilespmem:s10], [sflag:$0x1] =	stream.linear.gather [hbm4b:s21+s4], $0x2710, $0x38;
	[tilespmem:$0x16E00] =	vst v63  }
0x6b: {  	_ = 	snop  }
0x6c: {  	[tilespmem:s24], [sflag:$0x3] =	stream.indirect.gather [spmem:s3], $0x1, s23, s12, $0xb8;
	[tilespmem:$0x16E00] =	vst v63  }
0x6d: {  	_ =	swait.ge [sflag:s11], $0x2710  }
0x6e: {  	[sflag:s11] =	ssyncset.done $0x0  }
0x6f: {  	[sflag:s11] =	ssyncadd.s32 $0xFFFFD8F0  }
0x70: {  	_ =	swait.ge [sflag:s22], $0x2710  }
0x71: {  	[sflag:s22] =	ssyncset.done $0x0  }
0x72: {  	[sflag:s22] =	ssyncadd.s32 $0xFFFFD8F0  }
0x73: {  	[spmem:s2] =	stream.indirect.scatter.add.f32 [tilespmem:s24], [sflag:$0x5], $0x1, s18, s12, $0xb8;
	[tilespmem:$0x16E00] =	vst v63  }
0x74: {  	_ =	swait.ge [sflag:s8], $0x2710  }
0x75: {  	[sflag:s8] =	ssyncset.done $0x0  }
0x76: {  	[sflag:s8] =	ssyncadd.s32 $0xFFFFD8F0  }
0x77: {  	_ =	swait.ge [sflag:s8], $0x2710  }
0x78: {  	[sflag:s8] =	ssyncset.done $0x0  }
0x79: {  	[sflag:s8] =	ssyncadd.s32 $0xFFFFD8F0  }
0x7a: {  	[tilespmem:s14], [sflag:$0x2] =	stream.indirect.gather [spmem:s3], $0x1, s16, s12, $0xb8;
	[tilespmem:$0x16E00] =	vst v63  }
0x7b: {  	_ =	swait.ge [sflag:s9], $0x2710  }
0x7c: {  	[sflag:s9] =	ssyncset.done $0x0  }
0x7d: {  	[sflag:s9] =	ssyncadd.s32 $0xFFFFD8F0  }
0x7e: {  	[spmem:s2] =	stream.indirect.scatter.add.f32 [tilespmem:s14], [sflag:$0x4], $0x1, s10, s12, $0xb8;
	[tilespmem:$0x16E00] =	vst v63  }
0x7f: {  	_ =	swait.ge [sflag:s19], $0x2710  }
0x80: {  	[sflag:s19] =	ssyncset.done $0x0  }
0x81: {  	[sflag:s19] =	ssyncadd.s32 $0xFFFFD8F0  }
0x82: {  	_ =	swait.ge [sflag:s11], $0x2710  }
0x83: {  	p1 =	sne.s32 s0, $0x1;
	[sflag:s11] =	ssyncset.done $0x0  }
.Ltmp1:
0x84: {  	s15 =	simm.s32 $0x20;
	[sflag:s11] =	ssyncadd.s32 $0xFFFFD8F0;
	(pc) =	sbr.rel @!p1 .LBB2_2-.Ltmp1, $4  }
0x85: {  	s17 =	simm.s32 $0x10;
	s31 =	sor.u32 $0x1C06, s5;
	[bflag:$0x0] =	sbarrier.arrive $0xFFFF  }
0x86: {  	[hbm:s6@s15], [sflag:s31] =	dma.strided [spmem:s7@s17], $0x320, s8, $0x10   }
0x87: {  	s0 =	sadd.s32 $0xFFFFFFFF, s0;
	_ =	swait.ge [sflag:s13], $0x320  }
0x88: {  	p0 =	por $0x1, $0x1;
	s1 =	rddreg [dreg:$0x9];
	[sflag:s13] =	ssyncset.done $0x0  }
.LBB2_3:
0x89: {  	s5 =	rddreg [dreg:$0x6]  }
0x8a: {  	[sflag:s13] =	ssyncadd.s32 $0xFFFFFCE0;
	s15 =	rddreg [dreg:$0x8]  }
0x8b: {  	[tilespmem:s23], [sflag:$0x1] =	stream.linear.gather [hbm4b:s5+s4], $0x2710, $0x38;
	[tilespmem:$0x16E00] =	vst v63  }
0x8c: {  	s17 =	rddreg [dreg:$0x7]  }
0x8d: {  	[tilespmem:s18], [sflag:$0x1] =	stream.linear.gather [hbm4b:s17+s4], $0x2710, $0x38;
	[tilespmem:$0x16E00] =	vst v63  }
0x8e: {  	[spmem:s29], [sflag:s1] =	dma.local [hbm:s15], $0x320  }
0x8f: {  	s1 =	rddreg [dreg:$0x5]  }
0x90: {  	[spmem:s7], [sflag:s30] =	dma.local [hbm:s1], $0x320  }
0x91: {  	_ =	swait.ge [sflag:s9], $0x320  }
0x92: {  	[sflag:s9] =	ssyncset.done $0x0  }
0x93: {  	[sflag:s9] =	ssyncadd.s32 $0xFFFFFCE0  }
0x94: {  	_ =	swait.ge [sflag:s22], $0x320  }
0x95: {  	[sflag:s22] =	ssyncset.done $0x0  }
0x96: {  	[sflag:s22] =	ssyncadd.s32 $0xFFFFFCE0  }
0x97: {  	[bflag:$0x0] =	sbarrier.arrive $0xFFFF  }
0x98: {  	_ =	swait.ge [sflag:s8], $0x2710  }
0x99: {  	[sflag:s8] =	ssyncset.done $0x0  }
0x9a: {  	[sflag:s8] =	ssyncadd.s32 $0xFFFFD8F0  }
0x9b: {  	_ =	swait.ge [sflag:s8], $0x2710  }
0x9c: {  	[sflag:s8] =	ssyncset.done $0x0  }
0x9d: {  	s15 =	rddreg [dreg:$0xa];
	[sflag:s8] =	ssyncadd.s32 $0xFFFFD8F0  }
0x9e: {  	[tilespmem:s16], [sflag:$0x1] =	stream.linear.gather [hbm4b:s15+s4], $0x2710, $0x38;
	[tilespmem:$0x16E00] =	vst v63  }
0x9f: {  	s17 =	rddreg [dreg:$0xb]  }
0xa0: {  	[tilespmem:s10], [sflag:$0x1] =	stream.linear.gather [hbm4b:s17+s4], $0x2710, $0x38;
	[tilespmem:$0x16E00] =	vst v63  }
0xa1: {  	_ = 	snop  }
0xa2: {  	[tilespmem:s14], [sflag:$0x2] =	stream.indirect.gather [spmem:s3], $0x1, s23, s12, $0xb8;
	[tilespmem:$0x16E00] =	vst v63  }
0xa3: {  	_ =	swait.ge [sflag:s9], $0x2710  }
0xa4: {  	[sflag:s9] =	ssyncset.done $0x0  }
0xa5: {  	[sflag:s9] =	ssyncadd.s32 $0xFFFFD8F0  }
0xa6: {  	[spmem:s2] =	stream.indirect.scatter.add.f32 [tilespmem:s14], [sflag:$0x4], $0x1, s18, s12, $0xb8;
	[tilespmem:$0x16E00] =	vst v63  }
0xa7: {  	_ =	swait.ge [sflag:s8], $0x2710  }
0xa8: {  	[sflag:s8] =	ssyncset.done $0x0  }
0xa9: {  	[sflag:s8] =	ssyncadd.s32 $0xFFFFD8F0  }
0xaa: {  	_ =	swait.ge [sflag:s8], $0x2710  }
0xab: {  	[sflag:s8] =	ssyncset.done $0x0  }
0xac: {  	s15 =	rddreg [dreg:$0xc];
	[sflag:s8] =	ssyncadd.s32 $0xFFFFD8F0  }
0xad: {  	[tilespmem:s28], [sflag:$0x1] =	stream.linear.gather [hbm4b:s15+s4], $0x2710, $0x38;
	[tilespmem:$0x16E00] =	vst v63  }
0xae: {  	s17 =	rddreg [dreg:$0xd]  }
0xaf: {  	[tilespmem:s26], [sflag:$0x1] =	stream.linear.gather [hbm4b:s17+s4], $0x2710, $0x38;
	[tilespmem:$0x16E00] =	vst v63  }
0xb0: {  	_ = 	snop  }
0xb1: {  	[tilespmem:s24], [sflag:$0x3] =	stream.indirect.gather [spmem:s3], $0x1, s16, s12, $0xb8;
	[tilespmem:$0x16E00] =	vst v63  }
0xb2: {  	_ =	swait.ge [sflag:s11], $0x2710  }
0xb3: {  	[sflag:s11] =	ssyncset.done $0x0  }
0xb4: {  	[sflag:s11] =	ssyncadd.s32 $0xFFFFD8F0  }
0xb5: {  	_ =	swait.ge [sflag:s22], $0x2710  }
0xb6: {  	[sflag:s22] =	ssyncset.done $0x0  }
0xb7: {  	[sflag:s22] =	ssyncadd.s32 $0xFFFFD8F0  }
0xb8: {  	[spmem:s2] =	stream.indirect.scatter.add.f32 [tilespmem:s24], [sflag:$0x5], $0x1, s10, s12, $0xb8;
	[tilespmem:$0x16E00] =	vst v63  }
0xb9: {  	_ =	swait.ge [sflag:s8], $0x2710  }
0xba: {  	[sflag:s8] =	ssyncset.done $0x0  }
0xbb: {  	[sflag:s8] =	ssyncadd.s32 $0xFFFFD8F0  }
0xbc: {  	_ =	swait.ge [sflag:s8], $0x2710  }
0xbd: {  	[sflag:s8] =	ssyncset.done $0x0  }
0xbe: {  	s5 =	rddreg [dreg:$0xe];
	[sflag:s8] =	ssyncadd.s32 $0xFFFFD8F0  }
0xbf: {  	[tilespmem:s23], [sflag:$0x1] =	stream.linear.gather [hbm4b:s5+s4], $0x2710, $0x38;
	[tilespmem:$0x16E00] =	vst v63  }
0xc0: {  	_ = 	snop  }
0xc1: {  	[tilespmem:s18], [sflag:$0x1] =	stream.linear.gather [hbm4b:s25+s4], $0x2710, $0x38;
	[tilespmem:$0x16E00] =	vst v63  }
0xc2: {  	_ = 	snop  }
0xc3: {  	[tilespmem:s14], [sflag:$0x2] =	stream.indirect.gather [spmem:s3], $0x1, s28, s12, $0xb8;
	[tilespmem:$0x16E00] =	vst v63  }
0xc4: {  	_ =	swait.ge [sflag:s19], $0x2710  }
0xc5: {  	[sflag:s19] =	ssyncset.done $0x0  }
0xc6: {  	[sflag:s19] =	ssyncadd.s32 $0xFFFFD8F0  }
0xc7: {  	_ =	swait.ge [sflag:s9], $0x2710  }
0xc8: {  	[sflag:s9] =	ssyncset.done $0x0  }
0xc9: {  	[sflag:s9] =	ssyncadd.s32 $0xFFFFD8F0  }
0xca: {  	[spmem:s2] =	stream.indirect.scatter.add.f32 [tilespmem:s14], [sflag:$0x4], $0x1, s26, s12, $0xb8;
	[tilespmem:$0x16E00] =	vst v63  }
0xcb: {  	_ =	swait.ge [sflag:s8], $0x2710  }
0xcc: {  	[sflag:s8] =	ssyncset.done $0x0  }
0xcd: {  	[sflag:s8] =	ssyncadd.s32 $0xFFFFD8F0  }
0xce: {  	_ =	swait.ge [sflag:s8], $0x2710  }
0xcf: {  	[sflag:s8] =	ssyncset.done $0x0  }
0xd0: {  	[sflag:s8] =	ssyncadd.s32 $0xFFFFD8F0  }
0xd1: {  	[tilespmem:s16], [sflag:$0x1] =	stream.linear.gather [hbm4b:s20+s4], $0x2710, $0x38;
	[tilespmem:$0x16E00] =	vst v63  }
0xd2: {  	_ = 	snop  }
0xd3: {  	[tilespmem:s10], [sflag:$0x1] =	stream.linear.gather [hbm4b:s21+s4], $0x2710, $0x38;
	[tilespmem:$0x16E00] =	vst v63  }
0xd4: {  	_ = 	snop  }
0xd5: {  	[tilespmem:s24], [sflag:$0x3] =	stream.indirect.gather [spmem:s3], $0x1, s23, s12, $0xb8;
	[tilespmem:$0x16E00] =	vst v63  }
0xd6: {  	_ =	swait.ge [sflag:s11], $0x2710  }
0xd7: {  	[sflag:s11] =	ssyncset.done $0x0  }
0xd8: {  	[sflag:s11] =	ssyncadd.s32 $0xFFFFD8F0  }
0xd9: {  	_ =	swait.ge [sflag:s22], $0x2710  }
0xda: {  	[sflag:s22] =	ssyncset.done $0x0  }
0xdb: {  	[sflag:s22] =	ssyncadd.s32 $0xFFFFD8F0  }
0xdc: {  	[spmem:s2] =	stream.indirect.scatter.add.f32 [tilespmem:s24], [sflag:$0x5], $0x1, s18, s12, $0xb8;
	[tilespmem:$0x16E00] =	vst v63  }
0xdd: {  	_ =	swait.ge [sflag:s8], $0x2710  }
0xde: {  	[sflag:s8] =	ssyncset.done $0x0  }
0xdf: {  	[sflag:s8] =	ssyncadd.s32 $0xFFFFD8F0  }
0xe0: {  	_ =	swait.ge [sflag:s8], $0x2710  }
0xe1: {  	[sflag:s8] =	ssyncset.done $0x0  }
0xe2: {  	[sflag:s8] =	ssyncadd.s32 $0xFFFFD8F0  }
0xe3: {  	[tilespmem:s14], [sflag:$0x2] =	stream.indirect.gather [spmem:s3], $0x1, s16, s12, $0xb8;
	[tilespmem:$0x16E00] =	vst v63  }
0xe4: {  	_ =	swait.ge [sflag:s9], $0x2710  }
0xe5: {  	[sflag:s9] =	ssyncset.done $0x0  }
0xe6: {  	[sflag:s9] =	ssyncadd.s32 $0xFFFFD8F0  }
0xe7: {  	[spmem:s2] =	stream.indirect.scatter.add.f32 [tilespmem:s14], [sflag:$0x4], $0x1, s10, s12, $0xb8;
	[tilespmem:$0x16E00] =	vst v63  }
0xe8: {  	_ =	swait.ge [sflag:s19], $0x2710  }
0xe9: {  	[sflag:s19] =	ssyncset.done $0x0  }
0xea: {  	[sflag:s19] =	ssyncadd.s32 $0xFFFFD8F0  }
0xeb: {  	_ =	swait.ge [sflag:s11], $0x2710  }
0xec: {  	p1 =	sne.s32 s0, $0x1;
	[sflag:s11] =	ssyncset.done $0x0  }
.Ltmp2:
0xed: {  	[sflag:s11] =	ssyncadd.s32 $0xFFFFD8F0;
	(pc) =	sbr.rel @p1 .LBB2_3-.Ltmp2, $4  }
0xee: {  	s15 =	simm.s32 $0x20;
	s17 =	simm.s32 $0x10;
	[bflag:$0x0] =	sbarrier.arrive $0xFFFF  }
0xef: {  	[hbm:s6@s15], [sflag:s31] =	dma.strided [spmem:s7@s17], $0x320, s8, $0x10   }
0xf0: {  	_ =	swait.ge [sflag:s13], $0x320  }
0xf1: {  	s0 =	sadd.s32 $0xFFFFFFFF, s0;
	s1 =	rddreg [dreg:$0x9];
	[sflag:s13] =	ssyncset.done $0x0  }
0xf2: {  	s15 =	rddreg [dreg:$0x4]  }
0xf3: {  	s17 =	stileid.u32;
	s30 =	simm.s32 $0x20;
	s31 =	simm.s32 $0x10  }
.LBB2_5:
0xf4: {  	s0 =	rddreg [dreg:$0x6]  }
0xf5: {  	[sflag:s13] =	ssyncadd.s32 @p0 $0xFFFFFCE0;
	s5 =	rddreg [dreg:$0x8]  }
0xf6: {  	[tilespmem:s23], [sflag:$0x1] =	stream.linear.gather [hbm4b:s0+s4], $0x2710, $0x38;
	[tilespmem:$0x16E00] =	vst v63  }
0xf7: {  	s0 =	rddreg [dreg:$0x7]  }
0xf8: {  	[tilespmem:s18], [sflag:$0x1] =	stream.linear.gather [hbm4b:s0+s4], $0x2710, $0x38;
	[tilespmem:$0x16E00] =	vst v63  }
0xf9: {  	[spmem:s29], [sflag:s1] =	dma.local [hbm:s5], $0x320  }
0xfa: {  	s5 =	rddreg [dreg:$0xf]  }
0xfb: {  	s1 =	rddreg [dreg:$0x5];
	s29 =	sor.u32 $0x1C03, s5  }
0xfc: {  	[spmem:s7], [sflag:s29] =	dma.local [hbm:s1], $0x320  }
0xfd: {  	_ =	swait.ge [sflag:s9], $0x320  }
0xfe: {  	[sflag:s9] =	ssyncset.done $0x0  }
0xff: {  	[sflag:s9] =	ssyncadd.s32 $0xFFFFFCE0  }
0x100: {  	_ =	swait.ge [sflag:s22], $0x320  }
0x101: {  	[sflag:s22] =	ssyncset.done $0x0  }
0x102: {  	[sflag:s22] =	ssyncadd.s32 $0xFFFFFCE0  }
0x103: {  	[bflag:$0x0] =	sbarrier.arrive $0xFFFF  }
0x104: {  	_ =	swait.ge [sflag:s8], $0x2710  }
0x105: {  	[sflag:s8] =	ssyncset.done $0x0  }
0x106: {  	[sflag:s8] =	ssyncadd.s32 $0xFFFFD8F0  }
0x107: {  	_ =	swait.ge [sflag:s8], $0x2710  }
0x108: {  	[sflag:s8] =	ssyncset.done $0x0  }
0x109: {  	s1 =	rddreg [dreg:$0xa];
	[sflag:s8] =	ssyncadd.s32 $0xFFFFD8F0  }
0x10a: {  	[tilespmem:s16], [sflag:$0x1] =	stream.linear.gather [hbm4b:s1+s4], $0x2710, $0x38;
	[tilespmem:$0x16E00] =	vst v63  }
0x10b: {  	s29 =	rddreg [dreg:$0xb]  }
0x10c: {  	[tilespmem:s10], [sflag:$0x1] =	stream.linear.gather [hbm4b:s29+s4], $0x2710, $0x38;
	[tilespmem:$0x16E00] =	vst v63  }
0x10d: {  	_ = 	snop  }
0x10e: {  	[tilespmem:s14], [sflag:$0x2] =	stream.indirect.gather [spmem:s3], $0x1, s23, s12, $0xb8;
	[tilespmem:$0x16E00] =	vst v63  }
0x10f: {  	_ =	swait.ge [sflag:s9], $0x2710  }
0x110: {  	[sflag:s9] =	ssyncset.done $0x0  }
0x111: {  	[sflag:s9] =	ssyncadd.s32 $0xFFFFD8F0  }
0x112: {  	[spmem:s2] =	stream.indirect.scatter.add.f32 [tilespmem:s14], [sflag:$0x4], $0x1, s18, s12, $0xb8;
	[tilespmem:$0x16E00] =	vst v63  }
0x113: {  	_ =	swait.ge [sflag:s8], $0x2710  }
0x114: {  	[sflag:s8] =	ssyncset.done $0x0  }
0x115: {  	[sflag:s8] =	ssyncadd.s32 $0xFFFFD8F0  }
0x116: {  	_ =	swait.ge [sflag:s8], $0x2710  }
0x117: {  	[sflag:s8] =	ssyncset.done $0x0  }
0x118: {  	s1 =	rddreg [dreg:$0xc];
	[sflag:s8] =	ssyncadd.s32 $0xFFFFD8F0  }
0x119: {  	[tilespmem:s28], [sflag:$0x1] =	stream.linear.gather [hbm4b:s1+s4], $0x2710, $0x38;
	[tilespmem:$0x16E00] =	vst v63  }
0x11a: {  	s29 =	rddreg [dreg:$0xd]  }
0x11b: {  	[tilespmem:s26], [sflag:$0x1] =	stream.linear.gather [hbm4b:s29+s4], $0x2710, $0x38;
	[tilespmem:$0x16E00] =	vst v63  }
0x11c: {  	_ = 	snop  }
0x11d: {  	[tilespmem:s24], [sflag:$0x3] =	stream.indirect.gather [spmem:s3], $0x1, s16, s12, $0xb8;
	[tilespmem:$0x16E00] =	vst v63  }
0x11e: {  	_ =	swait.ge [sflag:s11], $0x2710  }
0x11f: {  	[sflag:s11] =	ssyncset.done $0x0  }
0x120: {  	[sflag:s11] =	ssyncadd.s32 $0xFFFFD8F0  }
0x121: {  	_ =	swait.ge [sflag:s22], $0x2710  }
0x122: {  	[sflag:s22] =	ssyncset.done $0x0  }
0x123: {  	[sflag:s22] =	ssyncadd.s32 $0xFFFFD8F0  }
0x124: {  	[spmem:s2] =	stream.indirect.scatter.add.f32 [tilespmem:s24], [sflag:$0x5], $0x1, s10, s12, $0xb8;
	[tilespmem:$0x16E00] =	vst v63  }
0x125: {  	_ =	swait.ge [sflag:s8], $0x2710  }
0x126: {  	[sflag:s8] =	ssyncset.done $0x0  }
0x127: {  	[sflag:s8] =	ssyncadd.s32 $0xFFFFD8F0  }
0x128: {  	_ =	swait.ge [sflag:s8], $0x2710  }
0x129: {  	[sflag:s8] =	ssyncset.done $0x0  }
0x12a: {  	s1 =	rddreg [dreg:$0xe];
	[sflag:s8] =	ssyncadd.s32 $0xFFFFD8F0  }
0x12b: {  	[tilespmem:s23], [sflag:$0x1] =	stream.linear.gather [hbm4b:s1+s4], $0x2710, $0x38;
	[tilespmem:$0x16E00] =	vst v63  }
0x12c: {  	_ = 	snop  }
0x12d: {  	[tilespmem:s18], [sflag:$0x1] =	stream.linear.gather [hbm4b:s25+s4], $0x2710, $0x38;
	[tilespmem:$0x16E00] =	vst v63  }
0x12e: {  	_ = 	snop  }
0x12f: {  	[tilespmem:s14], [sflag:$0x2] =	stream.indirect.gather [spmem:s3], $0x1, s28, s12, $0xb8;
	[tilespmem:$0x16E00] =	vst v63  }
0x130: {  	_ =	swait.ge [sflag:s19], $0x2710  }
0x131: {  	[sflag:s19] =	ssyncset.done $0x0  }
0x132: {  	[sflag:s19] =	ssyncadd.s32 $0xFFFFD8F0  }
0x133: {  	_ =	swait.ge [sflag:s9], $0x2710  }
0x134: {  	[sflag:s9] =	ssyncset.done $0x0  }
0x135: {  	[sflag:s9] =	ssyncadd.s32 $0xFFFFD8F0  }
0x136: {  	[spmem:s2] =	stream.indirect.scatter.add.f32 [tilespmem:s14], [sflag:$0x4], $0x1, s26, s12, $0xb8;
	[tilespmem:$0x16E00] =	vst v63  }
0x137: {  	_ =	swait.ge [sflag:s8], $0x2710  }
0x138: {  	[sflag:s8] =	ssyncset.done $0x0  }
0x139: {  	[sflag:s8] =	ssyncadd.s32 $0xFFFFD8F0  }
0x13a: {  	_ =	swait.ge [sflag:s8], $0x2710  }
0x13b: {  	[sflag:s8] =	ssyncset.done $0x0  }
0x13c: {  	[sflag:s8] =	ssyncadd.s32 $0xFFFFD8F0  }
0x13d: {  	[tilespmem:s16], [sflag:$0x1] =	stream.linear.gather [hbm4b:s20+s4], $0x2710, $0x38;
	[tilespmem:$0x16E00] =	vst v63  }
0x13e: {  	_ = 	snop  }
0x13f: {  	[tilespmem:s10], [sflag:$0x1] =	stream.linear.gather [hbm4b:s21+s4], $0x2710, $0x38;
	[tilespmem:$0x16E00] =	vst v63  }
0x140: {  	_ = 	snop  }
0x141: {  	[tilespmem:s24], [sflag:$0x3] =	stream.indirect.gather [spmem:s3], $0x1, s23, s12, $0xb8;
	[tilespmem:$0x16E00] =	vst v63  }
0x142: {  	_ =	swait.ge [sflag:s11], $0x2710  }
0x143: {  	[sflag:s11] =	ssyncset.done $0x0  }
0x144: {  	[sflag:s11] =	ssyncadd.s32 $0xFFFFD8F0  }
0x145: {  	_ =	swait.ge [sflag:s22], $0x2710  }
0x146: {  	[sflag:s22] =	ssyncset.done $0x0  }
0x147: {  	[sflag:s22] =	ssyncadd.s32 $0xFFFFD8F0  }
0x148: {  	[spmem:s2] =	stream.indirect.scatter.add.f32 [tilespmem:s24], [sflag:$0x5], $0x1, s18, s12, $0xb8;
	[tilespmem:$0x16E00] =	vst v63  }
0x149: {  	_ =	swait.ge [sflag:s8], $0x2710  }
0x14a: {  	[sflag:s8] =	ssyncset.done $0x0  }
0x14b: {  	[sflag:s8] =	ssyncadd.s32 $0xFFFFD8F0  }
0x14c: {  	_ =	swait.ge [sflag:s8], $0x2710  }
0x14d: {  	[sflag:s8] =	ssyncset.done $0x0  }
0x14e: {  	[sflag:s8] =	ssyncadd.s32 $0xFFFFD8F0  }
0x14f: {  	[tilespmem:s14], [sflag:$0x2] =	stream.indirect.gather [spmem:s3], $0x1, s16, s12, $0xb8;
	[tilespmem:$0x16E00] =	vst v63  }
0x150: {  	_ =	swait.ge [sflag:s9], $0x2710  }
0x151: {  	[sflag:s9] =	ssyncset.done $0x0  }
0x152: {  	[sflag:s9] =	ssyncadd.s32 $0xFFFFD8F0  }
0x153: {  	[spmem:s2] =	stream.indirect.scatter.add.f32 [tilespmem:s14], [sflag:$0x4], $0x1, s10, s12, $0xb8;
	[tilespmem:$0x16E00] =	vst v63  }
0x154: {  	_ =	swait.ge [sflag:s19], $0x2710  }
0x155: {  	[sflag:s19] =	ssyncset.done $0x0  }
0x156: {  	[sflag:s19] =	ssyncadd.s32 $0xFFFFD8F0  }
0x157: {  	_ =	swait.ge [sflag:s11], $0x2710  }
0x158: {  	[sflag:s11] =	ssyncset.done $0x0  }
0x159: {  	[sflag:s11] =	ssyncadd.s32 $0xFFFFD8F0  }
0x15a: {  	s29 =	sor.u32 $0x1C06, s5;
	[bflag:$0x0] =	sbarrier.arrive $0xFFFF  }
0x15b: {  	[hbm:s6@s30], [sflag:s29] =	dma.strided [spmem:s7@s31], $0x320, s8, $0x10   }
0x15c: {  	_ =	swait.ge [sflag:s13], $0x320  }
0x15d: {  	[sflag:s13] =	ssyncset.done $0x0  }
0x15e: {  	[sflag:s13] =	ssyncadd.s32 $0xFFFFFCE0  }
0x15f: {  	_ =	sfence.sel $0x180000  }
0x160: {  	[bflag:$0x0] =	sbarrier.arrive $0xFFFF  }
0x161: {  	p0 =	sne.s32 s17, $0x0;
	_ =	strace $0x9000004A  }
0x162: {  	s0 =	sadd.s32 @!p0 $0x100000, s15;
	[bflag:$0x2] =	sbarrier.arrive $0xFFFF  }
0x163: {  	[sflag:s0] =	ssyncadd.tile.s32 @!p0 $0x1;
	_ =	shalt  }
.LBB2_2:
.Ltmp3:
0x164: {  	(pc) =	sbr.rel .LBB2_5-.Ltmp3, $3  }
0x165: {  	_ =	sdelay $0x1  }
0x166: {  	s15 =	rddreg [dreg:$0x4]  }
0x167: {  	s17 =	stileid.u32;
	s30 =	simm.s32 $0x20;
	s31 =	simm.s32 $0x10  }
.Lfunc_end2:
_tile_overlayer_lowered:
.L_overlay_start_2:
0x168: {  	(tag) =	ssettag $0x2  }
0x169: {  	s0 =	rddreg [dreg:$0x0];
	s2 =	stileid.u32  }
0x16a: {  	s1 =	rddreg [dreg:$0x1];
	p0 =	sne.s32 s2, $0x0  }
0x16b: {  	s3 =	rddreg [dreg:$0x2];
	[bflag:$0x3] =	sbarrier.arrive $0xFFFF;
	s2 =	simm.s32 @!p0 $0x1C06  }
0x16c: {  	[timem:s3], [sflag:s2] =	dma.local @!p0 [hbm:s0], s1  }
0x16d: {  	s0 =	simm.s32 @!p0 $0x6  }
0x16e: {  	_ =	swait.ge @!p0 [sflag:s0], s1  }
0x16f: {  	s1 =	ssub.s32 @!p0 $0x0, s1;
	[sflag:s0] =	ssyncset.done @!p0 $0x0  }
0x170: {  	[sflag:s0] =	ssyncadd.s32 @!p0 s1  }
0x171: {  	[bflag:$0x3] =	sbarrier.arrive $0xFFFF  }
0x172: {  	_ =	shalt  }

</sc_bundles>
